<compile_context>
chip_gen: v7x
topology: tpu7x:2x2x1
jax: 0.10.2.dev20260603
libtpu: 0.0.44.dev20260713+nightly
codegen_flags: <defaults>
</compile_context>

<pallas_src>
import functools

import jax
import jax.numpy as jnp
from jax import lax
from jax.experimental import pallas as pl
from jax.experimental.pallas import tpu as pltpu
from jax.experimental.pallas import tpu_sc as plsc

_H = 768
_NS = _H // 16
_EPS = 1e-12
_CHUNK = 32
_T = 2048
_SC_TOK = 2048


def _tc_body(ids_ref, x_ref, table_ref, gamma_ref, beta_ref, out_ref):
    ids = ids_ref[0, 0, :]
    x = x_ref[...]
    table = table_ref[...]
    onehot = (ids[:, None] == jax.lax.broadcasted_iota(jnp.int32, (_T, 4), 1))
    seg = jnp.dot(onehot.astype(jnp.float32), table,
                  preferred_element_type=jnp.float32)
    e = x + seg
    mean = jnp.mean(e, axis=1, keepdims=True)
    d = e - mean
    var = jnp.mean(d * d, axis=1, keepdims=True)
    normed = d * jax.lax.rsqrt(var + _EPS)
    out_ref[...] = normed * gamma_ref[...] + beta_ref[...]


def _lane_shuffle(v, perm):
    dnums = lax.GatherDimensionNumbers(
        offset_dims=(), collapsed_slice_dims=(0,), start_index_map=(0,))
    return lax.gather(v, perm[:, None], dnums, slice_sizes=(1,),
                      mode=lax.GatherScatterMode.PROMISE_IN_BOUNDS)


def _rsqrt16(x):
    s = jnp.ones((16,), jnp.float32)
    for p in (32, 16, 8, 4, 2, 1):
        w = x * s * s
        up = jnp.float32(2.0 ** (2 * p))
        lo = jnp.float32(2.0 ** (2 - 2 * p))
        s = s * jnp.where(w >= up, jnp.float32(2.0 ** (-p)),
                          jnp.where(w < lo, jnp.float32(2.0 ** p),
                                    jnp.float32(1.0)))
    w = x * s * s
    y = jnp.where(w < 2.0, jnp.float32(0.85), jnp.float32(0.6))
    hw = w * -0.5
    for _ in range(5):
        y = y * (hw * y * y + 1.5)
    return y * s


def _sc_body(x_hbm, ids_hbm, table_hbm, gamma_hbm, beta_hbm, out_hbm,
             ids_v, x_v, seg_v, o_v, gamma_v, beta_v, sem):
    n_tok = x_hbm.shape[0]
    wid = lax.axis_index("s") * 2 + lax.axis_index("c")
    per_w = n_tok // 32
    n_chunks = per_w // _CHUNK

    pltpu.sync_copy(gamma_hbm, gamma_v)
    pltpu.sync_copy(beta_hbm, beta_v)

    def chunk_body(k, _):
        base = wid * per_w + k * _CHUNK
        pltpu.sync_copy(ids_hbm.at[pl.ds(base, _CHUNK)], ids_v)
        pltpu.async_copy(table_hbm.at[ids_v], seg_v, sem).wait()
        pltpu.sync_copy(x_hbm.at[pl.ds(base, _CHUNK)], x_v)

        def tok_body(t, _):
            acc_s = jnp.zeros((16,), jnp.float32)
            acc_q = jnp.zeros((16,), jnp.float32)
            for j in range(_NS):
                sl = pl.ds(j * 16, 16)
                e = x_v[t, sl] + seg_v[t, sl]
                o_v[t, sl] = e
                acc_s = acc_s + e
                acc_q = acc_q + e * e
            for k2 in (1, 2, 4, 8):
                perm = jnp.arange(16, dtype=jnp.int32) ^ k2
                acc_s = acc_s + _lane_shuffle(acc_s, perm)
                acc_q = acc_q + _lane_shuffle(acc_q, perm)
            mean_v = acc_s * (1.0 / _H)
            var_v = acc_q * (1.0 / _H) - mean_v * mean_v
            var_v = jnp.maximum(var_v, 0.0)
            inv = _rsqrt16(var_v + _EPS)
            for j in range(_NS):
                sl = pl.ds(j * 16, 16)
                o_v[t, sl] = (o_v[t, sl] - mean_v) * inv * gamma_v[sl] + beta_v[sl]
            return _

        lax.fori_loop(0, _CHUNK, tok_body, None)
        pltpu.sync_copy(o_v, out_hbm.at[pl.ds(base, _CHUNK)])
        return _

    lax.fori_loop(0, n_chunks, chunk_body, None)


def _tc_part(x, ids, seg_table, gamma, beta):
    n_tok, h = x.shape
    nb = n_tok // _T
    ids3 = ids.reshape(nb, 1, _T)
    return pl.pallas_call(
        _tc_body,
        grid=(nb,),
        in_specs=[
            pl.BlockSpec((1, 1, _T), lambda i: (i, 0, 0)),
            pl.BlockSpec((_T, h), lambda i: (i, 0)),
            pl.BlockSpec((4, h), lambda i: (0, 0)),
            pl.BlockSpec((1, h), lambda i: (0, 0)),
            pl.BlockSpec((1, h), lambda i: (0, 0)),
        ],
        out_specs=pl.BlockSpec((_T, h), lambda i: (i, 0)),
        out_shape=jax.ShapeDtypeStruct((n_tok, h), jnp.float32),
    )(ids3, x, seg_table, gamma.reshape(1, h), beta.reshape(1, h))


def _sc_part(x, ids, seg_table, gamma, beta):
    n_tok, h = x.shape
    mesh = plsc.VectorSubcoreMesh(core_axis_name="c", subcore_axis_name="s")
    sck = functools.partial(
        pl.kernel,
        mesh=mesh,
        out_type=jax.ShapeDtypeStruct((n_tok, h), jnp.float32),
        scratch_types=[
            pltpu.VMEM((_CHUNK,), jnp.int32),
            pltpu.VMEM((_CHUNK, h), jnp.float32),
            pltpu.VMEM((_CHUNK, h), jnp.float32),
            pltpu.VMEM((_CHUNK, h), jnp.float32),
            pltpu.VMEM((h,), jnp.float32),
            pltpu.VMEM((h,), jnp.float32),
            pltpu.SemaphoreType.DMA,
        ],
    )(_sc_body)
    return sck(x, ids, seg_table, gamma, beta)


def kernel(input_embs, seg_ids, seg_table, ln_gamma, ln_beta):
    b, s, h = input_embs.shape
    n_tok = b * s
    x = input_embs.reshape(n_tok, h)
    ids = seg_ids.astype(jnp.int32).reshape(n_tok)
    n_tc = n_tok - _SC_TOK

    tc_out = _tc_part(x[:n_tc], ids[:n_tc], seg_table, ln_gamma, ln_beta)
    sc_out = _sc_part(x[n_tc:], ids[n_tc:], seg_table, ln_gamma, ln_beta)
    out = jnp.concatenate([tc_out, sc_out], axis=0)
    return out.reshape(b, s, h)

# --- scband reference (transcript-rebuilt; emitter-appended) ---
"""Pipeline reference for scband-custom-bert-embeddings-36636071035728 (READ-ONLY COPY).

The authoritative reference and input builder live on the scoring server;
editing this copy changes nothing except your own understanding.
"""

import jax, jax.numpy as jnp
import numpy as np

HIDDEN = 768
TYPE_VOCAB = 4
EPS = 1e-12

def setup_inputs(seed: int = 0) -> dict:
    key = jax.random.key(seed)
    k1, k2, k3 = jax.random.split(key, 3)
    input_embs = jax.random.normal(k1, (4, 8192, HIDDEN), dtype=jnp.float32)
    seg_ids = jax.random.randint(k2, (4, 8192), 0, TYPE_VOCAB, dtype=jnp.int64)
    seg_table = jax.random.normal(k3, (TYPE_VOCAB, HIDDEN), dtype=jnp.float32) * 0.02
    ln_gamma = jnp.ones((HIDDEN,), dtype=jnp.float32)
    ln_beta = jnp.zeros((HIDDEN,), dtype=jnp.float32)
    return {"input_embs": input_embs, "seg_ids": seg_ids, "seg_table": seg_table, "ln_gamma": ln_gamma, "ln_beta": ln_beta}

def reference(input_embs, seg_ids, seg_table, ln_gamma, ln_beta):
    # embedding lookup (gather)
    seg_embeds = jnp.take(seg_table, seg_ids, axis=0)
    embeddings = input_embs + seg_embeds
    # LayerNorm over last dim (biased variance, matching torch)
    mean = jnp.mean(embeddings, axis=-1, keepdims=True)
    var = jnp.mean(jnp.square(embeddings - mean), axis=-1, keepdims=True)
    normed = (embeddings - mean) * jax.lax.rsqrt(var + EPS)
    out = normed * ln_gamma + ln_beta
    # dropout is identity in eval mode
    return out

if __name__ == "__main__":
    import jax
    _d = setup_inputs()
    print(jax.jit(kernel)(*tuple(_d.values())))

</pallas_src>

<mosaic_0001>
#map = affine_map<(d0, d1) -> (0, 0)>
#map1 = affine_map<(d0, d1) -> (0)>
module attributes {stable_mosaic.version = 14 : i64} {
  func.func @_sc_body(%arg0: i32, %arg1: i32, %arg2: memref<2048x768xf32, #tpu.memory_space<hbm>>, %arg3: memref<2048xi32, #tpu.memory_space<hbm>>, %arg4: memref<4x768xf32, #tpu.memory_space<hbm>>, %arg5: memref<768xf32, #tpu.memory_space<hbm>>, %arg6: memref<768xf32, #tpu.memory_space<hbm>>, %arg7: memref<2048x768xf32, #tpu.memory_space<hbm>>, %arg8: memref<32xi32, #tpu.memory_space<vmem>>, %arg9: memref<32x768xf32, #tpu.memory_space<vmem>>, %arg10: memref<32x768xf32, #tpu.memory_space<vmem>>, %arg11: memref<32x768xf32, #tpu.memory_space<vmem>>, %arg12: memref<768xf32, #tpu.memory_space<vmem>>, %arg13: memref<768xf32, #tpu.memory_space<vmem>>, %arg14: memref<!tpu.dma_semaphore, #tpu.memory_space<semaphore_mem>>) attributes {dimension_semantics = [#tpu.dimension_semantics<core_parallel>, #tpu.dimension_semantics<subcore_parallel>], iteration_bounds = array<i64: 2, 16>, scalar_prefetch = 0 : i64, scratch_operands = 7 : i64, tpu.core_type = #tpu.core_type<sc_vector_subcore>, window_params = [{transform_indices = #map}, {transform_indices = #map1}, {transform_indices = #map}, {transform_indices = #map1}, {transform_indices = #map1}, {transform_indices = #map}]} {
    %mul3A = arith.constant 2 : i32
    %mul3A_0 = arith.muli %arg1, %mul3A : i32
    %add3A = arith.addi %mul3A_0, %arg0 : i32
    "tpu.region"() ({
      %run_scoped3A = tpu.sem_alloc : memref<!tpu.dma_semaphore, #tpu.memory_space<semaphore_mem>>
      tpu.enqueue_dma source(%arg5 : memref<768xf32, #tpu.memory_space<hbm>>) target(%arg12 : memref<768xf32, #tpu.memory_space<vmem>>) target_semaphore(%run_scoped3A : memref<!tpu.dma_semaphore, #tpu.memory_space<semaphore_mem>>)
      tpu.wait_dma2 semaphore(%run_scoped3A : memref<!tpu.dma_semaphore, #tpu.memory_space<semaphore_mem>>) src(%arg5 : memref<768xf32, #tpu.memory_space<hbm>>) dst(%arg12 : memref<768xf32, #tpu.memory_space<vmem>>)
      tpu.yield
    }) : () -> ()
    "tpu.region"() ({
      %run_scoped3A = tpu.sem_alloc : memref<!tpu.dma_semaphore, #tpu.memory_space<semaphore_mem>>
      tpu.enqueue_dma source(%arg6 : memref<768xf32, #tpu.memory_space<hbm>>) target(%arg13 : memref<768xf32, #tpu.memory_space<vmem>>) target_semaphore(%run_scoped3A : memref<!tpu.dma_semaphore, #tpu.memory_space<semaphore_mem>>)
      tpu.wait_dma2 semaphore(%run_scoped3A : memref<!tpu.dma_semaphore, #tpu.memory_space<semaphore_mem>>) src(%arg6 : memref<768xf32, #tpu.memory_space<hbm>>) dst(%arg13 : memref<768xf32, #tpu.memory_space<vmem>>)
      tpu.yield
    }) : () -> ()
    %scan3A = arith.constant 0 : i32
    %scan3A_1 = arith.constant 2 : i32
    %scan3A_2 = arith.addi %scan3A, %scan3A_1 : i32
    %scan3A_3 = arith.constant 1 : i32
    scf.for %scan3A_5 = %scan3A to %scan3A_2 step %scan3A_3  : i32 {
      %mul3A_6 = arith.constant 64 : i32
      %mul3A_7 = arith.muli %add3A, %mul3A_6 : i32
      %mul3A_8 = arith.constant 32 : i32
      %mul3A_9 = arith.muli %scan3A_5, %mul3A_8 : i32
      %add3A_10 = arith.addi %mul3A_7, %mul3A_9 : i32
      "tpu.region"() ({
        %run_scoped3A = tpu.sem_alloc : memref<!tpu.dma_semaphore, #tpu.memory_space<semaphore_mem>>
        %dma_start3A_20 = tpu.memref_slice %arg3[%add3A_10] : memref<2048xi32, #tpu.memory_space<hbm>> -> memref<32xi32, #tpu.memory_space<hbm>>
        %dma_start3A_21 = tpu.memref_slice %arg3[%add3A_10] : memref<2048xi32, #tpu.memory_space<hbm>> -> memref<32xi32, #tpu.memory_space<hbm>>
        tpu.enqueue_dma source(%dma_start3A_21 : memref<32xi32, #tpu.memory_space<hbm>>) target(%arg8 : memref<32xi32, #tpu.memory_space<vmem>>) target_semaphore(%run_scoped3A : memref<!tpu.dma_semaphore, #tpu.memory_space<semaphore_mem>>)
        %dma_wait3A_22 = tpu.memref_slice %arg3[%add3A_10] : memref<2048xi32, #tpu.memory_space<hbm>> -> memref<32xi32, #tpu.memory_space<hbm>>
        %dma_wait3A_23 = tpu.memref_slice %arg3[%add3A_10] : memref<2048xi32, #tpu.memory_space<hbm>> -> memref<32xi32, #tpu.memory_space<hbm>>
        tpu.wait_dma2 semaphore(%run_scoped3A : memref<!tpu.dma_semaphore, #tpu.memory_space<semaphore_mem>>) src(%dma_wait3A_23 : memref<32xi32, #tpu.memory_space<hbm>>) dst(%arg8 : memref<32xi32, #tpu.memory_space<vmem>>)
        tpu.yield
      }) : () -> ()
      %dma_start3A = arith.constant 0 : i32
      %dma_start3A_11 = arith.constant 0 : i32
      %dma_start3A_12 = tpu.memref_slice %arg4[%dma_start3A, %dma_start3A_11] : memref<4x768xf32, #tpu.memory_space<hbm>> -> memref<4x768xf32, #tpu.memory_space<hbm>>
      tpu.enqueue_indirect_dma source(%dma_start3A_12 : memref<4x768xf32, #tpu.memory_space<hbm>>) target(%arg10 : memref<32x768xf32, #tpu.memory_space<vmem>>) offsets(%arg8 : memref<32xi32, #tpu.memory_space<vmem>>) semaphore(%arg14 : memref<!tpu.dma_semaphore, #tpu.memory_space<semaphore_mem>>)
      %dma_wait3A = arith.constant 0 : i32
      %dma_wait3A_13 = arith.constant 0 : i32
      %dma_wait3A_14 = tpu.memref_slice %arg4[%dma_wait3A, %dma_wait3A_13] : memref<4x768xf32, #tpu.memory_space<hbm>> -> memref<4x768xf32, #tpu.memory_space<hbm>>
      tpu.wait_indirect_dma semaphore(%arg14 : memref<!tpu.dma_semaphore, #tpu.memory_space<semaphore_mem>>) src(%dma_wait3A_14 : memref<4x768xf32, #tpu.memory_space<hbm>>) dst(%arg10 : memref<32x768xf32, #tpu.memory_space<vmem>>)
      "tpu.region"() ({
        %run_scoped3A = tpu.sem_alloc : memref<!tpu.dma_semaphore, #tpu.memory_space<semaphore_mem>>
        %dma_start3A_20 = arith.constant 0 : i32
        %dma_start3A_21 = tpu.memref_slice %arg2[%add3A_10, %dma_start3A_20] : memref<2048x768xf32, #tpu.memory_space<hbm>> -> memref<32x768xf32, #tpu.memory_space<hbm>>
        %dma_start3A_22 = arith.constant 0 : i32
        %dma_start3A_23 = tpu.memref_slice %arg2[%add3A_10, %dma_start3A_22] : memref<2048x768xf32, #tpu.memory_space<hbm>> -> memref<32x768xf32, #tpu.memory_space<hbm>>
        tpu.enqueue_dma source(%dma_start3A_23 : memref<32x768xf32, #tpu.memory_space<hbm>>) target(%arg9 : memref<32x768xf32, #tpu.memory_space<vmem>>) target_semaphore(%run_scoped3A : memref<!tpu.dma_semaphore, #tpu.memory_space<semaphore_mem>>)
        %dma_wait3A_24 = arith.constant 0 : i32
        %dma_wait3A_25 = tpu.memref_slice %arg2[%add3A_10, %dma_wait3A_24] : memref<2048x768xf32, #tpu.memory_space<hbm>> -> memref<32x768xf32, #tpu.memory_space<hbm>>
        %dma_wait3A_26 = arith.constant 0 : i32
        %dma_wait3A_27 = tpu.memref_slice %arg2[%add3A_10, %dma_wait3A_26] : memref<2048x768xf32, #tpu.memory_space<hbm>> -> memref<32x768xf32, #tpu.memory_space<hbm>>
        tpu.wait_dma2 semaphore(%run_scoped3A : memref<!tpu.dma_semaphore, #tpu.memory_space<semaphore_mem>>) src(%dma_wait3A_27 : memref<32x768xf32, #tpu.memory_space<hbm>>) dst(%arg9 : memref<32x768xf32, #tpu.memory_space<vmem>>)
        tpu.yield
      }) : () -> ()
      %scan3A_15 = arith.constant 0 : i32
      %scan3A_16 = arith.constant 32 : i32
      %scan3A_17 = arith.addi %scan3A_15, %scan3A_16 : i32
      %scan3A_18 = arith.constant 1 : i32
      scf.for %scan3A_20 = %scan3A_15 to %scan3A_17 step %scan3A_18  : i32 {
        %broadcast_in_dim3A = arith.constant 0.000000e+00 : f32
        %broadcast_in_dim3A_21 = vector.broadcast %broadcast_in_dim3A : f32 to vector<16xf32>
        %broadcast_in_dim3A_22 = arith.constant 0.000000e+00 : f32
        %broadcast_in_dim3A_23 = vector.broadcast %broadcast_in_dim3A_22 : f32 to vector<16xf32>
        %get3A = arith.index_cast %scan3A_20 : i32 to index
        %get3A_24 = arith.constant 0 : index
        %get3A_25 = tpu.vector_load %arg9[%get3A, %get3A_24] {strides = array<i32>} : memref<32x768xf32, #tpu.memory_space<vmem>>, vector<1x16xf32>,
        %get3A_26 = vector.shape_cast %get3A_25 : vector<1x16xf32> to vector<16xf32>
        %get3A_27 = arith.index_cast %scan3A_20 : i32 to index
        %get3A_28 = arith.constant 0 : index
        %get3A_29 = tpu.vector_load %arg10[%get3A_27, %get3A_28] {strides = array<i32>} : memref<32x768xf32, #tpu.memory_space<vmem>>, vector<1x16xf32>,
        %get3A_30 = vector.shape_cast %get3A_29 : vector<1x16xf32> to vector<16xf32>
        %add3A_31 = arith.addf %get3A_26, %get3A_30 : vector<16xf32>
        %swap3A = arith.index_cast %scan3A_20 : i32 to index
        %swap3A_32 = arith.constant 0 : index
        %swap3A_33 = tpu.vector_load %arg11[%swap3A, %swap3A_32] {strides = array<i32>} : memref<32x768xf32, #tpu.memory_space<vmem>>, vector<1x16xf32>,
        %swap3A_34 = vector.shape_cast %swap3A_33 : vector<1x16xf32> to vector<16xf32>
        %swap3A_35 = vector.shape_cast %add3A_31 : vector<16xf32> to vector<1x16xf32>
        tpu.vector_store %arg11[%swap3A, %swap3A_32], %swap3A_35 {strides = array<i32>} : memref<32x768xf32, #tpu.memory_space<vmem>>, vector<1x16xf32>,
        %add3A_36 = arith.addf %broadcast_in_dim3A_21, %add3A_31 : vector<16xf32>
        %mul3A_37 = arith.mulf %add3A_31, %add3A_31 : vector<16xf32>
        %add3A_38 = arith.addf %broadcast_in_dim3A_23, %mul3A_37 : vector<16xf32>
        %get3A_39 = arith.index_cast %scan3A_20 : i32 to index
        %get3A_40 = arith.constant 16 : index
        %get3A_41 = tpu.vector_load %arg9[%get3A_39, %get3A_40] {strides = array<i32>} : memref<32x768xf32, #tpu.memory_space<vmem>>, vector<1x16xf32>,
        %get3A_42 = vector.shape_cast %get3A_41 : vector<1x16xf32> to vector<16xf32>
        %get3A_43 = arith.index_cast %scan3A_20 : i32 to index
        %get3A_44 = arith.constant 16 : index
        %get3A_45 = tpu.vector_load %arg10[%get3A_43, %get3A_44] {strides = array<i32>} : memref<32x768xf32, #tpu.memory_space<vmem>>, vector<1x16xf32>,
        %get3A_46 = vector.shape_cast %get3A_45 : vector<1x16xf32> to vector<16xf32>
        %add3A_47 = arith.addf %get3A_42, %get3A_46 : vector<16xf32>
        %swap3A_48 = arith.index_cast %scan3A_20 : i32 to index
        %swap3A_49 = arith.constant 16 : index
        %swap3A_50 = tpu.vector_load %arg11[%swap3A_48, %swap3A_49] {strides = array<i32>} : memref<32x768xf32, #tpu.memory_space<vmem>>, vector<1x16xf32>,
        %swap3A_51 = vector.shape_cast %swap3A_50 : vector<1x16xf32> to vector<16xf32>
        %swap3A_52 = vector.shape_cast %add3A_47 : vector<16xf32> to vector<1x16xf32>
        tpu.vector_store %arg11[%swap3A_48, %swap3A_49], %swap3A_52 {strides = array<i32>} : memref<32x768xf32, #tpu.memory_space<vmem>>, vector<1x16xf32>,
        %add3A_53 = arith.addf %add3A_36, %add3A_47 : vector<16xf32>
        %mul3A_54 = arith.mulf %add3A_47, %add3A_47 : vector<16xf32>
        %add3A_55 = arith.addf %add3A_38, %mul3A_54 : vector<16xf32>
        %get3A_56 = arith.index_cast %scan3A_20 : i32 to index
        %get3A_57 = arith.constant 32 : index
        %get3A_58 = tpu.vector_load %arg9[%get3A_56, %get3A_57] {strides = array<i32>} : memref<32x768xf32, #tpu.memory_space<vmem>>, vector<1x16xf32>,
        %get3A_59 = vector.shape_cast %get3A_58 : vector<1x16xf32> to vector<16xf32>
        %get3A_60 = arith.index_cast %scan3A_20 : i32 to index
        %get3A_61 = arith.constant 32 : index
        %get3A_62 = tpu.vector_load %arg10[%get3A_60, %get3A_61] {strides = array<i32>} : memref<32x768xf32, #tpu.memory_space<vmem>>, vector<1x16xf32>,
        %get3A_63 = vector.shape_cast %get3A_62 : vector<1x16xf32> to vector<16xf32>
        %add3A_64 = arith.addf %get3A_59, %get3A_63 : vector<16xf32>
        %swap3A_65 = arith.index_cast %scan3A_20 : i32 to index
        %swap3A_66 = arith.constant 32 : index
        %swap3A_67 = tpu.vector_load %arg11[%swap3A_65, %swap3A_66] {strides = array<i32>} : memref<32x768xf32, #tpu.memory_space<vmem>>, vector<1x16xf32>,
        %swap3A_68 = vector.shape_cast %swap3A_67 : vector<1x16xf32> to vector<16xf32>
        %swap3A_69 = vector.shape_cast %add3A_64 : vector<16xf32> to vector<1x16xf32>
        tpu.vector_store %arg11[%swap3A_65, %swap3A_66], %swap3A_69 {strides = array<i32>} : memref<32x768xf32, #tpu.memory_space<vmem>>, vector<1x16xf32>,
        %add3A_70 = arith.addf %add3A_53, %add3A_64 : vector<16xf32>
        %mul3A_71 = arith.mulf %add3A_64, %add3A_64 : vector<16xf32>
        %add3A_72 = arith.addf %add3A_55, %mul3A_71 : vector<16xf32>
        %get3A_73 = arith.index_cast %scan3A_20 : i32 to index
        %get3A_74 = arith.constant 48 : index
        %get3A_75 = tpu.vector_load %arg9[%get3A_73, %get3A_74] {strides = array<i32>} : memref<32x768xf32, #tpu.memory_space<vmem>>, vector<1x16xf32>,
        %get3A_76 = vector.shape_cast %get3A_75 : vector<1x16xf32> to vector<16xf32>
        %get3A_77 = arith.index_cast %scan3A_20 : i32 to index
        %get3A_78 = arith.constant 48 : index
        %get3A_79 = tpu.vector_load %arg10[%get3A_77, %get3A_78] {strides = array<i32>} : memref<32x768xf32, #tpu.memory_space<vmem>>, vector<1x16xf32>,
        %get3A_80 = vector.shape_cast %get3A_79 : vector<1x16xf32> to vector<16xf32>
        %add3A_81 = arith.addf %get3A_76, %get3A_80 : vector<16xf32>
        %swap3A_82 = arith.index_cast %scan3A_20 : i32 to index
        %swap3A_83 = arith.constant 48 : index
        %swap3A_84 = tpu.vector_load %arg11[%swap3A_82, %swap3A_83] {strides = array<i32>} : memref<32x768xf32, #tpu.memory_space<vmem>>, vector<1x16xf32>,
        %swap3A_85 = vector.shape_cast %swap3A_84 : vector<1x16xf32> to vector<16xf32>
        %swap3A_86 = vector.shape_cast %add3A_81 : vector<16xf32> to vector<1x16xf32>
        tpu.vector_store %arg11[%swap3A_82, %swap3A_83], %swap3A_86 {strides = array<i32>} : memref<32x768xf32, #tpu.memory_space<vmem>>, vector<1x16xf32>,
        %add3A_87 = arith.addf %add3A_70, %add3A_81 : vector<16xf32>
        %mul3A_88 = arith.mulf %add3A_81, %add3A_81 : vector<16xf32>
        %add3A_89 = arith.addf %add3A_72, %mul3A_88 : vector<16xf32>
        %get3A_90 = arith.index_cast %scan3A_20 : i32 to index
        %get3A_91 = arith.constant 64 : index
        %get3A_92 = tpu.vector_load %arg9[%get3A_90, %get3A_91] {strides = array<i32>} : memref<32x768xf32, #tpu.memory_space<vmem>>, vector<1x16xf32>,
        %get3A_93 = vector.shape_cast %get3A_92 : vector<1x16xf32> to vector<16xf32>
        %get3A_94 = arith.index_cast %scan3A_20 : i32 to index
        %get3A_95 = arith.constant 64 : index
        %get3A_96 = tpu.vector_load %arg10[%get3A_94, %get3A_95] {strides = array<i32>} : memref<32x768xf32, #tpu.memory_space<vmem>>, vector<1x16xf32>,
        %get3A_97 = vector.shape_cast %get3A_96 : vector<1x16xf32> to vector<16xf32>
        %add3A_98 = arith.addf %get3A_93, %get3A_97 : vector<16xf32>
        %swap3A_99 = arith.index_cast %scan3A_20 : i32 to index
        %swap3A_100 = arith.constant 64 : index
        %swap3A_101 = tpu.vector_load %arg11[%swap3A_99, %swap3A_100] {strides = array<i32>} : memref<32x768xf32, #tpu.memory_space<vmem>>, vector<1x16xf32>,
        %swap3A_102 = vector.shape_cast %swap3A_101 : vector<1x16xf32> to vector<16xf32>
        %swap3A_103 = vector.shape_cast %add3A_98 : vector<16xf32> to vector<1x16xf32>
        tpu.vector_store %arg11[%swap3A_99, %swap3A_100], %swap3A_103 {strides = array<i32>} : memref<32x768xf32, #tpu.memory_space<vmem>>, vector<1x16xf32>,
        %add3A_104 = arith.addf %add3A_87, %add3A_98 : vector<16xf32>
        %mul3A_105 = arith.mulf %add3A_98, %add3A_98 : vector<16xf32>
        %add3A_106 = arith.addf %add3A_89, %mul3A_105 : vector<16xf32>
        %get3A_107 = arith.index_cast %scan3A_20 : i32 to index
        %get3A_108 = arith.constant 80 : index
        %get3A_109 = tpu.vector_load %arg9[%get3A_107, %get3A_108] {strides = array<i32>} : memref<32x768xf32, #tpu.memory_space<vmem>>, vector<1x16xf32>,
        %get3A_110 = vector.shape_cast %get3A_109 : vector<1x16xf32> to vector<16xf32>
        %get3A_111 = arith.index_cast %scan3A_20 : i32 to index
        %get3A_112 = arith.constant 80 : index
        %get3A_113 = tpu.vector_load %arg10[%get3A_111, %get3A_112] {strides = array<i32>} : memref<32x768xf32, #tpu.memory_space<vmem>>, vector<1x16xf32>,
        %get3A_114 = vector.shape_cast %get3A_113 : vector<1x16xf32> to vector<16xf32>
        %add3A_115 = arith.addf %get3A_110, %get3A_114 : vector<16xf32>
        %swap3A_116 = arith.index_cast %scan3A_20 : i32 to index
        %swap3A_117 = arith.constant 80 : index
        %swap3A_118 = tpu.vector_load %arg11[%swap3A_116, %swap3A_117] {strides = array<i32>} : memref<32x768xf32, #tpu.memory_space<vmem>>, vector<1x16xf32>,
        %swap3A_119 = vector.shape_cast %swap3A_118 : vector<1x16xf32> to vector<16xf32>
        %swap3A_120 = vector.shape_cast %add3A_115 : vector<16xf32> to vector<1x16xf32>
        tpu.vector_store %arg11[%swap3A_116, %swap3A_117], %swap3A_120 {strides = array<i32>} : memref<32x768xf32, #tpu.memory_space<vmem>>, vector<1x16xf32>,
        %add3A_121 = arith.addf %add3A_104, %add3A_115 : vector<16xf32>
        %mul3A_122 = arith.mulf %add3A_115, %add3A_115 : vector<16xf32>
        %add3A_123 = arith.addf %add3A_106, %mul3A_122 : vector<16xf32>
        %get3A_124 = arith.index_cast %scan3A_20 : i32 to index
        %get3A_125 = arith.constant 96 : index
        %get3A_126 = tpu.vector_load %arg9[%get3A_124, %get3A_125] {strides = array<i32>} : memref<32x768xf32, #tpu.memory_space<vmem>>, vector<1x16xf32>,
        %get3A_127 = vector.shape_cast %get3A_126 : vector<1x16xf32> to vector<16xf32>
        %get3A_128 = arith.index_cast %scan3A_20 : i32 to index
        %get3A_129 = arith.constant 96 : index
        %get3A_130 = tpu.vector_load %arg10[%get3A_128, %get3A_129] {strides = array<i32>} : memref<32x768xf32, #tpu.memory_space<vmem>>, vector<1x16xf32>,
        %get3A_131 = vector.shape_cast %get3A_130 : vector<1x16xf32> to vector<16xf32>
        %add3A_132 = arith.addf %get3A_127, %get3A_131 : vector<16xf32>
        %swap3A_133 = arith.index_cast %scan3A_20 : i32 to index
        %swap3A_134 = arith.constant 96 : index
        %swap3A_135 = tpu.vector_load %arg11[%swap3A_133, %swap3A_134] {strides = array<i32>} : memref<32x768xf32, #tpu.memory_space<vmem>>, vector<1x16xf32>,
        %swap3A_136 = vector.shape_cast %swap3A_135 : vector<1x16xf32> to vector<16xf32>
        %swap3A_137 = vector.shape_cast %add3A_132 : vector<16xf32> to vector<1x16xf32>
        tpu.vector_store %arg11[%swap3A_133, %swap3A_134], %swap3A_137 {strides = array<i32>} : memref<32x768xf32, #tpu.memory_space<vmem>>, vector<1x16xf32>,
        %add3A_138 = arith.addf %add3A_121, %add3A_132 : vector<16xf32>
        %mul3A_139 = arith.mulf %add3A_132, %add3A_132 : vector<16xf32>
        %add3A_140 = arith.addf %add3A_123, %mul3A_139 : vector<16xf32>
        %get3A_141 = arith.index_cast %scan3A_20 : i32 to index
        %get3A_142 = arith.constant 112 : index
        %get3A_143 = tpu.vector_load %arg9[%get3A_141, %get3A_142] {strides = array<i32>} : memref<32x768xf32, #tpu.memory_space<vmem>>, vector<1x16xf32>,
        %get3A_144 = vector.shape_cast %get3A_143 : vector<1x16xf32> to vector<16xf32>
        %get3A_145 = arith.index_cast %scan3A_20 : i32 to index
        %get3A_146 = arith.constant 112 : index
        %get3A_147 = tpu.vector_load %arg10[%get3A_145, %get3A_146] {strides = array<i32>} : memref<32x768xf32, #tpu.memory_space<vmem>>, vector<1x16xf32>,
        %get3A_148 = vector.shape_cast %get3A_147 : vector<1x16xf32> to vector<16xf32>
        %add3A_149 = arith.addf %get3A_144, %get3A_148 : vector<16xf32>
        %swap3A_150 = arith.index_cast %scan3A_20 : i32 to index
        %swap3A_151 = arith.constant 112 : index
        %swap3A_152 = tpu.vector_load %arg11[%swap3A_150, %swap3A_151] {strides = array<i32>} : memref<32x768xf32, #tpu.memory_space<vmem>>, vector<1x16xf32>,
        %swap3A_153 = vector.shape_cast %swap3A_152 : vector<1x16xf32> to vector<16xf32>
        %swap3A_154 = vector.shape_cast %add3A_149 : vector<16xf32> to vector<1x16xf32>
        tpu.vector_store %arg11[%swap3A_150, %swap3A_151], %swap3A_154 {strides = array<i32>} : memref<32x768xf32, #tpu.memory_space<vmem>>, vector<1x16xf32>,
        %add3A_155 = arith.addf %add3A_138, %add3A_149 : vector<16xf32>
        %mul3A_156 = arith.mulf %add3A_149, %add3A_149 : vector<16xf32>
        %add3A_157 = arith.addf %add3A_140, %mul3A_156 : vector<16xf32>
        %get3A_158 = arith.index_cast %scan3A_20 : i32 to index
        %get3A_159 = arith.constant 128 : index
        %get3A_160 = tpu.vector_load %arg9[%get3A_158, %get3A_159] {strides = array<i32>} : memref<32x768xf32, #tpu.memory_space<vmem>>, vector<1x16xf32>,
        %get3A_161 = vector.shape_cast %get3A_160 : vector<1x16xf32> to vector<16xf32>
        %get3A_162 = arith.index_cast %scan3A_20 : i32 to index
        %get3A_163 = arith.constant 128 : index
        %get3A_164 = tpu.vector_load %arg10[%get3A_162, %get3A_163] {strides = array<i32>} : memref<32x768xf32, #tpu.memory_space<vmem>>, vector<1x16xf32>,
        %get3A_165 = vector.shape_cast %get3A_164 : vector<1x16xf32> to vector<16xf32>
        %add3A_166 = arith.addf %get3A_161, %get3A_165 : vector<16xf32>
        %swap3A_167 = arith.index_cast %scan3A_20 : i32 to index
        %swap3A_168 = arith.constant 128 : index
        %swap3A_169 = tpu.vector_load %arg11[%swap3A_167, %swap3A_168] {strides = array<i32>} : memref<32x768xf32, #tpu.memory_space<vmem>>, vector<1x16xf32>,
        %swap3A_170 = vector.shape_cast %swap3A_169 : vector<1x16xf32> to vector<16xf32>
        %swap3A_171 = vector.shape_cast %add3A_166 : vector<16xf32> to vector<1x16xf32>
        tpu.vector_store %arg11[%swap3A_167, %swap3A_168], %swap3A_171 {strides = array<i32>} : memref<32x768xf32, #tpu.memory_space<vmem>>, vector<1x16xf32>,
        %add3A_172 = arith.addf %add3A_155, %add3A_166 : vector<16xf32>
        %mul3A_173 = arith.mulf %add3A_166, %add3A_166 : vector<16xf32>
        %add3A_174 = arith.addf %add3A_157, %mul3A_173 : vector<16xf32>
        %get3A_175 = arith.index_cast %scan3A_20 : i32 to index
        %get3A_176 = arith.constant 144 : index
        %get3A_177 = tpu.vector_load %arg9[%get3A_175, %get3A_176] {strides = array<i32>} : memref<32x768xf32, #tpu.memory_space<vmem>>, vector<1x16xf32>,
        %get3A_178 = vector.shape_cast %get3A_177 : vector<1x16xf32> to vector<16xf32>
        %get3A_179 = arith.index_cast %scan3A_20 : i32 to index
        %get3A_180 = arith.constant 144 : index
        %get3A_181 = tpu.vector_load %arg10[%get3A_179, %get3A_180] {strides = array<i32>} : memref<32x768xf32, #tpu.memory_space<vmem>>, vector<1x16xf32>,
        %get3A_182 = vector.shape_cast %get3A_181 : vector<1x16xf32> to vector<16xf32>
        %add3A_183 = arith.addf %get3A_178, %get3A_182 : vector<16xf32>
        %swap3A_184 = arith.index_cast %scan3A_20 : i32 to index
        %swap3A_185 = arith.constant 144 : index
        %swap3A_186 = tpu.vector_load %arg11[%swap3A_184, %swap3A_185] {strides = array<i32>} : memref<32x768xf32, #tpu.memory_space<vmem>>, vector<1x16xf32>,
        %swap3A_187 = vector.shape_cast %swap3A_186 : vector<1x16xf32> to vector<16xf32>
        %swap3A_188 = vector.shape_cast %add3A_183 : vector<16xf32> to vector<1x16xf32>
        tpu.vector_store %arg11[%swap3A_184, %swap3A_185], %swap3A_188 {strides = array<i32>} : memref<32x768xf32, #tpu.memory_space<vmem>>, vector<1x16xf32>,
        %add3A_189 = arith.addf %add3A_172, %add3A_183 : vector<16xf32>
        %mul3A_190 = arith.mulf %add3A_183, %add3A_183 : vector<16xf32>
        %add3A_191 = arith.addf %add3A_174, %mul3A_190 : vector<16xf32>
        %get3A_192 = arith.index_cast %scan3A_20 : i32 to index
        %get3A_193 = arith.constant 160 : index
        %get3A_194 = tpu.vector_load %arg9[%get3A_192, %get3A_193] {strides = array<i32>} : memref<32x768xf32, #tpu.memory_space<vmem>>, vector<1x16xf32>,
        %get3A_195 = vector.shape_cast %get3A_194 : vector<1x16xf32> to vector<16xf32>
        %get3A_196 = arith.index_cast %scan3A_20 : i32 to index
        %get3A_197 = arith.constant 160 : index
        %get3A_198 = tpu.vector_load %arg10[%get3A_196, %get3A_197] {strides = array<i32>} : memref<32x768xf32, #tpu.memory_space<vmem>>, vector<1x16xf32>,
        %get3A_199 = vector.shape_cast %get3A_198 : vector<1x16xf32> to vector<16xf32>
        %add3A_200 = arith.addf %get3A_195, %get3A_199 : vector<16xf32>
        %swap3A_201 = arith.index_cast %scan3A_20 : i32 to index
        %swap3A_202 = arith.constant 160 : index
        %swap3A_203 = tpu.vector_load %arg11[%swap3A_201, %swap3A_202] {strides = array<i32>} : memref<32x768xf32, #tpu.memory_space<vmem>>, vector<1x16xf32>,
        %swap3A_204 = vector.shape_cast %swap3A_203 : vector<1x16xf32> to vector<16xf32>
        %swap3A_205 = vector.shape_cast %add3A_200 : vector<16xf32> to vector<1x16xf32>
        tpu.vector_store %arg11[%swap3A_201, %swap3A_202], %swap3A_205 {strides = array<i32>} : memref<32x768xf32, #tpu.memory_space<vmem>>, vector<1x16xf32>,
        %add3A_206 = arith.addf %add3A_189, %add3A_200 : vector<16xf32>
        %mul3A_207 = arith.mulf %add3A_200, %add3A_200 : vector<16xf32>
        %add3A_208 = arith.addf %add3A_191, %mul3A_207 : vector<16xf32>
        %get3A_209 = arith.index_cast %scan3A_20 : i32 to index
        %get3A_210 = arith.constant 176 : index
        %get3A_211 = tpu.vector_load %arg9[%get3A_209, %get3A_210] {strides = array<i32>} : memref<32x768xf32, #tpu.memory_space<vmem>>, vector<1x16xf32>,
        %get3A_212 = vector.shape_cast %get3A_211 : vector<1x16xf32> to vector<16xf32>
        %get3A_213 = arith.index_cast %scan3A_20 : i32 to index
        %get3A_214 = arith.constant 176 : index
        %get3A_215 = tpu.vector_load %arg10[%get3A_213, %get3A_214] {strides = array<i32>} : memref<32x768xf32, #tpu.memory_space<vmem>>, vector<1x16xf32>,
        %get3A_216 = vector.shape_cast %get3A_215 : vector<1x16xf32> to vector<16xf32>
        %add3A_217 = arith.addf %get3A_212, %get3A_216 : vector<16xf32>
        %swap3A_218 = arith.index_cast %scan3A_20 : i32 to index
        %swap3A_219 = arith.constant 176 : index
        %swap3A_220 = tpu.vector_load %arg11[%swap3A_218, %swap3A_219] {strides = array<i32>} : memref<32x768xf32, #tpu.memory_space<vmem>>, vector<1x16xf32>,
        %swap3A_221 = vector.shape_cast %swap3A_220 : vector<1x16xf32> to vector<16xf32>
        %swap3A_222 = vector.shape_cast %add3A_217 : vector<16xf32> to vector<1x16xf32>
        tpu.vector_store %arg11[%swap3A_218, %swap3A_219], %swap3A_222 {strides = array<i32>} : memref<32x768xf32, #tpu.memory_space<vmem>>, vector<1x16xf32>,
        %add3A_223 = arith.addf %add3A_206, %add3A_217 : vector<16xf32>
        %mul3A_224 = arith.mulf %add3A_217, %add3A_217 : vector<16xf32>
        %add3A_225 = arith.addf %add3A_208, %mul3A_224 : vector<16xf32>
        %get3A_226 = arith.index_cast %scan3A_20 : i32 to index
        %get3A_227 = arith.constant 192 : index
        %get3A_228 = tpu.vector_load %arg9[%get3A_226, %get3A_227] {strides = array<i32>} : memref<32x768xf32, #tpu.memory_space<vmem>>, vector<1x16xf32>,
        %get3A_229 = vector.shape_cast %get3A_228 : vector<1x16xf32> to vector<16xf32>
        %get3A_230 = arith.index_cast %scan3A_20 : i32 to index
        %get3A_231 = arith.constant 192 : index
        %get3A_232 = tpu.vector_load %arg10[%get3A_230, %get3A_231] {strides = array<i32>} : memref<32x768xf32, #tpu.memory_space<vmem>>, vector<1x16xf32>,
        %get3A_233 = vector.shape_cast %get3A_232 : vector<1x16xf32> to vector<16xf32>
        %add3A_234 = arith.addf %get3A_229, %get3A_233 : vector<16xf32>
        %swap3A_235 = arith.index_cast %scan3A_20 : i32 to index
        %swap3A_236 = arith.constant 192 : index
        %swap3A_237 = tpu.vector_load %arg11[%swap3A_235, %swap3A_236] {strides = array<i32>} : memref<32x768xf32, #tpu.memory_space<vmem>>, vector<1x16xf32>,
        %swap3A_238 = vector.shape_cast %swap3A_237 : vector<1x16xf32> to vector<16xf32>
        %swap3A_239 = vector.shape_cast %add3A_234 : vector<16xf32> to vector<1x16xf32>
        tpu.vector_store %arg11[%swap3A_235, %swap3A_236], %swap3A_239 {strides = array<i32>} : memref<32x768xf32, #tpu.memory_space<vmem>>, vector<1x16xf32>,
        %add3A_240 = arith.addf %add3A_223, %add3A_234 : vector<16xf32>
        %mul3A_241 = arith.mulf %add3A_234, %add3A_234 : vector<16xf32>
        %add3A_242 = arith.addf %add3A_225, %mul3A_241 : vector<16xf32>
        %get3A_243 = arith.index_cast %scan3A_20 : i32 to index
        %get3A_244 = arith.constant 208 : index
        %get3A_245 = tpu.vector_load %arg9[%get3A_243, %get3A_244] {strides = array<i32>} : memref<32x768xf32, #tpu.memory_space<vmem>>, vector<1x16xf32>,
        %get3A_246 = vector.shape_cast %get3A_245 : vector<1x16xf32> to vector<16xf32>
        %get3A_247 = arith.index_cast %scan3A_20 : i32 to index
        %get3A_248 = arith.constant 208 : index
        %get3A_249 = tpu.vector_load %arg10[%get3A_247, %get3A_248] {strides = array<i32>} : memref<32x768xf32, #tpu.memory_space<vmem>>, vector<1x16xf32>,
        %get3A_250 = vector.shape_cast %get3A_249 : vector<1x16xf32> to vector<16xf32>
        %add3A_251 = arith.addf %get3A_246, %get3A_250 : vector<16xf32>
        %swap3A_252 = arith.index_cast %scan3A_20 : i32 to index
        %swap3A_253 = arith.constant 208 : index
        %swap3A_254 = tpu.vector_load %arg11[%swap3A_252, %swap3A_253] {strides = array<i32>} : memref<32x768xf32, #tpu.memory_space<vmem>>, vector<1x16xf32>,
        %swap3A_255 = vector.shape_cast %swap3A_254 : vector<1x16xf32> to vector<16xf32>
        %swap3A_256 = vector.shape_cast %add3A_251 : vector<16xf32> to vector<1x16xf32>
        tpu.vector_store %arg11[%swap3A_252, %swap3A_253], %swap3A_256 {strides = array<i32>} : memref<32x768xf32, #tpu.memory_space<vmem>>, vector<1x16xf32>,
        %add3A_257 = arith.addf %add3A_240, %add3A_251 : vector<16xf32>
        %mul3A_258 = arith.mulf %add3A_251, %add3A_251 : vector<16xf32>
        %add3A_259 = arith.addf %add3A_242, %mul3A_258 : vector<16xf32>
        %get3A_260 = arith.index_cast %scan3A_20 : i32 to index
        %get3A_261 = arith.constant 224 : index
        %get3A_262 = tpu.vector_load %arg9[%get3A_260, %get3A_261] {strides = array<i32>} : memref<32x768xf32, #tpu.memory_space<vmem>>, vector<1x16xf32>,
        %get3A_263 = vector.shape_cast %get3A_262 : vector<1x16xf32> to vector<16xf32>
        %get3A_264 = arith.index_cast %scan3A_20 : i32 to index
        %get3A_265 = arith.constant 224 : index
        %get3A_266 = tpu.vector_load %arg10[%get3A_264, %get3A_265] {strides = array<i32>} : memref<32x768xf32, #tpu.memory_space<vmem>>, vector<1x16xf32>,
        %get3A_267 = vector.shape_cast %get3A_266 : vector<1x16xf32> to vector<16xf32>
        %add3A_268 = arith.addf %get3A_263, %get3A_267 : vector<16xf32>
        %swap3A_269 = arith.index_cast %scan3A_20 : i32 to index
        %swap3A_270 = arith.constant 224 : index
        %swap3A_271 = tpu.vector_load %arg11[%swap3A_269, %swap3A_270] {strides = array<i32>} : memref<32x768xf32, #tpu.memory_space<vmem>>, vector<1x16xf32>,
        %swap3A_272 = vector.shape_cast %swap3A_271 : vector<1x16xf32> to vector<16xf32>
        %swap3A_273 = vector.shape_cast %add3A_268 : vector<16xf32> to vector<1x16xf32>
        tpu.vector_store %arg11[%swap3A_269, %swap3A_270], %swap3A_273 {strides = array<i32>} : memref<32x768xf32, #tpu.memory_space<vmem>>, vector<1x16xf32>,
        %add3A_274 = arith.addf %add3A_257, %add3A_268 : vector<16xf32>
        %mul3A_275 = arith.mulf %add3A_268, %add3A_268 : vector<16xf32>
        %add3A_276 = arith.addf %add3A_259, %mul3A_275 : vector<16xf32>
        %get3A_277 = arith.index_cast %scan3A_20 : i32 to index
        %get3A_278 = arith.constant 240 : index
        %get3A_279 = tpu.vector_load %arg9[%get3A_277, %get3A_278] {strides = array<i32>} : memref<32x768xf32, #tpu.memory_space<vmem>>, vector<1x16xf32>,
        %get3A_280 = vector.shape_cast %get3A_279 : vector<1x16xf32> to vector<16xf32>
        %get3A_281 = arith.index_cast %scan3A_20 : i32 to index
        %get3A_282 = arith.constant 240 : index
        %get3A_283 = tpu.vector_load %arg10[%get3A_281, %get3A_282] {strides = array<i32>} : memref<32x768xf32, #tpu.memory_space<vmem>>, vector<1x16xf32>,
        %get3A_284 = vector.shape_cast %get3A_283 : vector<1x16xf32> to vector<16xf32>
        %add3A_285 = arith.addf %get3A_280, %get3A_284 : vector<16xf32>
        %swap3A_286 = arith.index_cast %scan3A_20 : i32 to index
        %swap3A_287 = arith.constant 240 : index
        %swap3A_288 = tpu.vector_load %arg11[%swap3A_286, %swap3A_287] {strides = array<i32>} : memref<32x768xf32, #tpu.memory_space<vmem>>, vector<1x16xf32>,
        %swap3A_289 = vector.shape_cast %swap3A_288 : vector<1x16xf32> to vector<16xf32>
        %swap3A_290 = vector.shape_cast %add3A_285 : vector<16xf32> to vector<1x16xf32>
        tpu.vector_store %arg11[%swap3A_286, %swap3A_287], %swap3A_290 {strides = array<i32>} : memref<32x768xf32, #tpu.memory_space<vmem>>, vector<1x16xf32>,
        %add3A_291 = arith.addf %add3A_274, %add3A_285 : vector<16xf32>
        %mul3A_292 = arith.mulf %add3A_285, %add3A_285 : vector<16xf32>
        %add3A_293 = arith.addf %add3A_276, %mul3A_292 : vector<16xf32>
        %get3A_294 = arith.index_cast %scan3A_20 : i32 to index
        %get3A_295 = arith.constant 256 : index
        %get3A_296 = tpu.vector_load %arg9[%get3A_294, %get3A_295] {strides = array<i32>} : memref<32x768xf32, #tpu.memory_space<vmem>>, vector<1x16xf32>,
        %get3A_297 = vector.shape_cast %get3A_296 : vector<1x16xf32> to vector<16xf32>
        %get3A_298 = arith.index_cast %scan3A_20 : i32 to index
        %get3A_299 = arith.constant 256 : index
        %get3A_300 = tpu.vector_load %arg10[%get3A_298, %get3A_299] {strides = array<i32>} : memref<32x768xf32, #tpu.memory_space<vmem>>, vector<1x16xf32>,
        %get3A_301 = vector.shape_cast %get3A_300 : vector<1x16xf32> to vector<16xf32>
        %add3A_302 = arith.addf %get3A_297, %get3A_301 : vector<16xf32>
        %swap3A_303 = arith.index_cast %scan3A_20 : i32 to index
        %swap3A_304 = arith.constant 256 : index
        %swap3A_305 = tpu.vector_load %arg11[%swap3A_303, %swap3A_304] {strides = array<i32>} : memref<32x768xf32, #tpu.memory_space<vmem>>, vector<1x16xf32>,
        %swap3A_306 = vector.shape_cast %swap3A_305 : vector<1x16xf32> to vector<16xf32>
        %swap3A_307 = vector.shape_cast %add3A_302 : vector<16xf32> to vector<1x16xf32>
        tpu.vector_store %arg11[%swap3A_303, %swap3A_304], %swap3A_307 {strides = array<i32>} : memref<32x768xf32, #tpu.memory_space<vmem>>, vector<1x16xf32>,
        %add3A_308 = arith.addf %add3A_291, %add3A_302 : vector<16xf32>
        %mul3A_309 = arith.mulf %add3A_302, %add3A_302 : vector<16xf32>
        %add3A_310 = arith.addf %add3A_293, %mul3A_309 : vector<16xf32>
        %get3A_311 = arith.index_cast %scan3A_20 : i32 to index
        %get3A_312 = arith.constant 272 : index
        %get3A_313 = tpu.vector_load %arg9[%get3A_311, %get3A_312] {strides = array<i32>} : memref<32x768xf32, #tpu.memory_space<vmem>>, vector<1x16xf32>,
        %get3A_314 = vector.shape_cast %get3A_313 : vector<1x16xf32> to vector<16xf32>
        %get3A_315 = arith.index_cast %scan3A_20 : i32 to index
        %get3A_316 = arith.constant 272 : index
        %get3A_317 = tpu.vector_load %arg10[%get3A_315, %get3A_316] {strides = array<i32>} : memref<32x768xf32, #tpu.memory_space<vmem>>, vector<1x16xf32>,
        %get3A_318 = vector.shape_cast %get3A_317 : vector<1x16xf32> to vector<16xf32>
        %add3A_319 = arith.addf %get3A_314, %get3A_318 : vector<16xf32>
        %swap3A_320 = arith.index_cast %scan3A_20 : i32 to index
        %swap3A_321 = arith.constant 272 : index
        %swap3A_322 = tpu.vector_load %arg11[%swap3A_320, %swap3A_321] {strides = array<i32>} : memref<32x768xf32, #tpu.memory_space<vmem>>, vector<1x16xf32>,
        %swap3A_323 = vector.shape_cast %swap3A_322 : vector<1x16xf32> to vector<16xf32>
        %swap3A_324 = vector.shape_cast %add3A_319 : vector<16xf32> to vector<1x16xf32>
        tpu.vector_store %arg11[%swap3A_320, %swap3A_321], %swap3A_324 {strides = array<i32>} : memref<32x768xf32, #tpu.memory_space<vmem>>, vector<1x16xf32>,
        %add3A_325 = arith.addf %add3A_308, %add3A_319 : vector<16xf32>
        %mul3A_326 = arith.mulf %add3A_319, %add3A_319 : vector<16xf32>
        %add3A_327 = arith.addf %add3A_310, %mul3A_326 : vector<16xf32>
        %get3A_328 = arith.index_cast %scan3A_20 : i32 to index
        %get3A_329 = arith.constant 288 : index
        %get3A_330 = tpu.vector_load %arg9[%get3A_328, %get3A_329] {strides = array<i32>} : memref<32x768xf32, #tpu.memory_space<vmem>>, vector<1x16xf32>,
        %get3A_331 = vector.shape_cast %get3A_330 : vector<1x16xf32> to vector<16xf32>
        %get3A_332 = arith.index_cast %scan3A_20 : i32 to index
        %get3A_333 = arith.constant 288 : index
        %get3A_334 = tpu.vector_load %arg10[%get3A_332, %get3A_333] {strides = array<i32>} : memref<32x768xf32, #tpu.memory_space<vmem>>, vector<1x16xf32>,
        %get3A_335 = vector.shape_cast %get3A_334 : vector<1x16xf32> to vector<16xf32>
        %add3A_336 = arith.addf %get3A_331, %get3A_335 : vector<16xf32>
        %swap3A_337 = arith.index_cast %scan3A_20 : i32 to index
        %swap3A_338 = arith.constant 288 : index
        %swap3A_339 = tpu.vector_load %arg11[%swap3A_337, %swap3A_338] {strides = array<i32>} : memref<32x768xf32, #tpu.memory_space<vmem>>, vector<1x16xf32>,
        %swap3A_340 = vector.shape_cast %swap3A_339 : vector<1x16xf32> to vector<16xf32>
        %swap3A_341 = vector.shape_cast %add3A_336 : vector<16xf32> to vector<1x16xf32>
        tpu.vector_store %arg11[%swap3A_337, %swap3A_338], %swap3A_341 {strides = array<i32>} : memref<32x768xf32, #tpu.memory_space<vmem>>, vector<1x16xf32>,
        %add3A_342 = arith.addf %add3A_325, %add3A_336 : vector<16xf32>
        %mul3A_343 = arith.mulf %add3A_336, %add3A_336 : vector<16xf32>
        %add3A_344 = arith.addf %add3A_327, %mul3A_343 : vector<16xf32>
        %get3A_345 = arith.index_cast %scan3A_20 : i32 to index
        %get3A_346 = arith.constant 304 : index
        %get3A_347 = tpu.vector_load %arg9[%get3A_345, %get3A_346] {strides = array<i32>} : memref<32x768xf32, #tpu.memory_space<vmem>>, vector<1x16xf32>,
        %get3A_348 = vector.shape_cast %get3A_347 : vector<1x16xf32> to vector<16xf32>
        %get3A_349 = arith.index_cast %scan3A_20 : i32 to index
        %get3A_350 = arith.constant 304 : index
        %get3A_351 = tpu.vector_load %arg10[%get3A_349, %get3A_350] {strides = array<i32>} : memref<32x768xf32, #tpu.memory_space<vmem>>, vector<1x16xf32>,
        %get3A_352 = vector.shape_cast %get3A_351 : vector<1x16xf32> to vector<16xf32>
        %add3A_353 = arith.addf %get3A_348, %get3A_352 : vector<16xf32>
        %swap3A_354 = arith.index_cast %scan3A_20 : i32 to index
        %swap3A_355 = arith.constant 304 : index
        %swap3A_356 = tpu.vector_load %arg11[%swap3A_354, %swap3A_355] {strides = array<i32>} : memref<32x768xf32, #tpu.memory_space<vmem>>, vector<1x16xf32>,
        %swap3A_357 = vector.shape_cast %swap3A_356 : vector<1x16xf32> to vector<16xf32>
        %swap3A_358 = vector.shape_cast %add3A_353 : vector<16xf32> to vector<1x16xf32>
        tpu.vector_store %arg11[%swap3A_354, %swap3A_355], %swap3A_358 {strides = array<i32>} : memref<32x768xf32, #tpu.memory_space<vmem>>, vector<1x16xf32>,
        %add3A_359 = arith.addf %add3A_342, %add3A_353 : vector<16xf32>
        %mul3A_360 = arith.mulf %add3A_353, %add3A_353 : vector<16xf32>
        %add3A_361 = arith.addf %add3A_344, %mul3A_360 : vector<16xf32>
        %get3A_362 = arith.index_cast %scan3A_20 : i32 to index
        %get3A_363 = arith.constant 320 : index
        %get3A_364 = tpu.vector_load %arg9[%get3A_362, %get3A_363] {strides = array<i32>} : memref<32x768xf32, #tpu.memory_space<vmem>>, vector<1x16xf32>,
        %get3A_365 = vector.shape_cast %get3A_364 : vector<1x16xf32> to vector<16xf32>
        %get3A_366 = arith.index_cast %scan3A_20 : i32 to index
        %get3A_367 = arith.constant 320 : index
        %get3A_368 = tpu.vector_load %arg10[%get3A_366, %get3A_367] {strides = array<i32>} : memref<32x768xf32, #tpu.memory_space<vmem>>, vector<1x16xf32>,
        %get3A_369 = vector.shape_cast %get3A_368 : vector<1x16xf32> to vector<16xf32>
        %add3A_370 = arith.addf %get3A_365, %get3A_369 : vector<16xf32>
        %swap3A_371 = arith.index_cast %scan3A_20 : i32 to index
        %swap3A_372 = arith.constant 320 : index
        %swap3A_373 = tpu.vector_load %arg11[%swap3A_371, %swap3A_372] {strides = array<i32>} : memref<32x768xf32, #tpu.memory_space<vmem>>, vector<1x16xf32>,
        %swap3A_374 = vector.shape_cast %swap3A_373 : vector<1x16xf32> to vector<16xf32>
        %swap3A_375 = vector.shape_cast %add3A_370 : vector<16xf32> to vector<1x16xf32>
        tpu.vector_store %arg11[%swap3A_371, %swap3A_372], %swap3A_375 {strides = array<i32>} : memref<32x768xf32, #tpu.memory_space<vmem>>, vector<1x16xf32>,
        %add3A_376 = arith.addf %add3A_359, %add3A_370 : vector<16xf32>
        %mul3A_377 = arith.mulf %add3A_370, %add3A_370 : vector<16xf32>
        %add3A_378 = arith.addf %add3A_361, %mul3A_377 : vector<16xf32>
        %get3A_379 = arith.index_cast %scan3A_20 : i32 to index
        %get3A_380 = arith.constant 336 : index
        %get3A_381 = tpu.vector_load %arg9[%get3A_379, %get3A_380] {strides = array<i32>} : memref<32x768xf32, #tpu.memory_space<vmem>>, vector<1x16xf32>,
        %get3A_382 = vector.shape_cast %get3A_381 : vector<1x16xf32> to vector<16xf32>
        %get3A_383 = arith.index_cast %scan3A_20 : i32 to index
        %get3A_384 = arith.constant 336 : index
        %get3A_385 = tpu.vector_load %arg10[%get3A_383, %get3A_384] {strides = array<i32>} : memref<32x768xf32, #tpu.memory_space<vmem>>, vector<1x16xf32>,
        %get3A_386 = vector.shape_cast %get3A_385 : vector<1x16xf32> to vector<16xf32>
        %add3A_387 = arith.addf %get3A_382, %get3A_386 : vector<16xf32>
        %swap3A_388 = arith.index_cast %scan3A_20 : i32 to index
        %swap3A_389 = arith.constant 336 : index
        %swap3A_390 = tpu.vector_load %arg11[%swap3A_388, %swap3A_389] {strides = array<i32>} : memref<32x768xf32, #tpu.memory_space<vmem>>, vector<1x16xf32>,
        %swap3A_391 = vector.shape_cast %swap3A_390 : vector<1x16xf32> to vector<16xf32>
        %swap3A_392 = vector.shape_cast %add3A_387 : vector<16xf32> to vector<1x16xf32>
        tpu.vector_store %arg11[%swap3A_388, %swap3A_389], %swap3A_392 {strides = array<i32>} : memref<32x768xf32, #tpu.memory_space<vmem>>, vector<1x16xf32>,
        %add3A_393 = arith.addf %add3A_376, %add3A_387 : vector<16xf32>
        %mul3A_394 = arith.mulf %add3A_387, %add3A_387 : vector<16xf32>
        %add3A_395 = arith.addf %add3A_378, %mul3A_394 : vector<16xf32>
        %get3A_396 = arith.index_cast %scan3A_20 : i32 to index
        %get3A_397 = arith.constant 352 : index
        %get3A_398 = tpu.vector_load %arg9[%get3A_396, %get3A_397] {strides = array<i32>} : memref<32x768xf32, #tpu.memory_space<vmem>>, vector<1x16xf32>,
        %get3A_399 = vector.shape_cast %get3A_398 : vector<1x16xf32> to vector<16xf32>
        %get3A_400 = arith.index_cast %scan3A_20 : i32 to index
        %get3A_401 = arith.constant 352 : index
        %get3A_402 = tpu.vector_load %arg10[%get3A_400, %get3A_401] {strides = array<i32>} : memref<32x768xf32, #tpu.memory_space<vmem>>, vector<1x16xf32>,
        %get3A_403 = vector.shape_cast %get3A_402 : vector<1x16xf32> to vector<16xf32>
        %add3A_404 = arith.addf %get3A_399, %get3A_403 : vector<16xf32>
        %swap3A_405 = arith.index_cast %scan3A_20 : i32 to index
        %swap3A_406 = arith.constant 352 : index
        %swap3A_407 = tpu.vector_load %arg11[%swap3A_405, %swap3A_406] {strides = array<i32>} : memref<32x768xf32, #tpu.memory_space<vmem>>, vector<1x16xf32>,
        %swap3A_408 = vector.shape_cast %swap3A_407 : vector<1x16xf32> to vector<16xf32>
        %swap3A_409 = vector.shape_cast %add3A_404 : vector<16xf32> to vector<1x16xf32>
        tpu.vector_store %arg11[%swap3A_405, %swap3A_406], %swap3A_409 {strides = array<i32>} : memref<32x768xf32, #tpu.memory_space<vmem>>, vector<1x16xf32>,
        %add3A_410 = arith.addf %add3A_393, %add3A_404 : vector<16xf32>
        %mul3A_411 = arith.mulf %add3A_404, %add3A_404 : vector<16xf32>
        %add3A_412 = arith.addf %add3A_395, %mul3A_411 : vector<16xf32>
        %get3A_413 = arith.index_cast %scan3A_20 : i32 to index
        %get3A_414 = arith.constant 368 : index
        %get3A_415 = tpu.vector_load %arg9[%get3A_413, %get3A_414] {strides = array<i32>} : memref<32x768xf32, #tpu.memory_space<vmem>>, vector<1x16xf32>,
        %get3A_416 = vector.shape_cast %get3A_415 : vector<1x16xf32> to vector<16xf32>
        %get3A_417 = arith.index_cast %scan3A_20 : i32 to index
        %get3A_418 = arith.constant 368 : index
        %get3A_419 = tpu.vector_load %arg10[%get3A_417, %get3A_418] {strides = array<i32>} : memref<32x768xf32, #tpu.memory_space<vmem>>, vector<1x16xf32>,
        %get3A_420 = vector.shape_cast %get3A_419 : vector<1x16xf32> to vector<16xf32>
        %add3A_421 = arith.addf %get3A_416, %get3A_420 : vector<16xf32>
        %swap3A_422 = arith.index_cast %scan3A_20 : i32 to index
        %swap3A_423 = arith.constant 368 : index
        %swap3A_424 = tpu.vector_load %arg11[%swap3A_422, %swap3A_423] {strides = array<i32>} : memref<32x768xf32, #tpu.memory_space<vmem>>, vector<1x16xf32>,
        %swap3A_425 = vector.shape_cast %swap3A_424 : vector<1x16xf32> to vector<16xf32>
        %swap3A_426 = vector.shape_cast %add3A_421 : vector<16xf32> to vector<1x16xf32>
        tpu.vector_store %arg11[%swap3A_422, %swap3A_423], %swap3A_426 {strides = array<i32>} : memref<32x768xf32, #tpu.memory_space<vmem>>, vector<1x16xf32>,
        %add3A_427 = arith.addf %add3A_410, %add3A_421 : vector<16xf32>
        %mul3A_428 = arith.mulf %add3A_421, %add3A_421 : vector<16xf32>
        %add3A_429 = arith.addf %add3A_412, %mul3A_428 : vector<16xf32>
        %get3A_430 = arith.index_cast %scan3A_20 : i32 to index
        %get3A_431 = arith.constant 384 : index
        %get3A_432 = tpu.vector_load %arg9[%get3A_430, %get3A_431] {strides = array<i32>} : memref<32x768xf32, #tpu.memory_space<vmem>>, vector<1x16xf32>,
        %get3A_433 = vector.shape_cast %get3A_432 : vector<1x16xf32> to vector<16xf32>
        %get3A_434 = arith.index_cast %scan3A_20 : i32 to index
        %get3A_435 = arith.constant 384 : index
        %get3A_436 = tpu.vector_load %arg10[%get3A_434, %get3A_435] {strides = array<i32>} : memref<32x768xf32, #tpu.memory_space<vmem>>, vector<1x16xf32>,
        %get3A_437 = vector.shape_cast %get3A_436 : vector<1x16xf32> to vector<16xf32>
        %add3A_438 = arith.addf %get3A_433, %get3A_437 : vector<16xf32>
        %swap3A_439 = arith.index_cast %scan3A_20 : i32 to index
        %swap3A_440 = arith.constant 384 : index
        %swap3A_441 = tpu.vector_load %arg11[%swap3A_439, %swap3A_440] {strides = array<i32>} : memref<32x768xf32, #tpu.memory_space<vmem>>, vector<1x16xf32>,
        %swap3A_442 = vector.shape_cast %swap3A_441 : vector<1x16xf32> to vector<16xf32>
        %swap3A_443 = vector.shape_cast %add3A_438 : vector<16xf32> to vector<1x16xf32>
        tpu.vector_store %arg11[%swap3A_439, %swap3A_440], %swap3A_443 {strides = array<i32>} : memref<32x768xf32, #tpu.memory_space<vmem>>, vector<1x16xf32>,
        %add3A_444 = arith.addf %add3A_427, %add3A_438 : vector<16xf32>
        %mul3A_445 = arith.mulf %add3A_438, %add3A_438 : vector<16xf32>
        %add3A_446 = arith.addf %add3A_429, %mul3A_445 : vector<16xf32>
        %get3A_447 = arith.index_cast %scan3A_20 : i32 to index
        %get3A_448 = arith.constant 400 : index
        %get3A_449 = tpu.vector_load %arg9[%get3A_447, %get3A_448] {strides = array<i32>} : memref<32x768xf32, #tpu.memory_space<vmem>>, vector<1x16xf32>,
        %get3A_450 = vector.shape_cast %get3A_449 : vector<1x16xf32> to vector<16xf32>
        %get3A_451 = arith.index_cast %scan3A_20 : i32 to index
        %get3A_452 = arith.constant 400 : index
        %get3A_453 = tpu.vector_load %arg10[%get3A_451, %get3A_452] {strides = array<i32>} : memref<32x768xf32, #tpu.memory_space<vmem>>, vector<1x16xf32>,
        %get3A_454 = vector.shape_cast %get3A_453 : vector<1x16xf32> to vector<16xf32>
        %add3A_455 = arith.addf %get3A_450, %get3A_454 : vector<16xf32>
        %swap3A_456 = arith.index_cast %scan3A_20 : i32 to index
        %swap3A_457 = arith.constant 400 : index
        %swap3A_458 = tpu.vector_load %arg11[%swap3A_456, %swap3A_457] {strides = array<i32>} : memref<32x768xf32, #tpu.memory_space<vmem>>, vector<1x16xf32>,
        %swap3A_459 = vector.shape_cast %swap3A_458 : vector<1x16xf32> to vector<16xf32>
        %swap3A_460 = vector.shape_cast %add3A_455 : vector<16xf32> to vector<1x16xf32>
        tpu.vector_store %arg11[%swap3A_456, %swap3A_457], %swap3A_460 {strides = array<i32>} : memref<32x768xf32, #tpu.memory_space<vmem>>, vector<1x16xf32>,
        %add3A_461 = arith.addf %add3A_444, %add3A_455 : vector<16xf32>
        %mul3A_462 = arith.mulf %add3A_455, %add3A_455 : vector<16xf32>
        %add3A_463 = arith.addf %add3A_446, %mul3A_462 : vector<16xf32>
        %get3A_464 = arith.index_cast %scan3A_20 : i32 to index
        %get3A_465 = arith.constant 416 : index
        %get3A_466 = tpu.vector_load %arg9[%get3A_464, %get3A_465] {strides = array<i32>} : memref<32x768xf32, #tpu.memory_space<vmem>>, vector<1x16xf32>,
        %get3A_467 = vector.shape_cast %get3A_466 : vector<1x16xf32> to vector<16xf32>
        %get3A_468 = arith.index_cast %scan3A_20 : i32 to index
        %get3A_469 = arith.constant 416 : index
        %get3A_470 = tpu.vector_load %arg10[%get3A_468, %get3A_469] {strides = array<i32>} : memref<32x768xf32, #tpu.memory_space<vmem>>, vector<1x16xf32>,
        %get3A_471 = vector.shape_cast %get3A_470 : vector<1x16xf32> to vector<16xf32>
        %add3A_472 = arith.addf %get3A_467, %get3A_471 : vector<16xf32>
        %swap3A_473 = arith.index_cast %scan3A_20 : i32 to index
        %swap3A_474 = arith.constant 416 : index
        %swap3A_475 = tpu.vector_load %arg11[%swap3A_473, %swap3A_474] {strides = array<i32>} : memref<32x768xf32, #tpu.memory_space<vmem>>, vector<1x16xf32>,
        %swap3A_476 = vector.shape_cast %swap3A_475 : vector<1x16xf32> to vector<16xf32>
        %swap3A_477 = vector.shape_cast %add3A_472 : vector<16xf32> to vector<1x16xf32>
        tpu.vector_store %arg11[%swap3A_473, %swap3A_474], %swap3A_477 {strides = array<i32>} : memref<32x768xf32, #tpu.memory_space<vmem>>, vector<1x16xf32>,
        %add3A_478 = arith.addf %add3A_461, %add3A_472 : vector<16xf32>
        %mul3A_479 = arith.mulf %add3A_472, %add3A_472 : vector<16xf32>
        %add3A_480 = arith.addf %add3A_463, %mul3A_479 : vector<16xf32>
        %get3A_481 = arith.index_cast %scan3A_20 : i32 to index
        %get3A_482 = arith.constant 432 : index
        %get3A_483 = tpu.vector_load %arg9[%get3A_481, %get3A_482] {strides = array<i32>} : memref<32x768xf32, #tpu.memory_space<vmem>>, vector<1x16xf32>,
        %get3A_484 = vector.shape_cast %get3A_483 : vector<1x16xf32> to vector<16xf32>
        %get3A_485 = arith.index_cast %scan3A_20 : i32 to index
        %get3A_486 = arith.constant 432 : index
        %get3A_487 = tpu.vector_load %arg10[%get3A_485, %get3A_486] {strides = array<i32>} : memref<32x768xf32, #tpu.memory_space<vmem>>, vector<1x16xf32>,
        %get3A_488 = vector.shape_cast %get3A_487 : vector<1x16xf32> to vector<16xf32>
        %add3A_489 = arith.addf %get3A_484, %get3A_488 : vector<16xf32>
        %swap3A_490 = arith.index_cast %scan3A_20 : i32 to index
        %swap3A_491 = arith.constant 432 : index
        %swap3A_492 = tpu.vector_load %arg11[%swap3A_490, %swap3A_491] {strides = array<i32>} : memref<32x768xf32, #tpu.memory_space<vmem>>, vector<1x16xf32>,
        %swap3A_493 = vector.shape_cast %swap3A_492 : vector<1x16xf32> to vector<16xf32>
        %swap3A_494 = vector.shape_cast %add3A_489 : vector<16xf32> to vector<1x16xf32>
        tpu.vector_store %arg11[%swap3A_490, %swap3A_491], %swap3A_494 {strides = array<i32>} : memref<32x768xf32, #tpu.memory_space<vmem>>, vector<1x16xf32>,
        %add3A_495 = arith.addf %add3A_478, %add3A_489 : vector<16xf32>
        %mul3A_496 = arith.mulf %add3A_489, %add3A_489 : vector<16xf32>
        %add3A_497 = arith.addf %add3A_480, %mul3A_496 : vector<16xf32>
        %get3A_498 = arith.index_cast %scan3A_20 : i32 to index
        %get3A_499 = arith.constant 448 : index
        %get3A_500 = tpu.vector_load %arg9[%get3A_498, %get3A_499] {strides = array<i32>} : memref<32x768xf32, #tpu.memory_space<vmem>>, vector<1x16xf32>,
        %get3A_501 = vector.shape_cast %get3A_500 : vector<1x16xf32> to vector<16xf32>
        %get3A_502 = arith.index_cast %scan3A_20 : i32 to index
        %get3A_503 = arith.constant 448 : index
        %get3A_504 = tpu.vector_load %arg10[%get3A_502, %get3A_503] {strides = array<i32>} : memref<32x768xf32, #tpu.memory_space<vmem>>, vector<1x16xf32>,
        %get3A_505 = vector.shape_cast %get3A_504 : vector<1x16xf32> to vector<16xf32>
        %add3A_506 = arith.addf %get3A_501, %get3A_505 : vector<16xf32>
        %swap3A_507 = arith.index_cast %scan3A_20 : i32 to index
        %swap3A_508 = arith.constant 448 : index
        %swap3A_509 = tpu.vector_load %arg11[%swap3A_507, %swap3A_508] {strides = array<i32>} : memref<32x768xf32, #tpu.memory_space<vmem>>, vector<1x16xf32>,
        %swap3A_510 = vector.shape_cast %swap3A_509 : vector<1x16xf32> to vector<16xf32>
        %swap3A_511 = vector.shape_cast %add3A_506 : vector<16xf32> to vector<1x16xf32>
        tpu.vector_store %arg11[%swap3A_507, %swap3A_508], %swap3A_511 {strides = array<i32>} : memref<32x768xf32, #tpu.memory_space<vmem>>, vector<1x16xf32>,
        %add3A_512 = arith.addf %add3A_495, %add3A_506 : vector<16xf32>
        %mul3A_513 = arith.mulf %add3A_506, %add3A_506 : vector<16xf32>
        %add3A_514 = arith.addf %add3A_497, %mul3A_513 : vector<16xf32>
        %get3A_515 = arith.index_cast %scan3A_20 : i32 to index
        %get3A_516 = arith.constant 464 : index
        %get3A_517 = tpu.vector_load %arg9[%get3A_515, %get3A_516] {strides = array<i32>} : memref<32x768xf32, #tpu.memory_space<vmem>>, vector<1x16xf32>,
        %get3A_518 = vector.shape_cast %get3A_517 : vector<1x16xf32> to vector<16xf32>
        %get3A_519 = arith.index_cast %scan3A_20 : i32 to index
        %get3A_520 = arith.constant 464 : index
        %get3A_521 = tpu.vector_load %arg10[%get3A_519, %get3A_520] {strides = array<i32>} : memref<32x768xf32, #tpu.memory_space<vmem>>, vector<1x16xf32>,
        %get3A_522 = vector.shape_cast %get3A_521 : vector<1x16xf32> to vector<16xf32>
        %add3A_523 = arith.addf %get3A_518, %get3A_522 : vector<16xf32>
        %swap3A_524 = arith.index_cast %scan3A_20 : i32 to index
        %swap3A_525 = arith.constant 464 : index
        %swap3A_526 = tpu.vector_load %arg11[%swap3A_524, %swap3A_525] {strides = array<i32>} : memref<32x768xf32, #tpu.memory_space<vmem>>, vector<1x16xf32>,
        %swap3A_527 = vector.shape_cast %swap3A_526 : vector<1x16xf32> to vector<16xf32>
        %swap3A_528 = vector.shape_cast %add3A_523 : vector<16xf32> to vector<1x16xf32>
        tpu.vector_store %arg11[%swap3A_524, %swap3A_525], %swap3A_528 {strides = array<i32>} : memref<32x768xf32, #tpu.memory_space<vmem>>, vector<1x16xf32>,
        %add3A_529 = arith.addf %add3A_512, %add3A_523 : vector<16xf32>
        %mul3A_530 = arith.mulf %add3A_523, %add3A_523 : vector<16xf32>
        %add3A_531 = arith.addf %add3A_514, %mul3A_530 : vector<16xf32>
        %get3A_532 = arith.index_cast %scan3A_20 : i32 to index
        %get3A_533 = arith.constant 480 : index
        %get3A_534 = tpu.vector_load %arg9[%get3A_532, %get3A_533] {strides = array<i32>} : memref<32x768xf32, #tpu.memory_space<vmem>>, vector<1x16xf32>,
        %get3A_535 = vector.shape_cast %get3A_534 : vector<1x16xf32> to vector<16xf32>
        %get3A_536 = arith.index_cast %scan3A_20 : i32 to index
        %get3A_537 = arith.constant 480 : index
        %get3A_538 = tpu.vector_load %arg10[%get3A_536, %get3A_537] {strides = array<i32>} : memref<32x768xf32, #tpu.memory_space<vmem>>, vector<1x16xf32>,
        %get3A_539 = vector.shape_cast %get3A_538 : vector<1x16xf32> to vector<16xf32>
        %add3A_540 = arith.addf %get3A_535, %get3A_539 : vector<16xf32>
        %swap3A_541 = arith.index_cast %scan3A_20 : i32 to index
        %swap3A_542 = arith.constant 480 : index
        %swap3A_543 = tpu.vector_load %arg11[%swap3A_541, %swap3A_542] {strides = array<i32>} : memref<32x768xf32, #tpu.memory_space<vmem>>, vector<1x16xf32>,
        %swap3A_544 = vector.shape_cast %swap3A_543 : vector<1x16xf32> to vector<16xf32>
        %swap3A_545 = vector.shape_cast %add3A_540 : vector<16xf32> to vector<1x16xf32>
        tpu.vector_store %arg11[%swap3A_541, %swap3A_542], %swap3A_545 {strides = array<i32>} : memref<32x768xf32, #tpu.memory_space<vmem>>, vector<1x16xf32>,
        %add3A_546 = arith.addf %add3A_529, %add3A_540 : vector<16xf32>
        %mul3A_547 = arith.mulf %add3A_540, %add3A_540 : vector<16xf32>
        %add3A_548 = arith.addf %add3A_531, %mul3A_547 : vector<16xf32>
        %get3A_549 = arith.index_cast %scan3A_20 : i32 to index
        %get3A_550 = arith.constant 496 : index
        %get3A_551 = tpu.vector_load %arg9[%get3A_549, %get3A_550] {strides = array<i32>} : memref<32x768xf32, #tpu.memory_space<vmem>>, vector<1x16xf32>,
        %get3A_552 = vector.shape_cast %get3A_551 : vector<1x16xf32> to vector<16xf32>
        %get3A_553 = arith.index_cast %scan3A_20 : i32 to index
        %get3A_554 = arith.constant 496 : index
        %get3A_555 = tpu.vector_load %arg10[%get3A_553, %get3A_554] {strides = array<i32>} : memref<32x768xf32, #tpu.memory_space<vmem>>, vector<1x16xf32>,
        %get3A_556 = vector.shape_cast %get3A_555 : vector<1x16xf32> to vector<16xf32>
        %add3A_557 = arith.addf %get3A_552, %get3A_556 : vector<16xf32>
        %swap3A_558 = arith.index_cast %scan3A_20 : i32 to index
        %swap3A_559 = arith.constant 496 : index
        %swap3A_560 = tpu.vector_load %arg11[%swap3A_558, %swap3A_559] {strides = array<i32>} : memref<32x768xf32, #tpu.memory_space<vmem>>, vector<1x16xf32>,
        %swap3A_561 = vector.shape_cast %swap3A_560 : vector<1x16xf32> to vector<16xf32>
        %swap3A_562 = vector.shape_cast %add3A_557 : vector<16xf32> to vector<1x16xf32>
        tpu.vector_store %arg11[%swap3A_558, %swap3A_559], %swap3A_562 {strides = array<i32>} : memref<32x768xf32, #tpu.memory_space<vmem>>, vector<1x16xf32>,
        %add3A_563 = arith.addf %add3A_546, %add3A_557 : vector<16xf32>
        %mul3A_564 = arith.mulf %add3A_557, %add3A_557 : vector<16xf32>
        %add3A_565 = arith.addf %add3A_548, %mul3A_564 : vector<16xf32>
        %get3A_566 = arith.index_cast %scan3A_20 : i32 to index
        %get3A_567 = arith.constant 512 : index
        %get3A_568 = tpu.vector_load %arg9[%get3A_566, %get3A_567] {strides = array<i32>} : memref<32x768xf32, #tpu.memory_space<vmem>>, vector<1x16xf32>,
        %get3A_569 = vector.shape_cast %get3A_568 : vector<1x16xf32> to vector<16xf32>
        %get3A_570 = arith.index_cast %scan3A_20 : i32 to index
        %get3A_571 = arith.constant 512 : index
        %get3A_572 = tpu.vector_load %arg10[%get3A_570, %get3A_571] {strides = array<i32>} : memref<32x768xf32, #tpu.memory_space<vmem>>, vector<1x16xf32>,
        %get3A_573 = vector.shape_cast %get3A_572 : vector<1x16xf32> to vector<16xf32>
        %add3A_574 = arith.addf %get3A_569, %get3A_573 : vector<16xf32>
        %swap3A_575 = arith.index_cast %scan3A_20 : i32 to index
        %swap3A_576 = arith.constant 512 : index
        %swap3A_577 = tpu.vector_load %arg11[%swap3A_575, %swap3A_576] {strides = array<i32>} : memref<32x768xf32, #tpu.memory_space<vmem>>, vector<1x16xf32>,
        %swap3A_578 = vector.shape_cast %swap3A_577 : vector<1x16xf32> to vector<16xf32>
        %swap3A_579 = vector.shape_cast %add3A_574 : vector<16xf32> to vector<1x16xf32>
        tpu.vector_store %arg11[%swap3A_575, %swap3A_576], %swap3A_579 {strides = array<i32>} : memref<32x768xf32, #tpu.memory_space<vmem>>, vector<1x16xf32>,
        %add3A_580 = arith.addf %add3A_563, %add3A_574 : vector<16xf32>
        %mul3A_581 = arith.mulf %add3A_574, %add3A_574 : vector<16xf32>
        %add3A_582 = arith.addf %add3A_565, %mul3A_581 : vector<16xf32>
        %get3A_583 = arith.index_cast %scan3A_20 : i32 to index
        %get3A_584 = arith.constant 528 : index
        %get3A_585 = tpu.vector_load %arg9[%get3A_583, %get3A_584] {strides = array<i32>} : memref<32x768xf32, #tpu.memory_space<vmem>>, vector<1x16xf32>,
        %get3A_586 = vector.shape_cast %get3A_585 : vector<1x16xf32> to vector<16xf32>
        %get3A_587 = arith.index_cast %scan3A_20 : i32 to index
        %get3A_588 = arith.constant 528 : index
        %get3A_589 = tpu.vector_load %arg10[%get3A_587, %get3A_588] {strides = array<i32>} : memref<32x768xf32, #tpu.memory_space<vmem>>, vector<1x16xf32>,
        %get3A_590 = vector.shape_cast %get3A_589 : vector<1x16xf32> to vector<16xf32>
        %add3A_591 = arith.addf %get3A_586, %get3A_590 : vector<16xf32>
        %swap3A_592 = arith.index_cast %scan3A_20 : i32 to index
        %swap3A_593 = arith.constant 528 : index
        %swap3A_594 = tpu.vector_load %arg11[%swap3A_592, %swap3A_593] {strides = array<i32>} : memref<32x768xf32, #tpu.memory_space<vmem>>, vector<1x16xf32>,
        %swap3A_595 = vector.shape_cast %swap3A_594 : vector<1x16xf32> to vector<16xf32>
        %swap3A_596 = vector.shape_cast %add3A_591 : vector<16xf32> to vector<1x16xf32>
        tpu.vector_store %arg11[%swap3A_592, %swap3A_593], %swap3A_596 {strides = array<i32>} : memref<32x768xf32, #tpu.memory_space<vmem>>, vector<1x16xf32>,
        %add3A_597 = arith.addf %add3A_580, %add3A_591 : vector<16xf32>
        %mul3A_598 = arith.mulf %add3A_591, %add3A_591 : vector<16xf32>
        %add3A_599 = arith.addf %add3A_582, %mul3A_598 : vector<16xf32>
        %get3A_600 = arith.index_cast %scan3A_20 : i32 to index
        %get3A_601 = arith.constant 544 : index
        %get3A_602 = tpu.vector_load %arg9[%get3A_600, %get3A_601] {strides = array<i32>} : memref<32x768xf32, #tpu.memory_space<vmem>>, vector<1x16xf32>,
        %get3A_603 = vector.shape_cast %get3A_602 : vector<1x16xf32> to vector<16xf32>
        %get3A_604 = arith.index_cast %scan3A_20 : i32 to index
        %get3A_605 = arith.constant 544 : index
        %get3A_606 = tpu.vector_load %arg10[%get3A_604, %get3A_605] {strides = array<i32>} : memref<32x768xf32, #tpu.memory_space<vmem>>, vector<1x16xf32>,
        %get3A_607 = vector.shape_cast %get3A_606 : vector<1x16xf32> to vector<16xf32>
        %add3A_608 = arith.addf %get3A_603, %get3A_607 : vector<16xf32>
        %swap3A_609 = arith.index_cast %scan3A_20 : i32 to index
        %swap3A_610 = arith.constant 544 : index
        %swap3A_611 = tpu.vector_load %arg11[%swap3A_609, %swap3A_610] {strides = array<i32>} : memref<32x768xf32, #tpu.memory_space<vmem>>, vector<1x16xf32>,
        %swap3A_612 = vector.shape_cast %swap3A_611 : vector<1x16xf32> to vector<16xf32>
        %swap3A_613 = vector.shape_cast %add3A_608 : vector<16xf32> to vector<1x16xf32>
        tpu.vector_store %arg11[%swap3A_609, %swap3A_610], %swap3A_613 {strides = array<i32>} : memref<32x768xf32, #tpu.memory_space<vmem>>, vector<1x16xf32>,
        %add3A_614 = arith.addf %add3A_597, %add3A_608 : vector<16xf32>
        %mul3A_615 = arith.mulf %add3A_608, %add3A_608 : vector<16xf32>
        %add3A_616 = arith.addf %add3A_599, %mul3A_615 : vector<16xf32>
        %get3A_617 = arith.index_cast %scan3A_20 : i32 to index
        %get3A_618 = arith.constant 560 : index
        %get3A_619 = tpu.vector_load %arg9[%get3A_617, %get3A_618] {strides = array<i32>} : memref<32x768xf32, #tpu.memory_space<vmem>>, vector<1x16xf32>,
        %get3A_620 = vector.shape_cast %get3A_619 : vector<1x16xf32> to vector<16xf32>
        %get3A_621 = arith.index_cast %scan3A_20 : i32 to index
        %get3A_622 = arith.constant 560 : index
        %get3A_623 = tpu.vector_load %arg10[%get3A_621, %get3A_622] {strides = array<i32>} : memref<32x768xf32, #tpu.memory_space<vmem>>, vector<1x16xf32>,
        %get3A_624 = vector.shape_cast %get3A_623 : vector<1x16xf32> to vector<16xf32>
        %add3A_625 = arith.addf %get3A_620, %get3A_624 : vector<16xf32>
        %swap3A_626 = arith.index_cast %scan3A_20 : i32 to index
        %swap3A_627 = arith.constant 560 : index
        %swap3A_628 = tpu.vector_load %arg11[%swap3A_626, %swap3A_627] {strides = array<i32>} : memref<32x768xf32, #tpu.memory_space<vmem>>, vector<1x16xf32>,
        %swap3A_629 = vector.shape_cast %swap3A_628 : vector<1x16xf32> to vector<16xf32>
        %swap3A_630 = vector.shape_cast %add3A_625 : vector<16xf32> to vector<1x16xf32>
        tpu.vector_store %arg11[%swap3A_626, %swap3A_627], %swap3A_630 {strides = array<i32>} : memref<32x768xf32, #tpu.memory_space<vmem>>, vector<1x16xf32>,
        %add3A_631 = arith.addf %add3A_614, %add3A_625 : vector<16xf32>
        %mul3A_632 = arith.mulf %add3A_625, %add3A_625 : vector<16xf32>
        %add3A_633 = arith.addf %add3A_616, %mul3A_632 : vector<16xf32>
        %get3A_634 = arith.index_cast %scan3A_20 : i32 to index
        %get3A_635 = arith.constant 576 : index
        %get3A_636 = tpu.vector_load %arg9[%get3A_634, %get3A_635] {strides = array<i32>} : memref<32x768xf32, #tpu.memory_space<vmem>>, vector<1x16xf32>,
        %get3A_637 = vector.shape_cast %get3A_636 : vector<1x16xf32> to vector<16xf32>
        %get3A_638 = arith.index_cast %scan3A_20 : i32 to index
        %get3A_639 = arith.constant 576 : index
        %get3A_640 = tpu.vector_load %arg10[%get3A_638, %get3A_639] {strides = array<i32>} : memref<32x768xf32, #tpu.memory_space<vmem>>, vector<1x16xf32>,
        %get3A_641 = vector.shape_cast %get3A_640 : vector<1x16xf32> to vector<16xf32>
        %add3A_642 = arith.addf %get3A_637, %get3A_641 : vector<16xf32>
        %swap3A_643 = arith.index_cast %scan3A_20 : i32 to index
        %swap3A_644 = arith.constant 576 : index
        %swap3A_645 = tpu.vector_load %arg11[%swap3A_643, %swap3A_644] {strides = array<i32>} : memref<32x768xf32, #tpu.memory_space<vmem>>, vector<1x16xf32>,
        %swap3A_646 = vector.shape_cast %swap3A_645 : vector<1x16xf32> to vector<16xf32>
        %swap3A_647 = vector.shape_cast %add3A_642 : vector<16xf32> to vector<1x16xf32>
        tpu.vector_store %arg11[%swap3A_643, %swap3A_644], %swap3A_647 {strides = array<i32>} : memref<32x768xf32, #tpu.memory_space<vmem>>, vector<1x16xf32>,
        %add3A_648 = arith.addf %add3A_631, %add3A_642 : vector<16xf32>
        %mul3A_649 = arith.mulf %add3A_642, %add3A_642 : vector<16xf32>
        %add3A_650 = arith.addf %add3A_633, %mul3A_649 : vector<16xf32>
        %get3A_651 = arith.index_cast %scan3A_20 : i32 to index
        %get3A_652 = arith.constant 592 : index
        %get3A_653 = tpu.vector_load %arg9[%get3A_651, %get3A_652] {strides = array<i32>} : memref<32x768xf32, #tpu.memory_space<vmem>>, vector<1x16xf32>,
        %get3A_654 = vector.shape_cast %get3A_653 : vector<1x16xf32> to vector<16xf32>
        %get3A_655 = arith.index_cast %scan3A_20 : i32 to index
        %get3A_656 = arith.constant 592 : index
        %get3A_657 = tpu.vector_load %arg10[%get3A_655, %get3A_656] {strides = array<i32>} : memref<32x768xf32, #tpu.memory_space<vmem>>, vector<1x16xf32>,
        %get3A_658 = vector.shape_cast %get3A_657 : vector<1x16xf32> to vector<16xf32>
        %add3A_659 = arith.addf %get3A_654, %get3A_658 : vector<16xf32>
        %swap3A_660 = arith.index_cast %scan3A_20 : i32 to index
        %swap3A_661 = arith.constant 592 : index
        %swap3A_662 = tpu.vector_load %arg11[%swap3A_660, %swap3A_661] {strides = array<i32>} : memref<32x768xf32, #tpu.memory_space<vmem>>, vector<1x16xf32>,
        %swap3A_663 = vector.shape_cast %swap3A_662 : vector<1x16xf32> to vector<16xf32>
        %swap3A_664 = vector.shape_cast %add3A_659 : vector<16xf32> to vector<1x16xf32>
        tpu.vector_store %arg11[%swap3A_660, %swap3A_661], %swap3A_664 {strides = array<i32>} : memref<32x768xf32, #tpu.memory_space<vmem>>, vector<1x16xf32>,
        %add3A_665 = arith.addf %add3A_648, %add3A_659 : vector<16xf32>
        %mul3A_666 = arith.mulf %add3A_659, %add3A_659 : vector<16xf32>
        %add3A_667 = arith.addf %add3A_650, %mul3A_666 : vector<16xf32>
        %get3A_668 = arith.index_cast %scan3A_20 : i32 to index
        %get3A_669 = arith.constant 608 : index
        %get3A_670 = tpu.vector_load %arg9[%get3A_668, %get3A_669] {strides = array<i32>} : memref<32x768xf32, #tpu.memory_space<vmem>>, vector<1x16xf32>,
        %get3A_671 = vector.shape_cast %get3A_670 : vector<1x16xf32> to vector<16xf32>
        %get3A_672 = arith.index_cast %scan3A_20 : i32 to index
        %get3A_673 = arith.constant 608 : index
        %get3A_674 = tpu.vector_load %arg10[%get3A_672, %get3A_673] {strides = array<i32>} : memref<32x768xf32, #tpu.memory_space<vmem>>, vector<1x16xf32>,
        %get3A_675 = vector.shape_cast %get3A_674 : vector<1x16xf32> to vector<16xf32>
        %add3A_676 = arith.addf %get3A_671, %get3A_675 : vector<16xf32>
        %swap3A_677 = arith.index_cast %scan3A_20 : i32 to index
        %swap3A_678 = arith.constant 608 : index
        %swap3A_679 = tpu.vector_load %arg11[%swap3A_677, %swap3A_678] {strides = array<i32>} : memref<32x768xf32, #tpu.memory_space<vmem>>, vector<1x16xf32>,
        %swap3A_680 = vector.shape_cast %swap3A_679 : vector<1x16xf32> to vector<16xf32>
        %swap3A_681 = vector.shape_cast %add3A_676 : vector<16xf32> to vector<1x16xf32>
        tpu.vector_store %arg11[%swap3A_677, %swap3A_678], %swap3A_681 {strides = array<i32>} : memref<32x768xf32, #tpu.memory_space<vmem>>, vector<1x16xf32>,
        %add3A_682 = arith.addf %add3A_665, %add3A_676 : vector<16xf32>
        %mul3A_683 = arith.mulf %add3A_676, %add3A_676 : vector<16xf32>
        %add3A_684 = arith.addf %add3A_667, %mul3A_683 : vector<16xf32>
        %get3A_685 = arith.index_cast %scan3A_20 : i32 to index
        %get3A_686 = arith.constant 624 : index
        %get3A_687 = tpu.vector_load %arg9[%get3A_685, %get3A_686] {strides = array<i32>} : memref<32x768xf32, #tpu.memory_space<vmem>>, vector<1x16xf32>,
        %get3A_688 = vector.shape_cast %get3A_687 : vector<1x16xf32> to vector<16xf32>
        %get3A_689 = arith.index_cast %scan3A_20 : i32 to index
        %get3A_690 = arith.constant 624 : index
        %get3A_691 = tpu.vector_load %arg10[%get3A_689, %get3A_690] {strides = array<i32>} : memref<32x768xf32, #tpu.memory_space<vmem>>, vector<1x16xf32>,
        %get3A_692 = vector.shape_cast %get3A_691 : vector<1x16xf32> to vector<16xf32>
        %add3A_693 = arith.addf %get3A_688, %get3A_692 : vector<16xf32>
        %swap3A_694 = arith.index_cast %scan3A_20 : i32 to index
        %swap3A_695 = arith.constant 624 : index
        %swap3A_696 = tpu.vector_load %arg11[%swap3A_694, %swap3A_695] {strides = array<i32>} : memref<32x768xf32, #tpu.memory_space<vmem>>, vector<1x16xf32>,
        %swap3A_697 = vector.shape_cast %swap3A_696 : vector<1x16xf32> to vector<16xf32>
        %swap3A_698 = vector.shape_cast %add3A_693 : vector<16xf32> to vector<1x16xf32>
        tpu.vector_store %arg11[%swap3A_694, %swap3A_695], %swap3A_698 {strides = array<i32>} : memref<32x768xf32, #tpu.memory_space<vmem>>, vector<1x16xf32>,
        %add3A_699 = arith.addf %add3A_682, %add3A_693 : vector<16xf32>
        %mul3A_700 = arith.mulf %add3A_693, %add3A_693 : vector<16xf32>
        %add3A_701 = arith.addf %add3A_684, %mul3A_700 : vector<16xf32>
        %get3A_702 = arith.index_cast %scan3A_20 : i32 to index
        %get3A_703 = arith.constant 640 : index
        %get3A_704 = tpu.vector_load %arg9[%get3A_702, %get3A_703] {strides = array<i32>} : memref<32x768xf32, #tpu.memory_space<vmem>>, vector<1x16xf32>,
        %get3A_705 = vector.shape_cast %get3A_704 : vector<1x16xf32> to vector<16xf32>
        %get3A_706 = arith.index_cast %scan3A_20 : i32 to index
        %get3A_707 = arith.constant 640 : index
        %get3A_708 = tpu.vector_load %arg10[%get3A_706, %get3A_707] {strides = array<i32>} : memref<32x768xf32, #tpu.memory_space<vmem>>, vector<1x16xf32>,
        %get3A_709 = vector.shape_cast %get3A_708 : vector<1x16xf32> to vector<16xf32>
        %add3A_710 = arith.addf %get3A_705, %get3A_709 : vector<16xf32>
        %swap3A_711 = arith.index_cast %scan3A_20 : i32 to index
        %swap3A_712 = arith.constant 640 : index
        %swap3A_713 = tpu.vector_load %arg11[%swap3A_711, %swap3A_712] {strides = array<i32>} : memref<32x768xf32, #tpu.memory_space<vmem>>, vector<1x16xf32>,
        %swap3A_714 = vector.shape_cast %swap3A_713 : vector<1x16xf32> to vector<16xf32>
        %swap3A_715 = vector.shape_cast %add3A_710 : vector<16xf32> to vector<1x16xf32>
        tpu.vector_store %arg11[%swap3A_711, %swap3A_712], %swap3A_715 {strides = array<i32>} : memref<32x768xf32, #tpu.memory_space<vmem>>, vector<1x16xf32>,
        %add3A_716 = arith.addf %add3A_699, %add3A_710 : vector<16xf32>
        %mul3A_717 = arith.mulf %add3A_710, %add3A_710 : vector<16xf32>
        %add3A_718 = arith.addf %add3A_701, %mul3A_717 : vector<16xf32>
        %get3A_719 = arith.index_cast %scan3A_20 : i32 to index
        %get3A_720 = arith.constant 656 : index
        %get3A_721 = tpu.vector_load %arg9[%get3A_719, %get3A_720] {strides = array<i32>} : memref<32x768xf32, #tpu.memory_space<vmem>>, vector<1x16xf32>,
        %get3A_722 = vector.shape_cast %get3A_721 : vector<1x16xf32> to vector<16xf32>
        %get3A_723 = arith.index_cast %scan3A_20 : i32 to index
        %get3A_724 = arith.constant 656 : index
        %get3A_725 = tpu.vector_load %arg10[%get3A_723, %get3A_724] {strides = array<i32>} : memref<32x768xf32, #tpu.memory_space<vmem>>, vector<1x16xf32>,
        %get3A_726 = vector.shape_cast %get3A_725 : vector<1x16xf32> to vector<16xf32>
        %add3A_727 = arith.addf %get3A_722, %get3A_726 : vector<16xf32>
        %swap3A_728 = arith.index_cast %scan3A_20 : i32 to index
        %swap3A_729 = arith.constant 656 : index
        %swap3A_730 = tpu.vector_load %arg11[%swap3A_728, %swap3A_729] {strides = array<i32>} : memref<32x768xf32, #tpu.memory_space<vmem>>, vector<1x16xf32>,
        %swap3A_731 = vector.shape_cast %swap3A_730 : vector<1x16xf32> to vector<16xf32>
        %swap3A_732 = vector.shape_cast %add3A_727 : vector<16xf32> to vector<1x16xf32>
        tpu.vector_store %arg11[%swap3A_728, %swap3A_729], %swap3A_732 {strides = array<i32>} : memref<32x768xf32, #tpu.memory_space<vmem>>, vector<1x16xf32>,
        %add3A_733 = arith.addf %add3A_716, %add3A_727 : vector<16xf32>
        %mul3A_734 = arith.mulf %add3A_727, %add3A_727 : vector<16xf32>
        %add3A_735 = arith.addf %add3A_718, %mul3A_734 : vector<16xf32>
        %get3A_736 = arith.index_cast %scan3A_20 : i32 to index
        %get3A_737 = arith.constant 672 : index
        %get3A_738 = tpu.vector_load %arg9[%get3A_736, %get3A_737] {strides = array<i32>} : memref<32x768xf32, #tpu.memory_space<vmem>>, vector<1x16xf32>,
        %get3A_739 = vector.shape_cast %get3A_738 : vector<1x16xf32> to vector<16xf32>
        %get3A_740 = arith.index_cast %scan3A_20 : i32 to index
        %get3A_741 = arith.constant 672 : index
        %get3A_742 = tpu.vector_load %arg10[%get3A_740, %get3A_741] {strides = array<i32>} : memref<32x768xf32, #tpu.memory_space<vmem>>, vector<1x16xf32>,
        %get3A_743 = vector.shape_cast %get3A_742 : vector<1x16xf32> to vector<16xf32>
        %add3A_744 = arith.addf %get3A_739, %get3A_743 : vector<16xf32>
        %swap3A_745 = arith.index_cast %scan3A_20 : i32 to index
        %swap3A_746 = arith.constant 672 : index
        %swap3A_747 = tpu.vector_load %arg11[%swap3A_745, %swap3A_746] {strides = array<i32>} : memref<32x768xf32, #tpu.memory_space<vmem>>, vector<1x16xf32>,
        %swap3A_748 = vector.shape_cast %swap3A_747 : vector<1x16xf32> to vector<16xf32>
        %swap3A_749 = vector.shape_cast %add3A_744 : vector<16xf32> to vector<1x16xf32>
        tpu.vector_store %arg11[%swap3A_745, %swap3A_746], %swap3A_749 {strides = array<i32>} : memref<32x768xf32, #tpu.memory_space<vmem>>, vector<1x16xf32>,
        %add3A_750 = arith.addf %add3A_733, %add3A_744 : vector<16xf32>
        %mul3A_751 = arith.mulf %add3A_744, %add3A_744 : vector<16xf32>
        %add3A_752 = arith.addf %add3A_735, %mul3A_751 : vector<16xf32>
        %get3A_753 = arith.index_cast %scan3A_20 : i32 to index
        %get3A_754 = arith.constant 688 : index
        %get3A_755 = tpu.vector_load %arg9[%get3A_753, %get3A_754] {strides = array<i32>} : memref<32x768xf32, #tpu.memory_space<vmem>>, vector<1x16xf32>,
        %get3A_756 = vector.shape_cast %get3A_755 : vector<1x16xf32> to vector<16xf32>
        %get3A_757 = arith.index_cast %scan3A_20 : i32 to index
        %get3A_758 = arith.constant 688 : index
        %get3A_759 = tpu.vector_load %arg10[%get3A_757, %get3A_758] {strides = array<i32>} : memref<32x768xf32, #tpu.memory_space<vmem>>, vector<1x16xf32>,
        %get3A_760 = vector.shape_cast %get3A_759 : vector<1x16xf32> to vector<16xf32>
        %add3A_761 = arith.addf %get3A_756, %get3A_760 : vector<16xf32>
        %swap3A_762 = arith.index_cast %scan3A_20 : i32 to index
        %swap3A_763 = arith.constant 688 : index
        %swap3A_764 = tpu.vector_load %arg11[%swap3A_762, %swap3A_763] {strides = array<i32>} : memref<32x768xf32, #tpu.memory_space<vmem>>, vector<1x16xf32>,
        %swap3A_765 = vector.shape_cast %swap3A_764 : vector<1x16xf32> to vector<16xf32>
        %swap3A_766 = vector.shape_cast %add3A_761 : vector<16xf32> to vector<1x16xf32>
        tpu.vector_store %arg11[%swap3A_762, %swap3A_763], %swap3A_766 {strides = array<i32>} : memref<32x768xf32, #tpu.memory_space<vmem>>, vector<1x16xf32>,
        %add3A_767 = arith.addf %add3A_750, %add3A_761 : vector<16xf32>
        %mul3A_768 = arith.mulf %add3A_761, %add3A_761 : vector<16xf32>
        %add3A_769 = arith.addf %add3A_752, %mul3A_768 : vector<16xf32>
        %get3A_770 = arith.index_cast %scan3A_20 : i32 to index
        %get3A_771 = arith.constant 704 : index
        %get3A_772 = tpu.vector_load %arg9[%get3A_770, %get3A_771] {strides = array<i32>} : memref<32x768xf32, #tpu.memory_space<vmem>>, vector<1x16xf32>,
        %get3A_773 = vector.shape_cast %get3A_772 : vector<1x16xf32> to vector<16xf32>
        %get3A_774 = arith.index_cast %scan3A_20 : i32 to index
        %get3A_775 = arith.constant 704 : index
        %get3A_776 = tpu.vector_load %arg10[%get3A_774, %get3A_775] {strides = array<i32>} : memref<32x768xf32, #tpu.memory_space<vmem>>, vector<1x16xf32>,
        %get3A_777 = vector.shape_cast %get3A_776 : vector<1x16xf32> to vector<16xf32>
        %add3A_778 = arith.addf %get3A_773, %get3A_777 : vector<16xf32>
        %swap3A_779 = arith.index_cast %scan3A_20 : i32 to index
        %swap3A_780 = arith.constant 704 : index
        %swap3A_781 = tpu.vector_load %arg11[%swap3A_779, %swap3A_780] {strides = array<i32>} : memref<32x768xf32, #tpu.memory_space<vmem>>, vector<1x16xf32>,
        %swap3A_782 = vector.shape_cast %swap3A_781 : vector<1x16xf32> to vector<16xf32>
        %swap3A_783 = vector.shape_cast %add3A_778 : vector<16xf32> to vector<1x16xf32>
        tpu.vector_store %arg11[%swap3A_779, %swap3A_780], %swap3A_783 {strides = array<i32>} : memref<32x768xf32, #tpu.memory_space<vmem>>, vector<1x16xf32>,
        %add3A_784 = arith.addf %add3A_767, %add3A_778 : vector<16xf32>
        %mul3A_785 = arith.mulf %add3A_778, %add3A_778 : vector<16xf32>
        %add3A_786 = arith.addf %add3A_769, %mul3A_785 : vector<16xf32>
        %get3A_787 = arith.index_cast %scan3A_20 : i32 to index
        %get3A_788 = arith.constant 720 : index
        %get3A_789 = tpu.vector_load %arg9[%get3A_787, %get3A_788] {strides = array<i32>} : memref<32x768xf32, #tpu.memory_space<vmem>>, vector<1x16xf32>,
        %get3A_790 = vector.shape_cast %get3A_789 : vector<1x16xf32> to vector<16xf32>
        %get3A_791 = arith.index_cast %scan3A_20 : i32 to index
        %get3A_792 = arith.constant 720 : index
        %get3A_793 = tpu.vector_load %arg10[%get3A_791, %get3A_792] {strides = array<i32>} : memref<32x768xf32, #tpu.memory_space<vmem>>, vector<1x16xf32>,
        %get3A_794 = vector.shape_cast %get3A_793 : vector<1x16xf32> to vector<16xf32>
        %add3A_795 = arith.addf %get3A_790, %get3A_794 : vector<16xf32>
        %swap3A_796 = arith.index_cast %scan3A_20 : i32 to index
        %swap3A_797 = arith.constant 720 : index
        %swap3A_798 = tpu.vector_load %arg11[%swap3A_796, %swap3A_797] {strides = array<i32>} : memref<32x768xf32, #tpu.memory_space<vmem>>, vector<1x16xf32>,
        %swap3A_799 = vector.shape_cast %swap3A_798 : vector<1x16xf32> to vector<16xf32>
        %swap3A_800 = vector.shape_cast %add3A_795 : vector<16xf32> to vector<1x16xf32>
        tpu.vector_store %arg11[%swap3A_796, %swap3A_797], %swap3A_800 {strides = array<i32>} : memref<32x768xf32, #tpu.memory_space<vmem>>, vector<1x16xf32>,
        %add3A_801 = arith.addf %add3A_784, %add3A_795 : vector<16xf32>
        %mul3A_802 = arith.mulf %add3A_795, %add3A_795 : vector<16xf32>
        %add3A_803 = arith.addf %add3A_786, %mul3A_802 : vector<16xf32>
        %get3A_804 = arith.index_cast %scan3A_20 : i32 to index
        %get3A_805 = arith.constant 736 : index
        %get3A_806 = tpu.vector_load %arg9[%get3A_804, %get3A_805] {strides = array<i32>} : memref<32x768xf32, #tpu.memory_space<vmem>>, vector<1x16xf32>,
        %get3A_807 = vector.shape_cast %get3A_806 : vector<1x16xf32> to vector<16xf32>
        %get3A_808 = arith.index_cast %scan3A_20 : i32 to index
        %get3A_809 = arith.constant 736 : index
        %get3A_810 = tpu.vector_load %arg10[%get3A_808, %get3A_809] {strides = array<i32>} : memref<32x768xf32, #tpu.memory_space<vmem>>, vector<1x16xf32>,
        %get3A_811 = vector.shape_cast %get3A_810 : vector<1x16xf32> to vector<16xf32>
        %add3A_812 = arith.addf %get3A_807, %get3A_811 : vector<16xf32>
        %swap3A_813 = arith.index_cast %scan3A_20 : i32 to index
        %swap3A_814 = arith.constant 736 : index
        %swap3A_815 = tpu.vector_load %arg11[%swap3A_813, %swap3A_814] {strides = array<i32>} : memref<32x768xf32, #tpu.memory_space<vmem>>, vector<1x16xf32>,
        %swap3A_816 = vector.shape_cast %swap3A_815 : vector<1x16xf32> to vector<16xf32>
        %swap3A_817 = vector.shape_cast %add3A_812 : vector<16xf32> to vector<1x16xf32>
        tpu.vector_store %arg11[%swap3A_813, %swap3A_814], %swap3A_817 {strides = array<i32>} : memref<32x768xf32, #tpu.memory_space<vmem>>, vector<1x16xf32>,
        %add3A_818 = arith.addf %add3A_801, %add3A_812 : vector<16xf32>
        %mul3A_819 = arith.mulf %add3A_812, %add3A_812 : vector<16xf32>
        %add3A_820 = arith.addf %add3A_803, %mul3A_819 : vector<16xf32>
        %get3A_821 = arith.index_cast %scan3A_20 : i32 to index
        %get3A_822 = arith.constant 752 : index
        %get3A_823 = tpu.vector_load %arg9[%get3A_821, %get3A_822] {strides = array<i32>} : memref<32x768xf32, #tpu.memory_space<vmem>>, vector<1x16xf32>,
        %get3A_824 = vector.shape_cast %get3A_823 : vector<1x16xf32> to vector<16xf32>
        %get3A_825 = arith.index_cast %scan3A_20 : i32 to index
        %get3A_826 = arith.constant 752 : index
        %get3A_827 = tpu.vector_load %arg10[%get3A_825, %get3A_826] {strides = array<i32>} : memref<32x768xf32, #tpu.memory_space<vmem>>, vector<1x16xf32>,
        %get3A_828 = vector.shape_cast %get3A_827 : vector<1x16xf32> to vector<16xf32>
        %add3A_829 = arith.addf %get3A_824, %get3A_828 : vector<16xf32>
        %swap3A_830 = arith.index_cast %scan3A_20 : i32 to index
        %swap3A_831 = arith.constant 752 : index
        %swap3A_832 = tpu.vector_load %arg11[%swap3A_830, %swap3A_831] {strides = array<i32>} : memref<32x768xf32, #tpu.memory_space<vmem>>, vector<1x16xf32>,
        %swap3A_833 = vector.shape_cast %swap3A_832 : vector<1x16xf32> to vector<16xf32>
        %swap3A_834 = vector.shape_cast %add3A_829 : vector<16xf32> to vector<1x16xf32>
        tpu.vector_store %arg11[%swap3A_830, %swap3A_831], %swap3A_834 {strides = array<i32>} : memref<32x768xf32, #tpu.memory_space<vmem>>, vector<1x16xf32>,
        %add3A_835 = arith.addf %add3A_818, %add3A_829 : vector<16xf32>
        %mul3A_836 = arith.mulf %add3A_829, %add3A_829 : vector<16xf32>
        %add3A_837 = arith.addf %add3A_820, %mul3A_836 : vector<16xf32>
        %iota3A = tpu.iota {dimensions = array<i32: 0>} : vector<16xi32>
        %xor3A = arith.constant 1 : i32
        %xor3A_838 = vector.broadcast %xor3A : i32 to vector<16xi32>
        %xor3A_839 = arith.xori %iota3A, %xor3A_838 : vector<16xi32>
        %broadcast_in_dim3A_840 = vector.shape_cast %xor3A_839 : vector<16xi32> to vector<16x1xi32>
        %gather3A = vector.shape_cast %broadcast_in_dim3A_840 : vector<16x1xi32> to vector<16xi32>
        %gather3A_841 = tpu.dynamic_gather %add3A_835[%gather3A] in [0] : vector<16xf32>, vector<16xi32> -> vector<16xf32>
        %add3A_842 = arith.addf %add3A_835, %gather3A_841 : vector<16xf32>
        %broadcast_in_dim3A_843 = vector.shape_cast %xor3A_839 : vector<16xi32> to vector<16x1xi32>
        %gather3A_844 = vector.shape_cast %broadcast_in_dim3A_843 : vector<16x1xi32> to vector<16xi32>
        %gather3A_845 = tpu.dynamic_gather %add3A_837[%gather3A_844] in [0] : vector<16xf32>, vector<16xi32> -> vector<16xf32>
        %add3A_846 = arith.addf %add3A_837, %gather3A_845 : vector<16xf32>
        %iota3A_847 = tpu.iota {dimensions = array<i32: 0>} : vector<16xi32>
        %xor3A_848 = arith.constant 2 : i32
        %xor3A_849 = vector.broadcast %xor3A_848 : i32 to vector<16xi32>
        %xor3A_850 = arith.xori %iota3A_847, %xor3A_849 : vector<16xi32>
        %broadcast_in_dim3A_851 = vector.shape_cast %xor3A_850 : vector<16xi32> to vector<16x1xi32>
        %gather3A_852 = vector.shape_cast %broadcast_in_dim3A_851 : vector<16x1xi32> to vector<16xi32>
        %gather3A_853 = tpu.dynamic_gather %add3A_842[%gather3A_852] in [0] : vector<16xf32>, vector<16xi32> -> vector<16xf32>
        %add3A_854 = arith.addf %add3A_842, %gather3A_853 : vector<16xf32>
        %broadcast_in_dim3A_855 = vector.shape_cast %xor3A_850 : vector<16xi32> to vector<16x1xi32>
        %gather3A_856 = vector.shape_cast %broadcast_in_dim3A_855 : vector<16x1xi32> to vector<16xi32>
        %gather3A_857 = tpu.dynamic_gather %add3A_846[%gather3A_856] in [0] : vector<16xf32>, vector<16xi32> -> vector<16xf32>
        %add3A_858 = arith.addf %add3A_846, %gather3A_857 : vector<16xf32>
        %iota3A_859 = tpu.iota {dimensions = array<i32: 0>} : vector<16xi32>
        %xor3A_860 = arith.constant 4 : i32
        %xor3A_861 = vector.broadcast %xor3A_860 : i32 to vector<16xi32>
        %xor3A_862 = arith.xori %iota3A_859, %xor3A_861 : vector<16xi32>
        %broadcast_in_dim3A_863 = vector.shape_cast %xor3A_862 : vector<16xi32> to vector<16x1xi32>
        %gather3A_864 = vector.shape_cast %broadcast_in_dim3A_863 : vector<16x1xi32> to vector<16xi32>
        %gather3A_865 = tpu.dynamic_gather %add3A_854[%gather3A_864] in [0] : vector<16xf32>, vector<16xi32> -> vector<16xf32>
        %add3A_866 = arith.addf %add3A_854, %gather3A_865 : vector<16xf32>
        %broadcast_in_dim3A_867 = vector.shape_cast %xor3A_862 : vector<16xi32> to vector<16x1xi32>
        %gather3A_868 = vector.shape_cast %broadcast_in_dim3A_867 : vector<16x1xi32> to vector<16xi32>
        %gather3A_869 = tpu.dynamic_gather %add3A_858[%gather3A_868] in [0] : vector<16xf32>, vector<16xi32> -> vector<16xf32>
        %add3A_870 = arith.addf %add3A_858, %gather3A_869 : vector<16xf32>
        %iota3A_871 = tpu.iota {dimensions = array<i32: 0>} : vector<16xi32>
        %xor3A_872 = arith.constant 8 : i32
        %xor3A_873 = vector.broadcast %xor3A_872 : i32 to vector<16xi32>
        %xor3A_874 = arith.xori %iota3A_871, %xor3A_873 : vector<16xi32>
        %broadcast_in_dim3A_875 = vector.shape_cast %xor3A_874 : vector<16xi32> to vector<16x1xi32>
        %gather3A_876 = vector.shape_cast %broadcast_in_dim3A_875 : vector<16x1xi32> to vector<16xi32>
        %gather3A_877 = tpu.dynamic_gather %add3A_866[%gather3A_876] in [0] : vector<16xf32>, vector<16xi32> -> vector<16xf32>
        %add3A_878 = arith.addf %add3A_866, %gather3A_877 : vector<16xf32>
        %broadcast_in_dim3A_879 = vector.shape_cast %xor3A_874 : vector<16xi32> to vector<16x1xi32>
        %gather3A_880 = vector.shape_cast %broadcast_in_dim3A_879 : vector<16x1xi32> to vector<16xi32>
        %gather3A_881 = tpu.dynamic_gather %add3A_870[%gather3A_880] in [0] : vector<16xf32>, vector<16xi32> -> vector<16xf32>
        %add3A_882 = arith.addf %add3A_870, %gather3A_881 : vector<16xf32>
        %mul3A_883 = arith.constant 0.00130208337 : f32
        %mul3A_884 = vector.broadcast %mul3A_883 : f32 to vector<16xf32>
        %mul3A_885 = arith.mulf %add3A_878, %mul3A_884 : vector<16xf32>
        %mul3A_886 = arith.constant 0.00130208337 : f32
        %mul3A_887 = vector.broadcast %mul3A_886 : f32 to vector<16xf32>
        %mul3A_888 = arith.mulf %add3A_882, %mul3A_887 : vector<16xf32>
        %mul3A_889 = arith.mulf %mul3A_885, %mul3A_885 : vector<16xf32>
        %sub3A = arith.subf %mul3A_888, %mul3A_889 : vector<16xf32>
        %max3A = arith.constant 0.000000e+00 : f32
        %max3A_890 = vector.broadcast %max3A : f32 to vector<16xf32>
        %max3A_891 = arith.maximumf %sub3A, %max3A_890 : vector<16xf32>
        %add3A_892 = arith.constant 9.99999996E-13 : f32
        %add3A_893 = vector.broadcast %add3A_892 : f32 to vector<16xf32>
        %add3A_894 = arith.addf %max3A_891, %add3A_893 : vector<16xf32>
        %broadcast_in_dim3A_895 = arith.constant 1.000000e+00 : f32
        %broadcast_in_dim3A_896 = vector.broadcast %broadcast_in_dim3A_895 : f32 to vector<16xf32>
        %mul3A_897 = arith.mulf %add3A_894, %broadcast_in_dim3A_896 : vector<16xf32>
        %mul3A_898 = arith.mulf %mul3A_897, %broadcast_in_dim3A_896 : vector<16xf32>
        %ge3A = arith.constant 1.84467441E+19 : f32
        %ge3A_899 = vector.broadcast %ge3A : f32 to vector<16xf32>
        %ge3A_900 = arith.cmpf oge, %mul3A_898, %ge3A_899 : vector<16xf32>
        %lt3A = arith.constant 2.16840434E-19 : f32
        %lt3A_901 = vector.broadcast %lt3A : f32 to vector<16xf32>
        %lt3A_902 = arith.cmpf olt, %mul3A_898, %lt3A_901 : vector<16xf32>
        %jit3A = arith.constant 4.2949673E+9 : f32
        %jit3A_903 = arith.constant 1.000000e+00 : f32
        %broadcast_in_dim3A_904 = vector.broadcast %jit3A : f32 to vector<16xf32>
        %broadcast_in_dim3A_905 = vector.broadcast %jit3A_903 : f32 to vector<16xf32>
        %select_n3A = arith.select %lt3A_902, %broadcast_in_dim3A_904, %broadcast_in_dim3A_905 : vector<16xi1>, vector<16xf32>
        %jit3A_906 = arith.constant 2.32830644E-10 : f32
        %broadcast_in_dim3A_907 = vector.broadcast %jit3A_906 : f32 to vector<16xf32>
        %select_n3A_908 = arith.select %ge3A_900, %broadcast_in_dim3A_907, %select_n3A : vector<16xi1>, vector<16xf32>
        %mul3A_909 = arith.mulf %broadcast_in_dim3A_896, %select_n3A_908 : vector<16xf32>
        %mul3A_910 = arith.mulf %add3A_894, %mul3A_909 : vector<16xf32>
        %mul3A_911 = arith.mulf %mul3A_910, %mul3A_909 : vector<16xf32>
        %ge3A_912 = arith.constant 4.2949673E+9 : f32
        %ge3A_913 = vector.broadcast %ge3A_912 : f32 to vector<16xf32>
        %ge3A_914 = arith.cmpf oge, %mul3A_911, %ge3A_913 : vector<16xf32>
        %lt3A_915 = arith.constant 9.31322574E-10 : f32
        %lt3A_916 = vector.broadcast %lt3A_915 : f32 to vector<16xf32>
        %lt3A_917 = arith.cmpf olt, %mul3A_911, %lt3A_916 : vector<16xf32>
        %jit3A_918 = arith.constant 6.553600e+04 : f32
        %jit3A_919 = arith.constant 1.000000e+00 : f32
        %broadcast_in_dim3A_920 = vector.broadcast %jit3A_918 : f32 to vector<16xf32>
        %broadcast_in_dim3A_921 = vector.broadcast %jit3A_919 : f32 to vector<16xf32>
        %select_n3A_922 = arith.select %lt3A_917, %broadcast_in_dim3A_920, %broadcast_in_dim3A_921 : vector<16xi1>, vector<16xf32>
        %jit3A_923 = arith.constant 1.52587891E-5 : f32
        %broadcast_in_dim3A_924 = vector.broadcast %jit3A_923 : f32 to vector<16xf32>
        %select_n3A_925 = arith.select %ge3A_914, %broadcast_in_dim3A_924, %select_n3A_922 : vector<16xi1>, vector<16xf32>
        %mul3A_926 = arith.mulf %mul3A_909, %select_n3A_925 : vector<16xf32>
        %mul3A_927 = arith.mulf %add3A_894, %mul3A_926 : vector<16xf32>
        %mul3A_928 = arith.mulf %mul3A_927, %mul3A_926 : vector<16xf32>
        %ge3A_929 = arith.constant 6.553600e+04 : f32
        %ge3A_930 = vector.broadcast %ge3A_929 : f32 to vector<16xf32>
        %ge3A_931 = arith.cmpf oge, %mul3A_928, %ge3A_930 : vector<16xf32>
        %lt3A_932 = arith.constant 6.10351563E-5 : f32
        %lt3A_933 = vector.broadcast %lt3A_932 : f32 to vector<16xf32>
        %lt3A_934 = arith.cmpf olt, %mul3A_928, %lt3A_933 : vector<16xf32>
        %jit3A_935 = arith.constant 2.560000e+02 : f32
        %jit3A_936 = arith.constant 1.000000e+00 : f32
        %broadcast_in_dim3A_937 = vector.broadcast %jit3A_935 : f32 to vector<16xf32>
        %broadcast_in_dim3A_938 = vector.broadcast %jit3A_936 : f32 to vector<16xf32>
        %select_n3A_939 = arith.select %lt3A_934, %broadcast_in_dim3A_937, %broadcast_in_dim3A_938 : vector<16xi1>, vector<16xf32>
        %jit3A_940 = arith.constant 3.906250e-03 : f32
        %broadcast_in_dim3A_941 = vector.broadcast %jit3A_940 : f32 to vector<16xf32>
        %select_n3A_942 = arith.select %ge3A_931, %broadcast_in_dim3A_941, %select_n3A_939 : vector<16xi1>, vector<16xf32>
        %mul3A_943 = arith.mulf %mul3A_926, %select_n3A_942 : vector<16xf32>
        %mul3A_944 = arith.mulf %add3A_894, %mul3A_943 : vector<16xf32>
        %mul3A_945 = arith.mulf %mul3A_944, %mul3A_943 : vector<16xf32>
        %ge3A_946 = arith.constant 2.560000e+02 : f32
        %ge3A_947 = vector.broadcast %ge3A_946 : f32 to vector<16xf32>
        %ge3A_948 = arith.cmpf oge, %mul3A_945, %ge3A_947 : vector<16xf32>
        %lt3A_949 = arith.constant 1.562500e-02 : f32
        %lt3A_950 = vector.broadcast %lt3A_949 : f32 to vector<16xf32>
        %lt3A_951 = arith.cmpf olt, %mul3A_945, %lt3A_950 : vector<16xf32>
        %jit3A_952 = arith.constant 1.600000e+01 : f32
        %jit3A_953 = arith.constant 1.000000e+00 : f32
        %broadcast_in_dim3A_954 = vector.broadcast %jit3A_952 : f32 to vector<16xf32>
        %broadcast_in_dim3A_955 = vector.broadcast %jit3A_953 : f32 to vector<16xf32>
        %select_n3A_956 = arith.select %lt3A_951, %broadcast_in_dim3A_954, %broadcast_in_dim3A_955 : vector<16xi1>, vector<16xf32>
        %jit3A_957 = arith.constant 6.250000e-02 : f32
        %broadcast_in_dim3A_958 = vector.broadcast %jit3A_957 : f32 to vector<16xf32>
        %select_n3A_959 = arith.select %ge3A_948, %broadcast_in_dim3A_958, %select_n3A_956 : vector<16xi1>, vector<16xf32>
        %mul3A_960 = arith.mulf %mul3A_943, %select_n3A_959 : vector<16xf32>
        %mul3A_961 = arith.mulf %add3A_894, %mul3A_960 : vector<16xf32>
        %mul3A_962 = arith.mulf %mul3A_961, %mul3A_960 : vector<16xf32>
        %ge3A_963 = arith.constant 1.600000e+01 : f32
        %ge3A_964 = vector.broadcast %ge3A_963 : f32 to vector<16xf32>
        %ge3A_965 = arith.cmpf oge, %mul3A_962, %ge3A_964 : vector<16xf32>
        %lt3A_966 = arith.constant 2.500000e-01 : f32
        %lt3A_967 = vector.broadcast %lt3A_966 : f32 to vector<16xf32>
        %lt3A_968 = arith.cmpf olt, %mul3A_962, %lt3A_967 : vector<16xf32>
        %jit3A_969 = arith.constant 4.000000e+00 : f32
        %jit3A_970 = arith.constant 1.000000e+00 : f32
        %broadcast_in_dim3A_971 = vector.broadcast %jit3A_969 : f32 to vector<16xf32>
        %broadcast_in_dim3A_972 = vector.broadcast %jit3A_970 : f32 to vector<16xf32>
        %select_n3A_973 = arith.select %lt3A_968, %broadcast_in_dim3A_971, %broadcast_in_dim3A_972 : vector<16xi1>, vector<16xf32>
        %jit3A_974 = arith.constant 2.500000e-01 : f32
        %broadcast_in_dim3A_975 = vector.broadcast %jit3A_974 : f32 to vector<16xf32>
        %select_n3A_976 = arith.select %ge3A_965, %broadcast_in_dim3A_975, %select_n3A_973 : vector<16xi1>, vector<16xf32>
        %mul3A_977 = arith.mulf %mul3A_960, %select_n3A_976 : vector<16xf32>
        %mul3A_978 = arith.mulf %add3A_894, %mul3A_977 : vector<16xf32>
        %mul3A_979 = arith.mulf %mul3A_978, %mul3A_977 : vector<16xf32>
        %ge3A_980 = arith.constant 4.000000e+00 : f32
        %ge3A_981 = vector.broadcast %ge3A_980 : f32 to vector<16xf32>
        %ge3A_982 = arith.cmpf oge, %mul3A_979, %ge3A_981 : vector<16xf32>
        %lt3A_983 = arith.constant 1.000000e+00 : f32
        %lt3A_984 = vector.broadcast %lt3A_983 : f32 to vector<16xf32>
        %lt3A_985 = arith.cmpf olt, %mul3A_979, %lt3A_984 : vector<16xf32>
        %jit3A_986 = arith.constant 2.000000e+00 : f32
        %jit3A_987 = arith.constant 1.000000e+00 : f32
        %broadcast_in_dim3A_988 = vector.broadcast %jit3A_986 : f32 to vector<16xf32>
        %broadcast_in_dim3A_989 = vector.broadcast %jit3A_987 : f32 to vector<16xf32>
        %select_n3A_990 = arith.select %lt3A_985, %broadcast_in_dim3A_988, %broadcast_in_dim3A_989 : vector<16xi1>, vector<16xf32>
        %jit3A_991 = arith.constant 5.000000e-01 : f32
        %broadcast_in_dim3A_992 = vector.broadcast %jit3A_991 : f32 to vector<16xf32>
        %select_n3A_993 = arith.select %ge3A_982, %broadcast_in_dim3A_992, %select_n3A_990 : vector<16xi1>, vector<16xf32>
        %mul3A_994 = arith.mulf %mul3A_977, %select_n3A_993 : vector<16xf32>
        %mul3A_995 = arith.mulf %add3A_894, %mul3A_994 : vector<16xf32>
        %mul3A_996 = arith.mulf %mul3A_995, %mul3A_994 : vector<16xf32>
        %lt3A_997 = arith.constant 2.000000e+00 : f32
        %lt3A_998 = vector.broadcast %lt3A_997 : f32 to vector<16xf32>
        %lt3A_999 = arith.cmpf olt, %mul3A_996, %lt3A_998 : vector<16xf32>
        %jit3A_1000 = arith.constant 8.500000e-01 : f32
        %jit3A_1001 = arith.constant 6.000000e-01 : f32
        %broadcast_in_dim3A_1002 = vector.broadcast %jit3A_1000 : f32 to vector<16xf32>
        %broadcast_in_dim3A_1003 = vector.broadcast %jit3A_1001 : f32 to vector<16xf32>
        %select_n3A_1004 = arith.select %lt3A_999, %broadcast_in_dim3A_1002, %broadcast_in_dim3A_1003 : vector<16xi1>, vector<16xf32>
        %mul3A_1005 = arith.constant -5.000000e-01 : f32
        %mul3A_1006 = vector.broadcast %mul3A_1005 : f32 to vector<16xf32>
        %mul3A_1007 = arith.mulf %mul3A_996, %mul3A_1006 : vector<16xf32>
        %mul3A_1008 = arith.mulf %mul3A_1007, %select_n3A_1004 : vector<16xf32>
        %mul3A_1009 = arith.mulf %mul3A_1008, %select_n3A_1004 : vector<16xf32>
        %add3A_1010 = arith.constant 1.500000e+00 : f32
        %add3A_1011 = vector.broadcast %add3A_1010 : f32 to vector<16xf32>
        %add3A_1012 = arith.addf %mul3A_1009, %add3A_1011 : vector<16xf32>
        %mul3A_1013 = arith.mulf %select_n3A_1004, %add3A_1012 : vector<16xf32>
        %mul3A_1014 = arith.mulf %mul3A_1007, %mul3A_1013 : vector<16xf32>
        %mul3A_1015 = arith.mulf %mul3A_1014, %mul3A_1013 : vector<16xf32>
        %add3A_1016 = arith.constant 1.500000e+00 : f32
        %add3A_1017 = vector.broadcast %add3A_1016 : f32 to vector<16xf32>
        %add3A_1018 = arith.addf %mul3A_1015, %add3A_1017 : vector<16xf32>
        %mul3A_1019 = arith.mulf %mul3A_1013, %add3A_1018 : vector<16xf32>
        %mul3A_1020 = arith.mulf %mul3A_1007, %mul3A_1019 : vector<16xf32>
        %mul3A_1021 = arith.mulf %mul3A_1020, %mul3A_1019 : vector<16xf32>
        %add3A_1022 = arith.constant 1.500000e+00 : f32
        %add3A_1023 = vector.broadcast %add3A_1022 : f32 to vector<16xf32>
        %add3A_1024 = arith.addf %mul3A_1021, %add3A_1023 : vector<16xf32>
        %mul3A_1025 = arith.mulf %mul3A_1019, %add3A_1024 : vector<16xf32>
        %mul3A_1026 = arith.mulf %mul3A_1007, %mul3A_1025 : vector<16xf32>
        %mul3A_1027 = arith.mulf %mul3A_1026, %mul3A_1025 : vector<16xf32>
        %add3A_1028 = arith.constant 1.500000e+00 : f32
        %add3A_1029 = vector.broadcast %add3A_1028 : f32 to vector<16xf32>
        %add3A_1030 = arith.addf %mul3A_1027, %add3A_1029 : vector<16xf32>
        %mul3A_1031 = arith.mulf %mul3A_1025, %add3A_1030 : vector<16xf32>
        %mul3A_1032 = arith.mulf %mul3A_1007, %mul3A_1031 : vector<16xf32>
        %mul3A_1033 = arith.mulf %mul3A_1032, %mul3A_1031 : vector<16xf32>
        %add3A_1034 = arith.constant 1.500000e+00 : f32
        %add3A_1035 = vector.broadcast %add3A_1034 : f32 to vector<16xf32>
        %add3A_1036 = arith.addf %mul3A_1033, %add3A_1035 : vector<16xf32>
        %mul3A_1037 = arith.mulf %mul3A_1031, %add3A_1036 : vector<16xf32>
        %mul3A_1038 = arith.mulf %mul3A_1037, %mul3A_994 : vector<16xf32>
        %get3A_1039 = arith.index_cast %scan3A_20 : i32 to index
        %get3A_1040 = arith.constant 0 : index
        %get3A_1041 = tpu.vector_load %arg11[%get3A_1039, %get3A_1040] {strides = array<i32>} : memref<32x768xf32, #tpu.memory_space<vmem>>, vector<1x16xf32>,
        %get3A_1042 = vector.shape_cast %get3A_1041 : vector<1x16xf32> to vector<16xf32>
        %sub3A_1043 = arith.subf %get3A_1042, %mul3A_885 : vector<16xf32>
        %mul3A_1044 = arith.mulf %sub3A_1043, %mul3A_1038 : vector<16xf32>
        %get3A_1045 = arith.constant 0 : index
        %get3A_1046 = tpu.vector_load %arg12[%get3A_1045] {strides = array<i32>} : memref<768xf32, #tpu.memory_space<vmem>>, vector<16xf32>,
        %get3A_1047 = vector.shape_cast %get3A_1046 : vector<16xf32> to vector<16xf32>
        %mul3A_1048 = arith.mulf %mul3A_1044, %get3A_1047 : vector<16xf32>
        %get3A_1049 = arith.constant 0 : index
        %get3A_1050 = tpu.vector_load %arg13[%get3A_1049] {strides = array<i32>} : memref<768xf32, #tpu.memory_space<vmem>>, vector<16xf32>,
        %get3A_1051 = vector.shape_cast %get3A_1050 : vector<16xf32> to vector<16xf32>
        %add3A_1052 = arith.addf %mul3A_1048, %get3A_1051 : vector<16xf32>
        %swap3A_1053 = arith.index_cast %scan3A_20 : i32 to index
        %swap3A_1054 = arith.constant 0 : index
        %swap3A_1055 = tpu.vector_load %arg11[%swap3A_1053, %swap3A_1054] {strides = array<i32>} : memref<32x768xf32, #tpu.memory_space<vmem>>, vector<1x16xf32>,
        %swap3A_1056 = vector.shape_cast %swap3A_1055 : vector<1x16xf32> to vector<16xf32>
        %swap3A_1057 = vector.shape_cast %add3A_1052 : vector<16xf32> to vector<1x16xf32>
        tpu.vector_store %arg11[%swap3A_1053, %swap3A_1054], %swap3A_1057 {strides = array<i32>} : memref<32x768xf32, #tpu.memory_space<vmem>>, vector<1x16xf32>,
        %get3A_1058 = arith.index_cast %scan3A_20 : i32 to index
        %get3A_1059 = arith.constant 16 : index
        %get3A_1060 = tpu.vector_load %arg11[%get3A_1058, %get3A_1059] {strides = array<i32>} : memref<32x768xf32, #tpu.memory_space<vmem>>, vector<1x16xf32>,
        %get3A_1061 = vector.shape_cast %get3A_1060 : vector<1x16xf32> to vector<16xf32>
        %sub3A_1062 = arith.subf %get3A_1061, %mul3A_885 : vector<16xf32>
        %mul3A_1063 = arith.mulf %sub3A_1062, %mul3A_1038 : vector<16xf32>
        %get3A_1064 = arith.constant 16 : index
        %get3A_1065 = tpu.vector_load %arg12[%get3A_1064] {strides = array<i32>} : memref<768xf32, #tpu.memory_space<vmem>>, vector<16xf32>,
        %get3A_1066 = vector.shape_cast %get3A_1065 : vector<16xf32> to vector<16xf32>
        %mul3A_1067 = arith.mulf %mul3A_1063, %get3A_1066 : vector<16xf32>
        %get3A_1068 = arith.constant 16 : index
        %get3A_1069 = tpu.vector_load %arg13[%get3A_1068] {strides = array<i32>} : memref<768xf32, #tpu.memory_space<vmem>>, vector<16xf32>,
        %get3A_1070 = vector.shape_cast %get3A_1069 : vector<16xf32> to vector<16xf32>
        %add3A_1071 = arith.addf %mul3A_1067, %get3A_1070 : vector<16xf32>
        %swap3A_1072 = arith.index_cast %scan3A_20 : i32 to index
        %swap3A_1073 = arith.constant 16 : index
        %swap3A_1074 = tpu.vector_load %arg11[%swap3A_1072, %swap3A_1073] {strides = array<i32>} : memref<32x768xf32, #tpu.memory_space<vmem>>, vector<1x16xf32>,
        %swap3A_1075 = vector.shape_cast %swap3A_1074 : vector<1x16xf32> to vector<16xf32>
        %swap3A_1076 = vector.shape_cast %add3A_1071 : vector<16xf32> to vector<1x16xf32>
        tpu.vector_store %arg11[%swap3A_1072, %swap3A_1073], %swap3A_1076 {strides = array<i32>} : memref<32x768xf32, #tpu.memory_space<vmem>>, vector<1x16xf32>,
        %get3A_1077 = arith.index_cast %scan3A_20 : i32 to index
        %get3A_1078 = arith.constant 32 : index
        %get3A_1079 = tpu.vector_load %arg11[%get3A_1077, %get3A_1078] {strides = array<i32>} : memref<32x768xf32, #tpu.memory_space<vmem>>, vector<1x16xf32>,
        %get3A_1080 = vector.shape_cast %get3A_1079 : vector<1x16xf32> to vector<16xf32>
        %sub3A_1081 = arith.subf %get3A_1080, %mul3A_885 : vector<16xf32>
        %mul3A_1082 = arith.mulf %sub3A_1081, %mul3A_1038 : vector<16xf32>
        %get3A_1083 = arith.constant 32 : index
        %get3A_1084 = tpu.vector_load %arg12[%get3A_1083] {strides = array<i32>} : memref<768xf32, #tpu.memory_space<vmem>>, vector<16xf32>,
        %get3A_1085 = vector.shape_cast %get3A_1084 : vector<16xf32> to vector<16xf32>
        %mul3A_1086 = arith.mulf %mul3A_1082, %get3A_1085 : vector<16xf32>
        %get3A_1087 = arith.constant 32 : index
        %get3A_1088 = tpu.vector_load %arg13[%get3A_1087] {strides = array<i32>} : memref<768xf32, #tpu.memory_space<vmem>>, vector<16xf32>,
        %get3A_1089 = vector.shape_cast %get3A_1088 : vector<16xf32> to vector<16xf32>
        %add3A_1090 = arith.addf %mul3A_1086, %get3A_1089 : vector<16xf32>
        %swap3A_1091 = arith.index_cast %scan3A_20 : i32 to index
        %swap3A_1092 = arith.constant 32 : index
        %swap3A_1093 = tpu.vector_load %arg11[%swap3A_1091, %swap3A_1092] {strides = array<i32>} : memref<32x768xf32, #tpu.memory_space<vmem>>, vector<1x16xf32>,
        %swap3A_1094 = vector.shape_cast %swap3A_1093 : vector<1x16xf32> to vector<16xf32>
        %swap3A_1095 = vector.shape_cast %add3A_1090 : vector<16xf32> to vector<1x16xf32>
        tpu.vector_store %arg11[%swap3A_1091, %swap3A_1092], %swap3A_1095 {strides = array<i32>} : memref<32x768xf32, #tpu.memory_space<vmem>>, vector<1x16xf32>,
        %get3A_1096 = arith.index_cast %scan3A_20 : i32 to index
        %get3A_1097 = arith.constant 48 : index
        %get3A_1098 = tpu.vector_load %arg11[%get3A_1096, %get3A_1097] {strides = array<i32>} : memref<32x768xf32, #tpu.memory_space<vmem>>, vector<1x16xf32>,
        %get3A_1099 = vector.shape_cast %get3A_1098 : vector<1x16xf32> to vector<16xf32>
        %sub3A_1100 = arith.subf %get3A_1099, %mul3A_885 : vector<16xf32>
        %mul3A_1101 = arith.mulf %sub3A_1100, %mul3A_1038 : vector<16xf32>
        %get3A_1102 = arith.constant 48 : index
        %get3A_1103 = tpu.vector_load %arg12[%get3A_1102] {strides = array<i32>} : memref<768xf32, #tpu.memory_space<vmem>>, vector<16xf32>,
        %get3A_1104 = vector.shape_cast %get3A_1103 : vector<16xf32> to vector<16xf32>
        %mul3A_1105 = arith.mulf %mul3A_1101, %get3A_1104 : vector<16xf32>
        %get3A_1106 = arith.constant 48 : index
        %get3A_1107 = tpu.vector_load %arg13[%get3A_1106] {strides = array<i32>} : memref<768xf32, #tpu.memory_space<vmem>>, vector<16xf32>,
        %get3A_1108 = vector.shape_cast %get3A_1107 : vector<16xf32> to vector<16xf32>
        %add3A_1109 = arith.addf %mul3A_1105, %get3A_1108 : vector<16xf32>
        %swap3A_1110 = arith.index_cast %scan3A_20 : i32 to index
        %swap3A_1111 = arith.constant 48 : index
        %swap3A_1112 = tpu.vector_load %arg11[%swap3A_1110, %swap3A_1111] {strides = array<i32>} : memref<32x768xf32, #tpu.memory_space<vmem>>, vector<1x16xf32>,
        %swap3A_1113 = vector.shape_cast %swap3A_1112 : vector<1x16xf32> to vector<16xf32>
        %swap3A_1114 = vector.shape_cast %add3A_1109 : vector<16xf32> to vector<1x16xf32>
        tpu.vector_store %arg11[%swap3A_1110, %swap3A_1111], %swap3A_1114 {strides = array<i32>} : memref<32x768xf32, #tpu.memory_space<vmem>>, vector<1x16xf32>,
        %get3A_1115 = arith.index_cast %scan3A_20 : i32 to index
        %get3A_1116 = arith.constant 64 : index
        %get3A_1117 = tpu.vector_load %arg11[%get3A_1115, %get3A_1116] {strides = array<i32>} : memref<32x768xf32, #tpu.memory_space<vmem>>, vector<1x16xf32>,
        %get3A_1118 = vector.shape_cast %get3A_1117 : vector<1x16xf32> to vector<16xf32>
        %sub3A_1119 = arith.subf %get3A_1118, %mul3A_885 : vector<16xf32>
        %mul3A_1120 = arith.mulf %sub3A_1119, %mul3A_1038 : vector<16xf32>
        %get3A_1121 = arith.constant 64 : index
        %get3A_1122 = tpu.vector_load %arg12[%get3A_1121] {strides = array<i32>} : memref<768xf32, #tpu.memory_space<vmem>>, vector<16xf32>,
        %get3A_1123 = vector.shape_cast %get3A_1122 : vector<16xf32> to vector<16xf32>
        %mul3A_1124 = arith.mulf %mul3A_1120, %get3A_1123 : vector<16xf32>
        %get3A_1125 = arith.constant 64 : index
        %get3A_1126 = tpu.vector_load %arg13[%get3A_1125] {strides = array<i32>} : memref<768xf32, #tpu.memory_space<vmem>>, vector<16xf32>,
        %get3A_1127 = vector.shape_cast %get3A_1126 : vector<16xf32> to vector<16xf32>
        %add3A_1128 = arith.addf %mul3A_1124, %get3A_1127 : vector<16xf32>
        %swap3A_1129 = arith.index_cast %scan3A_20 : i32 to index
        %swap3A_1130 = arith.constant 64 : index
        %swap3A_1131 = tpu.vector_load %arg11[%swap3A_1129, %swap3A_1130] {strides = array<i32>} : memref<32x768xf32, #tpu.memory_space<vmem>>, vector<1x16xf32>,
        %swap3A_1132 = vector.shape_cast %swap3A_1131 : vector<1x16xf32> to vector<16xf32>
        %swap3A_1133 = vector.shape_cast %add3A_1128 : vector<16xf32> to vector<1x16xf32>
        tpu.vector_store %arg11[%swap3A_1129, %swap3A_1130], %swap3A_1133 {strides = array<i32>} : memref<32x768xf32, #tpu.memory_space<vmem>>, vector<1x16xf32>,
        %get3A_1134 = arith.index_cast %scan3A_20 : i32 to index
        %get3A_1135 = arith.constant 80 : index
        %get3A_1136 = tpu.vector_load %arg11[%get3A_1134, %get3A_1135] {strides = array<i32>} : memref<32x768xf32, #tpu.memory_space<vmem>>, vector<1x16xf32>,
        %get3A_1137 = vector.shape_cast %get3A_1136 : vector<1x16xf32> to vector<16xf32>
        %sub3A_1138 = arith.subf %get3A_1137, %mul3A_885 : vector<16xf32>
        %mul3A_1139 = arith.mulf %sub3A_1138, %mul3A_1038 : vector<16xf32>
        %get3A_1140 = arith.constant 80 : index
        %get3A_1141 = tpu.vector_load %arg12[%get3A_1140] {strides = array<i32>} : memref<768xf32, #tpu.memory_space<vmem>>, vector<16xf32>,
        %get3A_1142 = vector.shape_cast %get3A_1141 : vector<16xf32> to vector<16xf32>
        %mul3A_1143 = arith.mulf %mul3A_1139, %get3A_1142 : vector<16xf32>
        %get3A_1144 = arith.constant 80 : index
        %get3A_1145 = tpu.vector_load %arg13[%get3A_1144] {strides = array<i32>} : memref<768xf32, #tpu.memory_space<vmem>>, vector<16xf32>,
        %get3A_1146 = vector.shape_cast %get3A_1145 : vector<16xf32> to vector<16xf32>
        %add3A_1147 = arith.addf %mul3A_1143, %get3A_1146 : vector<16xf32>
        %swap3A_1148 = arith.index_cast %scan3A_20 : i32 to index
        %swap3A_1149 = arith.constant 80 : index
        %swap3A_1150 = tpu.vector_load %arg11[%swap3A_1148, %swap3A_1149] {strides = array<i32>} : memref<32x768xf32, #tpu.memory_space<vmem>>, vector<1x16xf32>,
        %swap3A_1151 = vector.shape_cast %swap3A_1150 : vector<1x16xf32> to vector<16xf32>
        %swap3A_1152 = vector.shape_cast %add3A_1147 : vector<16xf32> to vector<1x16xf32>
        tpu.vector_store %arg11[%swap3A_1148, %swap3A_1149], %swap3A_1152 {strides = array<i32>} : memref<32x768xf32, #tpu.memory_space<vmem>>, vector<1x16xf32>,
        %get3A_1153 = arith.index_cast %scan3A_20 : i32 to index
        %get3A_1154 = arith.constant 96 : index
        %get3A_1155 = tpu.vector_load %arg11[%get3A_1153, %get3A_1154] {strides = array<i32>} : memref<32x768xf32, #tpu.memory_space<vmem>>, vector<1x16xf32>,
        %get3A_1156 = vector.shape_cast %get3A_1155 : vector<1x16xf32> to vector<16xf32>
        %sub3A_1157 = arith.subf %get3A_1156, %mul3A_885 : vector<16xf32>
        %mul3A_1158 = arith.mulf %sub3A_1157, %mul3A_1038 : vector<16xf32>
        %get3A_1159 = arith.constant 96 : index
        %get3A_1160 = tpu.vector_load %arg12[%get3A_1159] {strides = array<i32>} : memref<768xf32, #tpu.memory_space<vmem>>, vector<16xf32>,
        %get3A_1161 = vector.shape_cast %get3A_1160 : vector<16xf32> to vector<16xf32>
        %mul3A_1162 = arith.mulf %mul3A_1158, %get3A_1161 : vector<16xf32>
        %get3A_1163 = arith.constant 96 : index
        %get3A_1164 = tpu.vector_load %arg13[%get3A_1163] {strides = array<i32>} : memref<768xf32, #tpu.memory_space<vmem>>, vector<16xf32>,
        %get3A_1165 = vector.shape_cast %get3A_1164 : vector<16xf32> to vector<16xf32>
        %add3A_1166 = arith.addf %mul3A_1162, %get3A_1165 : vector<16xf32>
        %swap3A_1167 = arith.index_cast %scan3A_20 : i32 to index
        %swap3A_1168 = arith.constant 96 : index
        %swap3A_1169 = tpu.vector_load %arg11[%swap3A_1167, %swap3A_1168] {strides = array<i32>} : memref<32x768xf32, #tpu.memory_space<vmem>>, vector<1x16xf32>,
        %swap3A_1170 = vector.shape_cast %swap3A_1169 : vector<1x16xf32> to vector<16xf32>
        %swap3A_1171 = vector.shape_cast %add3A_1166 : vector<16xf32> to vector<1x16xf32>
        tpu.vector_store %arg11[%swap3A_1167, %swap3A_1168], %swap3A_1171 {strides = array<i32>} : memref<32x768xf32, #tpu.memory_space<vmem>>, vector<1x16xf32>,
        %get3A_1172 = arith.index_cast %scan3A_20 : i32 to index
        %get3A_1173 = arith.constant 112 : index
        %get3A_1174 = tpu.vector_load %arg11[%get3A_1172, %get3A_1173] {strides = array<i32>} : memref<32x768xf32, #tpu.memory_space<vmem>>, vector<1x16xf32>,
        %get3A_1175 = vector.shape_cast %get3A_1174 : vector<1x16xf32> to vector<16xf32>
        %sub3A_1176 = arith.subf %get3A_1175, %mul3A_885 : vector<16xf32>
        %mul3A_1177 = arith.mulf %sub3A_1176, %mul3A_1038 : vector<16xf32>
        %get3A_1178 = arith.constant 112 : index
        %get3A_1179 = tpu.vector_load %arg12[%get3A_1178] {strides = array<i32>} : memref<768xf32, #tpu.memory_space<vmem>>, vector<16xf32>,
        %get3A_1180 = vector.shape_cast %get3A_1179 : vector<16xf32> to vector<16xf32>
        %mul3A_1181 = arith.mulf %mul3A_1177, %get3A_1180 : vector<16xf32>
        %get3A_1182 = arith.constant 112 : index
        %get3A_1183 = tpu.vector_load %arg13[%get3A_1182] {strides = array<i32>} : memref<768xf32, #tpu.memory_space<vmem>>, vector<16xf32>,
        %get3A_1184 = vector.shape_cast %get3A_1183 : vector<16xf32> to vector<16xf32>
        %add3A_1185 = arith.addf %mul3A_1181, %get3A_1184 : vector<16xf32>
        %swap3A_1186 = arith.index_cast %scan3A_20 : i32 to index
        %swap3A_1187 = arith.constant 112 : index
        %swap3A_1188 = tpu.vector_load %arg11[%swap3A_1186, %swap3A_1187] {strides = array<i32>} : memref<32x768xf32, #tpu.memory_space<vmem>>, vector<1x16xf32>,
        %swap3A_1189 = vector.shape_cast %swap3A_1188 : vector<1x16xf32> to vector<16xf32>
        %swap3A_1190 = vector.shape_cast %add3A_1185 : vector<16xf32> to vector<1x16xf32>
        tpu.vector_store %arg11[%swap3A_1186, %swap3A_1187], %swap3A_1190 {strides = array<i32>} : memref<32x768xf32, #tpu.memory_space<vmem>>, vector<1x16xf32>,
        %get3A_1191 = arith.index_cast %scan3A_20 : i32 to index
        %get3A_1192 = arith.constant 128 : index
        %get3A_1193 = tpu.vector_load %arg11[%get3A_1191, %get3A_1192] {strides = array<i32>} : memref<32x768xf32, #tpu.memory_space<vmem>>, vector<1x16xf32>,
        %get3A_1194 = vector.shape_cast %get3A_1193 : vector<1x16xf32> to vector<16xf32>
        %sub3A_1195 = arith.subf %get3A_1194, %mul3A_885 : vector<16xf32>
        %mul3A_1196 = arith.mulf %sub3A_1195, %mul3A_1038 : vector<16xf32>
        %get3A_1197 = arith.constant 128 : index
        %get3A_1198 = tpu.vector_load %arg12[%get3A_1197] {strides = array<i32>} : memref<768xf32, #tpu.memory_space<vmem>>, vector<16xf32>,
        %get3A_1199 = vector.shape_cast %get3A_1198 : vector<16xf32> to vector<16xf32>
        %mul3A_1200 = arith.mulf %mul3A_1196, %get3A_1199 : vector<16xf32>
        %get3A_1201 = arith.constant 128 : index
        %get3A_1202 = tpu.vector_load %arg13[%get3A_1201] {strides = array<i32>} : memref<768xf32, #tpu.memory_space<vmem>>, vector<16xf32>,
        %get3A_1203 = vector.shape_cast %get3A_1202 : vector<16xf32> to vector<16xf32>
        %add3A_1204 = arith.addf %mul3A_1200, %get3A_1203 : vector<16xf32>
        %swap3A_1205 = arith.index_cast %scan3A_20 : i32 to index
        %swap3A_1206 = arith.constant 128 : index
        %swap3A_1207 = tpu.vector_load %arg11[%swap3A_1205, %swap3A_1206] {strides = array<i32>} : memref<32x768xf32, #tpu.memory_space<vmem>>, vector<1x16xf32>,
        %swap3A_1208 = vector.shape_cast %swap3A_1207 : vector<1x16xf32> to vector<16xf32>
        %swap3A_1209 = vector.shape_cast %add3A_1204 : vector<16xf32> to vector<1x16xf32>
        tpu.vector_store %arg11[%swap3A_1205, %swap3A_1206], %swap3A_1209 {strides = array<i32>} : memref<32x768xf32, #tpu.memory_space<vmem>>, vector<1x16xf32>,
        %get3A_1210 = arith.index_cast %scan3A_20 : i32 to index
        %get3A_1211 = arith.constant 144 : index
        %get3A_1212 = tpu.vector_load %arg11[%get3A_1210, %get3A_1211] {strides = array<i32>} : memref<32x768xf32, #tpu.memory_space<vmem>>, vector<1x16xf32>,
        %get3A_1213 = vector.shape_cast %get3A_1212 : vector<1x16xf32> to vector<16xf32>
        %sub3A_1214 = arith.subf %get3A_1213, %mul3A_885 : vector<16xf32>
        %mul3A_1215 = arith.mulf %sub3A_1214, %mul3A_1038 : vector<16xf32>
        %get3A_1216 = arith.constant 144 : index
        %get3A_1217 = tpu.vector_load %arg12[%get3A_1216] {strides = array<i32>} : memref<768xf32, #tpu.memory_space<vmem>>, vector<16xf32>,
        %get3A_1218 = vector.shape_cast %get3A_1217 : vector<16xf32> to vector<16xf32>
        %mul3A_1219 = arith.mulf %mul3A_1215, %get3A_1218 : vector<16xf32>
        %get3A_1220 = arith.constant 144 : index
        %get3A_1221 = tpu.vector_load %arg13[%get3A_1220] {strides = array<i32>} : memref<768xf32, #tpu.memory_space<vmem>>, vector<16xf32>,
        %get3A_1222 = vector.shape_cast %get3A_1221 : vector<16xf32> to vector<16xf32>
        %add3A_1223 = arith.addf %mul3A_1219, %get3A_1222 : vector<16xf32>
        %swap3A_1224 = arith.index_cast %scan3A_20 : i32 to index
        %swap3A_1225 = arith.constant 144 : index
        %swap3A_1226 = tpu.vector_load %arg11[%swap3A_1224, %swap3A_1225] {strides = array<i32>} : memref<32x768xf32, #tpu.memory_space<vmem>>, vector<1x16xf32>,
        %swap3A_1227 = vector.shape_cast %swap3A_1226 : vector<1x16xf32> to vector<16xf32>
        %swap3A_1228 = vector.shape_cast %add3A_1223 : vector<16xf32> to vector<1x16xf32>
        tpu.vector_store %arg11[%swap3A_1224, %swap3A_1225], %swap3A_1228 {strides = array<i32>} : memref<32x768xf32, #tpu.memory_space<vmem>>, vector<1x16xf32>,
        %get3A_1229 = arith.index_cast %scan3A_20 : i32 to index
        %get3A_1230 = arith.constant 160 : index
        %get3A_1231 = tpu.vector_load %arg11[%get3A_1229, %get3A_1230] {strides = array<i32>} : memref<32x768xf32, #tpu.memory_space<vmem>>, vector<1x16xf32>,
        %get3A_1232 = vector.shape_cast %get3A_1231 : vector<1x16xf32> to vector<16xf32>
        %sub3A_1233 = arith.subf %get3A_1232, %mul3A_885 : vector<16xf32>
        %mul3A_1234 = arith.mulf %sub3A_1233, %mul3A_1038 : vector<16xf32>
        %get3A_1235 = arith.constant 160 : index
        %get3A_1236 = tpu.vector_load %arg12[%get3A_1235] {strides = array<i32>} : memref<768xf32, #tpu.memory_space<vmem>>, vector<16xf32>,
        %get3A_1237 = vector.shape_cast %get3A_1236 : vector<16xf32> to vector<16xf32>
        %mul3A_1238 = arith.mulf %mul3A_1234, %get3A_1237 : vector<16xf32>
        %get3A_1239 = arith.constant 160 : index
        %get3A_1240 = tpu.vector_load %arg13[%get3A_1239] {strides = array<i32>} : memref<768xf32, #tpu.memory_space<vmem>>, vector<16xf32>,
        %get3A_1241 = vector.shape_cast %get3A_1240 : vector<16xf32> to vector<16xf32>
        %add3A_1242 = arith.addf %mul3A_1238, %get3A_1241 : vector<16xf32>
        %swap3A_1243 = arith.index_cast %scan3A_20 : i32 to index
        %swap3A_1244 = arith.constant 160 : index
        %swap3A_1245 = tpu.vector_load %arg11[%swap3A_1243, %swap3A_1244] {strides = array<i32>} : memref<32x768xf32, #tpu.memory_space<vmem>>, vector<1x16xf32>,
        %swap3A_1246 = vector.shape_cast %swap3A_1245 : vector<1x16xf32> to vector<16xf32>
        %swap3A_1247 = vector.shape_cast %add3A_1242 : vector<16xf32> to vector<1x16xf32>
        tpu.vector_store %arg11[%swap3A_1243, %swap3A_1244], %swap3A_1247 {strides = array<i32>} : memref<32x768xf32, #tpu.memory_space<vmem>>, vector<1x16xf32>,
        %get3A_1248 = arith.index_cast %scan3A_20 : i32 to index
        %get3A_1249 = arith.constant 176 : index
        %get3A_1250 = tpu.vector_load %arg11[%get3A_1248, %get3A_1249] {strides = array<i32>} : memref<32x768xf32, #tpu.memory_space<vmem>>, vector<1x16xf32>,
        %get3A_1251 = vector.shape_cast %get3A_1250 : vector<1x16xf32> to vector<16xf32>
        %sub3A_1252 = arith.subf %get3A_1251, %mul3A_885 : vector<16xf32>
        %mul3A_1253 = arith.mulf %sub3A_1252, %mul3A_1038 : vector<16xf32>
        %get3A_1254 = arith.constant 176 : index
        %get3A_1255 = tpu.vector_load %arg12[%get3A_1254] {strides = array<i32>} : memref<768xf32, #tpu.memory_space<vmem>>, vector<16xf32>,
        %get3A_1256 = vector.shape_cast %get3A_1255 : vector<16xf32> to vector<16xf32>
        %mul3A_1257 = arith.mulf %mul3A_1253, %get3A_1256 : vector<16xf32>
        %get3A_1258 = arith.constant 176 : index
        %get3A_1259 = tpu.vector_load %arg13[%get3A_1258] {strides = array<i32>} : memref<768xf32, #tpu.memory_space<vmem>>, vector<16xf32>,
        %get3A_1260 = vector.shape_cast %get3A_1259 : vector<16xf32> to vector<16xf32>
        %add3A_1261 = arith.addf %mul3A_1257, %get3A_1260 : vector<16xf32>
        %swap3A_1262 = arith.index_cast %scan3A_20 : i32 to index
        %swap3A_1263 = arith.constant 176 : index
        %swap3A_1264 = tpu.vector_load %arg11[%swap3A_1262, %swap3A_1263] {strides = array<i32>} : memref<32x768xf32, #tpu.memory_space<vmem>>, vector<1x16xf32>,
        %swap3A_1265 = vector.shape_cast %swap3A_1264 : vector<1x16xf32> to vector<16xf32>
        %swap3A_1266 = vector.shape_cast %add3A_1261 : vector<16xf32> to vector<1x16xf32>
        tpu.vector_store %arg11[%swap3A_1262, %swap3A_1263], %swap3A_1266 {strides = array<i32>} : memref<32x768xf32, #tpu.memory_space<vmem>>, vector<1x16xf32>,
        %get3A_1267 = arith.index_cast %scan3A_20 : i32 to index
        %get3A_1268 = arith.constant 192 : index
        %get3A_1269 = tpu.vector_load %arg11[%get3A_1267, %get3A_1268] {strides = array<i32>} : memref<32x768xf32, #tpu.memory_space<vmem>>, vector<1x16xf32>,
        %get3A_1270 = vector.shape_cast %get3A_1269 : vector<1x16xf32> to vector<16xf32>
        %sub3A_1271 = arith.subf %get3A_1270, %mul3A_885 : vector<16xf32>
        %mul3A_1272 = arith.mulf %sub3A_1271, %mul3A_1038 : vector<16xf32>
        %get3A_1273 = arith.constant 192 : index
        %get3A_1274 = tpu.vector_load %arg12[%get3A_1273] {strides = array<i32>} : memref<768xf32, #tpu.memory_space<vmem>>, vector<16xf32>,
        %get3A_1275 = vector.shape_cast %get3A_1274 : vector<16xf32> to vector<16xf32>
        %mul3A_1276 = arith.mulf %mul3A_1272, %get3A_1275 : vector<16xf32>
        %get3A_1277 = arith.constant 192 : index
        %get3A_1278 = tpu.vector_load %arg13[%get3A_1277] {strides = array<i32>} : memref<768xf32, #tpu.memory_space<vmem>>, vector<16xf32>,
        %get3A_1279 = vector.shape_cast %get3A_1278 : vector<16xf32> to vector<16xf32>
        %add3A_1280 = arith.addf %mul3A_1276, %get3A_1279 : vector<16xf32>
        %swap3A_1281 = arith.index_cast %scan3A_20 : i32 to index
        %swap3A_1282 = arith.constant 192 : index
        %swap3A_1283 = tpu.vector_load %arg11[%swap3A_1281, %swap3A_1282] {strides = array<i32>} : memref<32x768xf32, #tpu.memory_space<vmem>>, vector<1x16xf32>,
        %swap3A_1284 = vector.shape_cast %swap3A_1283 : vector<1x16xf32> to vector<16xf32>
        %swap3A_1285 = vector.shape_cast %add3A_1280 : vector<16xf32> to vector<1x16xf32>
        tpu.vector_store %arg11[%swap3A_1281, %swap3A_1282], %swap3A_1285 {strides = array<i32>} : memref<32x768xf32, #tpu.memory_space<vmem>>, vector<1x16xf32>,
        %get3A_1286 = arith.index_cast %scan3A_20 : i32 to index
        %get3A_1287 = arith.constant 208 : index
        %get3A_1288 = tpu.vector_load %arg11[%get3A_1286, %get3A_1287] {strides = array<i32>} : memref<32x768xf32, #tpu.memory_space<vmem>>, vector<1x16xf32>,
        %get3A_1289 = vector.shape_cast %get3A_1288 : vector<1x16xf32> to vector<16xf32>
        %sub3A_1290 = arith.subf %get3A_1289, %mul3A_885 : vector<16xf32>
        %mul3A_1291 = arith.mulf %sub3A_1290, %mul3A_1038 : vector<16xf32>
        %get3A_1292 = arith.constant 208 : index
        %get3A_1293 = tpu.vector_load %arg12[%get3A_1292] {strides = array<i32>} : memref<768xf32, #tpu.memory_space<vmem>>, vector<16xf32>,
        %get3A_1294 = vector.shape_cast %get3A_1293 : vector<16xf32> to vector<16xf32>
        %mul3A_1295 = arith.mulf %mul3A_1291, %get3A_1294 : vector<16xf32>
        %get3A_1296 = arith.constant 208 : index
        %get3A_1297 = tpu.vector_load %arg13[%get3A_1296] {strides = array<i32>} : memref<768xf32, #tpu.memory_space<vmem>>, vector<16xf32>,
        %get3A_1298 = vector.shape_cast %get3A_1297 : vector<16xf32> to vector<16xf32>
        %add3A_1299 = arith.addf %mul3A_1295, %get3A_1298 : vector<16xf32>
        %swap3A_1300 = arith.index_cast %scan3A_20 : i32 to index
        %swap3A_1301 = arith.constant 208 : index
        %swap3A_1302 = tpu.vector_load %arg11[%swap3A_1300, %swap3A_1301] {strides = array<i32>} : memref<32x768xf32, #tpu.memory_space<vmem>>, vector<1x16xf32>,
        %swap3A_1303 = vector.shape_cast %swap3A_1302 : vector<1x16xf32> to vector<16xf32>
        %swap3A_1304 = vector.shape_cast %add3A_1299 : vector<16xf32> to vector<1x16xf32>
        tpu.vector_store %arg11[%swap3A_1300, %swap3A_1301], %swap3A_1304 {strides = array<i32>} : memref<32x768xf32, #tpu.memory_space<vmem>>, vector<1x16xf32>,
        %get3A_1305 = arith.index_cast %scan3A_20 : i32 to index
        %get3A_1306 = arith.constant 224 : index
        %get3A_1307 = tpu.vector_load %arg11[%get3A_1305, %get3A_1306] {strides = array<i32>} : memref<32x768xf32, #tpu.memory_space<vmem>>, vector<1x16xf32>,
        %get3A_1308 = vector.shape_cast %get3A_1307 : vector<1x16xf32> to vector<16xf32>
        %sub3A_1309 = arith.subf %get3A_1308, %mul3A_885 : vector<16xf32>
        %mul3A_1310 = arith.mulf %sub3A_1309, %mul3A_1038 : vector<16xf32>
        %get3A_1311 = arith.constant 224 : index
        %get3A_1312 = tpu.vector_load %arg12[%get3A_1311] {strides = array<i32>} : memref<768xf32, #tpu.memory_space<vmem>>, vector<16xf32>,
        %get3A_1313 = vector.shape_cast %get3A_1312 : vector<16xf32> to vector<16xf32>
        %mul3A_1314 = arith.mulf %mul3A_1310, %get3A_1313 : vector<16xf32>
        %get3A_1315 = arith.constant 224 : index
        %get3A_1316 = tpu.vector_load %arg13[%get3A_1315] {strides = array<i32>} : memref<768xf32, #tpu.memory_space<vmem>>, vector<16xf32>,
        %get3A_1317 = vector.shape_cast %get3A_1316 : vector<16xf32> to vector<16xf32>
        %add3A_1318 = arith.addf %mul3A_1314, %get3A_1317 : vector<16xf32>
        %swap3A_1319 = arith.index_cast %scan3A_20 : i32 to index
        %swap3A_1320 = arith.constant 224 : index
        %swap3A_1321 = tpu.vector_load %arg11[%swap3A_1319, %swap3A_1320] {strides = array<i32>} : memref<32x768xf32, #tpu.memory_space<vmem>>, vector<1x16xf32>,
        %swap3A_1322 = vector.shape_cast %swap3A_1321 : vector<1x16xf32> to vector<16xf32>
        %swap3A_1323 = vector.shape_cast %add3A_1318 : vector<16xf32> to vector<1x16xf32>
        tpu.vector_store %arg11[%swap3A_1319, %swap3A_1320], %swap3A_1323 {strides = array<i32>} : memref<32x768xf32, #tpu.memory_space<vmem>>, vector<1x16xf32>,
        %get3A_1324 = arith.index_cast %scan3A_20 : i32 to index
        %get3A_1325 = arith.constant 240 : index
        %get3A_1326 = tpu.vector_load %arg11[%get3A_1324, %get3A_1325] {strides = array<i32>} : memref<32x768xf32, #tpu.memory_space<vmem>>, vector<1x16xf32>,
        %get3A_1327 = vector.shape_cast %get3A_1326 : vector<1x16xf32> to vector<16xf32>
        %sub3A_1328 = arith.subf %get3A_1327, %mul3A_885 : vector<16xf32>
        %mul3A_1329 = arith.mulf %sub3A_1328, %mul3A_1038 : vector<16xf32>
        %get3A_1330 = arith.constant 240 : index
        %get3A_1331 = tpu.vector_load %arg12[%get3A_1330] {strides = array<i32>} : memref<768xf32, #tpu.memory_space<vmem>>, vector<16xf32>,
        %get3A_1332 = vector.shape_cast %get3A_1331 : vector<16xf32> to vector<16xf32>
        %mul3A_1333 = arith.mulf %mul3A_1329, %get3A_1332 : vector<16xf32>
        %get3A_1334 = arith.constant 240 : index
        %get3A_1335 = tpu.vector_load %arg13[%get3A_1334] {strides = array<i32>} : memref<768xf32, #tpu.memory_space<vmem>>, vector<16xf32>,
        %get3A_1336 = vector.shape_cast %get3A_1335 : vector<16xf32> to vector<16xf32>
        %add3A_1337 = arith.addf %mul3A_1333, %get3A_1336 : vector<16xf32>
        %swap3A_1338 = arith.index_cast %scan3A_20 : i32 to index
        %swap3A_1339 = arith.constant 240 : index
        %swap3A_1340 = tpu.vector_load %arg11[%swap3A_1338, %swap3A_1339] {strides = array<i32>} : memref<32x768xf32, #tpu.memory_space<vmem>>, vector<1x16xf32>,
        %swap3A_1341 = vector.shape_cast %swap3A_1340 : vector<1x16xf32> to vector<16xf32>
        %swap3A_1342 = vector.shape_cast %add3A_1337 : vector<16xf32> to vector<1x16xf32>
        tpu.vector_store %arg11[%swap3A_1338, %swap3A_1339], %swap3A_1342 {strides = array<i32>} : memref<32x768xf32, #tpu.memory_space<vmem>>, vector<1x16xf32>,
        %get3A_1343 = arith.index_cast %scan3A_20 : i32 to index
        %get3A_1344 = arith.constant 256 : index
        %get3A_1345 = tpu.vector_load %arg11[%get3A_1343, %get3A_1344] {strides = array<i32>} : memref<32x768xf32, #tpu.memory_space<vmem>>, vector<1x16xf32>,
        %get3A_1346 = vector.shape_cast %get3A_1345 : vector<1x16xf32> to vector<16xf32>
        %sub3A_1347 = arith.subf %get3A_1346, %mul3A_885 : vector<16xf32>
        %mul3A_1348 = arith.mulf %sub3A_1347, %mul3A_1038 : vector<16xf32>
        %get3A_1349 = arith.constant 256 : index
        %get3A_1350 = tpu.vector_load %arg12[%get3A_1349] {strides = array<i32>} : memref<768xf32, #tpu.memory_space<vmem>>, vector<16xf32>,
        %get3A_1351 = vector.shape_cast %get3A_1350 : vector<16xf32> to vector<16xf32>
        %mul3A_1352 = arith.mulf %mul3A_1348, %get3A_1351 : vector<16xf32>
        %get3A_1353 = arith.constant 256 : index
        %get3A_1354 = tpu.vector_load %arg13[%get3A_1353] {strides = array<i32>} : memref<768xf32, #tpu.memory_space<vmem>>, vector<16xf32>,
        %get3A_1355 = vector.shape_cast %get3A_1354 : vector<16xf32> to vector<16xf32>
        %add3A_1356 = arith.addf %mul3A_1352, %get3A_1355 : vector<16xf32>
        %swap3A_1357 = arith.index_cast %scan3A_20 : i32 to index
        %swap3A_1358 = arith.constant 256 : index
        %swap3A_1359 = tpu.vector_load %arg11[%swap3A_1357, %swap3A_1358] {strides = array<i32>} : memref<32x768xf32, #tpu.memory_space<vmem>>, vector<1x16xf32>,
        %swap3A_1360 = vector.shape_cast %swap3A_1359 : vector<1x16xf32> to vector<16xf32>
        %swap3A_1361 = vector.shape_cast %add3A_1356 : vector<16xf32> to vector<1x16xf32>
        tpu.vector_store %arg11[%swap3A_1357, %swap3A_1358], %swap3A_1361 {strides = array<i32>} : memref<32x768xf32, #tpu.memory_space<vmem>>, vector<1x16xf32>,
        %get3A_1362 = arith.index_cast %scan3A_20 : i32 to index
        %get3A_1363 = arith.constant 272 : index
        %get3A_1364 = tpu.vector_load %arg11[%get3A_1362, %get3A_1363] {strides = array<i32>} : memref<32x768xf32, #tpu.memory_space<vmem>>, vector<1x16xf32>,
        %get3A_1365 = vector.shape_cast %get3A_1364 : vector<1x16xf32> to vector<16xf32>
        %sub3A_1366 = arith.subf %get3A_1365, %mul3A_885 : vector<16xf32>
        %mul3A_1367 = arith.mulf %sub3A_1366, %mul3A_1038 : vector<16xf32>
        %get3A_1368 = arith.constant 272 : index
        %get3A_1369 = tpu.vector_load %arg12[%get3A_1368] {strides = array<i32>} : memref<768xf32, #tpu.memory_space<vmem>>, vector<16xf32>,
        %get3A_1370 = vector.shape_cast %get3A_1369 : vector<16xf32> to vector<16xf32>
        %mul3A_1371 = arith.mulf %mul3A_1367, %get3A_1370 : vector<16xf32>
        %get3A_1372 = arith.constant 272 : index
        %get3A_1373 = tpu.vector_load %arg13[%get3A_1372] {strides = array<i32>} : memref<768xf32, #tpu.memory_space<vmem>>, vector<16xf32>,
        %get3A_1374 = vector.shape_cast %get3A_1373 : vector<16xf32> to vector<16xf32>
        %add3A_1375 = arith.addf %mul3A_1371, %get3A_1374 : vector<16xf32>
        %swap3A_1376 = arith.index_cast %scan3A_20 : i32 to index
        %swap3A_1377 = arith.constant 272 : index
        %swap3A_1378 = tpu.vector_load %arg11[%swap3A_1376, %swap3A_1377] {strides = array<i32>} : memref<32x768xf32, #tpu.memory_space<vmem>>, vector<1x16xf32>,
        %swap3A_1379 = vector.shape_cast %swap3A_1378 : vector<1x16xf32> to vector<16xf32>
        %swap3A_1380 = vector.shape_cast %add3A_1375 : vector<16xf32> to vector<1x16xf32>
        tpu.vector_store %arg11[%swap3A_1376, %swap3A_1377], %swap3A_1380 {strides = array<i32>} : memref<32x768xf32, #tpu.memory_space<vmem>>, vector<1x16xf32>,
        %get3A_1381 = arith.index_cast %scan3A_20 : i32 to index
        %get3A_1382 = arith.constant 288 : index
        %get3A_1383 = tpu.vector_load %arg11[%get3A_1381, %get3A_1382] {strides = array<i32>} : memref<32x768xf32, #tpu.memory_space<vmem>>, vector<1x16xf32>,
        %get3A_1384 = vector.shape_cast %get3A_1383 : vector<1x16xf32> to vector<16xf32>
        %sub3A_1385 = arith.subf %get3A_1384, %mul3A_885 : vector<16xf32>
        %mul3A_1386 = arith.mulf %sub3A_1385, %mul3A_1038 : vector<16xf32>
        %get3A_1387 = arith.constant 288 : index
        %get3A_1388 = tpu.vector_load %arg12[%get3A_1387] {strides = array<i32>} : memref<768xf32, #tpu.memory_space<vmem>>, vector<16xf32>,
        %get3A_1389 = vector.shape_cast %get3A_1388 : vector<16xf32> to vector<16xf32>
        %mul3A_1390 = arith.mulf %mul3A_1386, %get3A_1389 : vector<16xf32>
        %get3A_1391 = arith.constant 288 : index
        %get3A_1392 = tpu.vector_load %arg13[%get3A_1391] {strides = array<i32>} : memref<768xf32, #tpu.memory_space<vmem>>, vector<16xf32>,
        %get3A_1393 = vector.shape_cast %get3A_1392 : vector<16xf32> to vector<16xf32>
        %add3A_1394 = arith.addf %mul3A_1390, %get3A_1393 : vector<16xf32>
        %swap3A_1395 = arith.index_cast %scan3A_20 : i32 to index
        %swap3A_1396 = arith.constant 288 : index
        %swap3A_1397 = tpu.vector_load %arg11[%swap3A_1395, %swap3A_1396] {strides = array<i32>} : memref<32x768xf32, #tpu.memory_space<vmem>>, vector<1x16xf32>,
        %swap3A_1398 = vector.shape_cast %swap3A_1397 : vector<1x16xf32> to vector<16xf32>
        %swap3A_1399 = vector.shape_cast %add3A_1394 : vector<16xf32> to vector<1x16xf32>
        tpu.vector_store %arg11[%swap3A_1395, %swap3A_1396], %swap3A_1399 {strides = array<i32>} : memref<32x768xf32, #tpu.memory_space<vmem>>, vector<1x16xf32>,
        %get3A_1400 = arith.index_cast %scan3A_20 : i32 to index
        %get3A_1401 = arith.constant 304 : index
        %get3A_1402 = tpu.vector_load %arg11[%get3A_1400, %get3A_1401] {strides = array<i32>} : memref<32x768xf32, #tpu.memory_space<vmem>>, vector<1x16xf32>,
        %get3A_1403 = vector.shape_cast %get3A_1402 : vector<1x16xf32> to vector<16xf32>
        %sub3A_1404 = arith.subf %get3A_1403, %mul3A_885 : vector<16xf32>
        %mul3A_1405 = arith.mulf %sub3A_1404, %mul3A_1038 : vector<16xf32>
        %get3A_1406 = arith.constant 304 : index
        %get3A_1407 = tpu.vector_load %arg12[%get3A_1406] {strides = array<i32>} : memref<768xf32, #tpu.memory_space<vmem>>, vector<16xf32>,
        %get3A_1408 = vector.shape_cast %get3A_1407 : vector<16xf32> to vector<16xf32>
        %mul3A_1409 = arith.mulf %mul3A_1405, %get3A_1408 : vector<16xf32>
        %get3A_1410 = arith.constant 304 : index
        %get3A_1411 = tpu.vector_load %arg13[%get3A_1410] {strides = array<i32>} : memref<768xf32, #tpu.memory_space<vmem>>, vector<16xf32>,
        %get3A_1412 = vector.shape_cast %get3A_1411 : vector<16xf32> to vector<16xf32>
        %add3A_1413 = arith.addf %mul3A_1409, %get3A_1412 : vector<16xf32>
        %swap3A_1414 = arith.index_cast %scan3A_20 : i32 to index
        %swap3A_1415 = arith.constant 304 : index
        %swap3A_1416 = tpu.vector_load %arg11[%swap3A_1414, %swap3A_1415] {strides = array<i32>} : memref<32x768xf32, #tpu.memory_space<vmem>>, vector<1x16xf32>,
        %swap3A_1417 = vector.shape_cast %swap3A_1416 : vector<1x16xf32> to vector<16xf32>
        %swap3A_1418 = vector.shape_cast %add3A_1413 : vector<16xf32> to vector<1x16xf32>
        tpu.vector_store %arg11[%swap3A_1414, %swap3A_1415], %swap3A_1418 {strides = array<i32>} : memref<32x768xf32, #tpu.memory_space<vmem>>, vector<1x16xf32>,
        %get3A_1419 = arith.index_cast %scan3A_20 : i32 to index
        %get3A_1420 = arith.constant 320 : index
        %get3A_1421 = tpu.vector_load %arg11[%get3A_1419, %get3A_1420] {strides = array<i32>} : memref<32x768xf32, #tpu.memory_space<vmem>>, vector<1x16xf32>,
        %get3A_1422 = vector.shape_cast %get3A_1421 : vector<1x16xf32> to vector<16xf32>
        %sub3A_1423 = arith.subf %get3A_1422, %mul3A_885 : vector<16xf32>
        %mul3A_1424 = arith.mulf %sub3A_1423, %mul3A_1038 : vector<16xf32>
        %get3A_1425 = arith.constant 320 : index
        %get3A_1426 = tpu.vector_load %arg12[%get3A_1425] {strides = array<i32>} : memref<768xf32, #tpu.memory_space<vmem>>, vector<16xf32>,
        %get3A_1427 = vector.shape_cast %get3A_1426 : vector<16xf32> to vector<16xf32>
        %mul3A_1428 = arith.mulf %mul3A_1424, %get3A_1427 : vector<16xf32>
        %get3A_1429 = arith.constant 320 : index
        %get3A_1430 = tpu.vector_load %arg13[%get3A_1429] {strides = array<i32>} : memref<768xf32, #tpu.memory_space<vmem>>, vector<16xf32>,
        %get3A_1431 = vector.shape_cast %get3A_1430 : vector<16xf32> to vector<16xf32>
        %add3A_1432 = arith.addf %mul3A_1428, %get3A_1431 : vector<16xf32>
        %swap3A_1433 = arith.index_cast %scan3A_20 : i32 to index
        %swap3A_1434 = arith.constant 320 : index
        %swap3A_1435 = tpu.vector_load %arg11[%swap3A_1433, %swap3A_1434] {strides = array<i32>} : memref<32x768xf32, #tpu.memory_space<vmem>>, vector<1x16xf32>,
        %swap3A_1436 = vector.shape_cast %swap3A_1435 : vector<1x16xf32> to vector<16xf32>
        %swap3A_1437 = vector.shape_cast %add3A_1432 : vector<16xf32> to vector<1x16xf32>
        tpu.vector_store %arg11[%swap3A_1433, %swap3A_1434], %swap3A_1437 {strides = array<i32>} : memref<32x768xf32, #tpu.memory_space<vmem>>, vector<1x16xf32>,
        %get3A_1438 = arith.index_cast %scan3A_20 : i32 to index
        %get3A_1439 = arith.constant 336 : index
        %get3A_1440 = tpu.vector_load %arg11[%get3A_1438, %get3A_1439] {strides = array<i32>} : memref<32x768xf32, #tpu.memory_space<vmem>>, vector<1x16xf32>,
        %get3A_1441 = vector.shape_cast %get3A_1440 : vector<1x16xf32> to vector<16xf32>
        %sub3A_1442 = arith.subf %get3A_1441, %mul3A_885 : vector<16xf32>
        %mul3A_1443 = arith.mulf %sub3A_1442, %mul3A_1038 : vector<16xf32>
        %get3A_1444 = arith.constant 336 : index
        %get3A_1445 = tpu.vector_load %arg12[%get3A_1444] {strides = array<i32>} : memref<768xf32, #tpu.memory_space<vmem>>, vector<16xf32>,
        %get3A_1446 = vector.shape_cast %get3A_1445 : vector<16xf32> to vector<16xf32>
        %mul3A_1447 = arith.mulf %mul3A_1443, %get3A_1446 : vector<16xf32>
        %get3A_1448 = arith.constant 336 : index
        %get3A_1449 = tpu.vector_load %arg13[%get3A_1448] {strides = array<i32>} : memref<768xf32, #tpu.memory_space<vmem>>, vector<16xf32>,
        %get3A_1450 = vector.shape_cast %get3A_1449 : vector<16xf32> to vector<16xf32>
        %add3A_1451 = arith.addf %mul3A_1447, %get3A_1450 : vector<16xf32>
        %swap3A_1452 = arith.index_cast %scan3A_20 : i32 to index
        %swap3A_1453 = arith.constant 336 : index
        %swap3A_1454 = tpu.vector_load %arg11[%swap3A_1452, %swap3A_1453] {strides = array<i32>} : memref<32x768xf32, #tpu.memory_space<vmem>>, vector<1x16xf32>,
        %swap3A_1455 = vector.shape_cast %swap3A_1454 : vector<1x16xf32> to vector<16xf32>
        %swap3A_1456 = vector.shape_cast %add3A_1451 : vector<16xf32> to vector<1x16xf32>
        tpu.vector_store %arg11[%swap3A_1452, %swap3A_1453], %swap3A_1456 {strides = array<i32>} : memref<32x768xf32, #tpu.memory_space<vmem>>, vector<1x16xf32>,
        %get3A_1457 = arith.index_cast %scan3A_20 : i32 to index
        %get3A_1458 = arith.constant 352 : index
        %get3A_1459 = tpu.vector_load %arg11[%get3A_1457, %get3A_1458] {strides = array<i32>} : memref<32x768xf32, #tpu.memory_space<vmem>>, vector<1x16xf32>,
        %get3A_1460 = vector.shape_cast %get3A_1459 : vector<1x16xf32> to vector<16xf32>
        %sub3A_1461 = arith.subf %get3A_1460, %mul3A_885 : vector<16xf32>
        %mul3A_1462 = arith.mulf %sub3A_1461, %mul3A_1038 : vector<16xf32>
        %get3A_1463 = arith.constant 352 : index
        %get3A_1464 = tpu.vector_load %arg12[%get3A_1463] {strides = array<i32>} : memref<768xf32, #tpu.memory_space<vmem>>, vector<16xf32>,
        %get3A_1465 = vector.shape_cast %get3A_1464 : vector<16xf32> to vector<16xf32>
        %mul3A_1466 = arith.mulf %mul3A_1462, %get3A_1465 : vector<16xf32>
        %get3A_1467 = arith.constant 352 : index
        %get3A_1468 = tpu.vector_load %arg13[%get3A_1467] {strides = array<i32>} : memref<768xf32, #tpu.memory_space<vmem>>, vector<16xf32>,
        %get3A_1469 = vector.shape_cast %get3A_1468 : vector<16xf32> to vector<16xf32>
        %add3A_1470 = arith.addf %mul3A_1466, %get3A_1469 : vector<16xf32>
        %swap3A_1471 = arith.index_cast %scan3A_20 : i32 to index
        %swap3A_1472 = arith.constant 352 : index
        %swap3A_1473 = tpu.vector_load %arg11[%swap3A_1471, %swap3A_1472] {strides = array<i32>} : memref<32x768xf32, #tpu.memory_space<vmem>>, vector<1x16xf32>,
        %swap3A_1474 = vector.shape_cast %swap3A_1473 : vector<1x16xf32> to vector<16xf32>
        %swap3A_1475 = vector.shape_cast %add3A_1470 : vector<16xf32> to vector<1x16xf32>
        tpu.vector_store %arg11[%swap3A_1471, %swap3A_1472], %swap3A_1475 {strides = array<i32>} : memref<32x768xf32, #tpu.memory_space<vmem>>, vector<1x16xf32>,
        %get3A_1476 = arith.index_cast %scan3A_20 : i32 to index
        %get3A_1477 = arith.constant 368 : index
        %get3A_1478 = tpu.vector_load %arg11[%get3A_1476, %get3A_1477] {strides = array<i32>} : memref<32x768xf32, #tpu.memory_space<vmem>>, vector<1x16xf32>,
        %get3A_1479 = vector.shape_cast %get3A_1478 : vector<1x16xf32> to vector<16xf32>
        %sub3A_1480 = arith.subf %get3A_1479, %mul3A_885 : vector<16xf32>
        %mul3A_1481 = arith.mulf %sub3A_1480, %mul3A_1038 : vector<16xf32>
        %get3A_1482 = arith.constant 368 : index
        %get3A_1483 = tpu.vector_load %arg12[%get3A_1482] {strides = array<i32>} : memref<768xf32, #tpu.memory_space<vmem>>, vector<16xf32>,
        %get3A_1484 = vector.shape_cast %get3A_1483 : vector<16xf32> to vector<16xf32>
        %mul3A_1485 = arith.mulf %mul3A_1481, %get3A_1484 : vector<16xf32>
        %get3A_1486 = arith.constant 368 : index
        %get3A_1487 = tpu.vector_load %arg13[%get3A_1486] {strides = array<i32>} : memref<768xf32, #tpu.memory_space<vmem>>, vector<16xf32>,
        %get3A_1488 = vector.shape_cast %get3A_1487 : vector<16xf32> to vector<16xf32>
        %add3A_1489 = arith.addf %mul3A_1485, %get3A_1488 : vector<16xf32>
        %swap3A_1490 = arith.index_cast %scan3A_20 : i32 to index
        %swap3A_1491 = arith.constant 368 : index
        %swap3A_1492 = tpu.vector_load %arg11[%swap3A_1490, %swap3A_1491] {strides = array<i32>} : memref<32x768xf32, #tpu.memory_space<vmem>>, vector<1x16xf32>,
        %swap3A_1493 = vector.shape_cast %swap3A_1492 : vector<1x16xf32> to vector<16xf32>
        %swap3A_1494 = vector.shape_cast %add3A_1489 : vector<16xf32> to vector<1x16xf32>
        tpu.vector_store %arg11[%swap3A_1490, %swap3A_1491], %swap3A_1494 {strides = array<i32>} : memref<32x768xf32, #tpu.memory_space<vmem>>, vector<1x16xf32>,
        %get3A_1495 = arith.index_cast %scan3A_20 : i32 to index
        %get3A_1496 = arith.constant 384 : index
        %get3A_1497 = tpu.vector_load %arg11[%get3A_1495, %get3A_1496] {strides = array<i32>} : memref<32x768xf32, #tpu.memory_space<vmem>>, vector<1x16xf32>,
        %get3A_1498 = vector.shape_cast %get3A_1497 : vector<1x16xf32> to vector<16xf32>
        %sub3A_1499 = arith.subf %get3A_1498, %mul3A_885 : vector<16xf32>
        %mul3A_1500 = arith.mulf %sub3A_1499, %mul3A_1038 : vector<16xf32>
        %get3A_1501 = arith.constant 384 : index
        %get3A_1502 = tpu.vector_load %arg12[%get3A_1501] {strides = array<i32>} : memref<768xf32, #tpu.memory_space<vmem>>, vector<16xf32>,
        %get3A_1503 = vector.shape_cast %get3A_1502 : vector<16xf32> to vector<16xf32>
        %mul3A_1504 = arith.mulf %mul3A_1500, %get3A_1503 : vector<16xf32>
        %get3A_1505 = arith.constant 384 : index
        %get3A_1506 = tpu.vector_load %arg13[%get3A_1505] {strides = array<i32>} : memref<768xf32, #tpu.memory_space<vmem>>, vector<16xf32>,
        %get3A_1507 = vector.shape_cast %get3A_1506 : vector<16xf32> to vector<16xf32>
        %add3A_1508 = arith.addf %mul3A_1504, %get3A_1507 : vector<16xf32>
        %swap3A_1509 = arith.index_cast %scan3A_20 : i32 to index
        %swap3A_1510 = arith.constant 384 : index
        %swap3A_1511 = tpu.vector_load %arg11[%swap3A_1509, %swap3A_1510] {strides = array<i32>} : memref<32x768xf32, #tpu.memory_space<vmem>>, vector<1x16xf32>,
        %swap3A_1512 = vector.shape_cast %swap3A_1511 : vector<1x16xf32> to vector<16xf32>
        %swap3A_1513 = vector.shape_cast %add3A_1508 : vector<16xf32> to vector<1x16xf32>
        tpu.vector_store %arg11[%swap3A_1509, %swap3A_1510], %swap3A_1513 {strides = array<i32>} : memref<32x768xf32, #tpu.memory_space<vmem>>, vector<1x16xf32>,
        %get3A_1514 = arith.index_cast %scan3A_20 : i32 to index
        %get3A_1515 = arith.constant 400 : index
        %get3A_1516 = tpu.vector_load %arg11[%get3A_1514, %get3A_1515] {strides = array<i32>} : memref<32x768xf32, #tpu.memory_space<vmem>>, vector<1x16xf32>,
        %get3A_1517 = vector.shape_cast %get3A_1516 : vector<1x16xf32> to vector<16xf32>
        %sub3A_1518 = arith.subf %get3A_1517, %mul3A_885 : vector<16xf32>
        %mul3A_1519 = arith.mulf %sub3A_1518, %mul3A_1038 : vector<16xf32>
        %get3A_1520 = arith.constant 400 : index
        %get3A_1521 = tpu.vector_load %arg12[%get3A_1520] {strides = array<i32>} : memref<768xf32, #tpu.memory_space<vmem>>, vector<16xf32>,
        %get3A_1522 = vector.shape_cast %get3A_1521 : vector<16xf32> to vector<16xf32>
        %mul3A_1523 = arith.mulf %mul3A_1519, %get3A_1522 : vector<16xf32>
        %get3A_1524 = arith.constant 400 : index
        %get3A_1525 = tpu.vector_load %arg13[%get3A_1524] {strides = array<i32>} : memref<768xf32, #tpu.memory_space<vmem>>, vector<16xf32>,
        %get3A_1526 = vector.shape_cast %get3A_1525 : vector<16xf32> to vector<16xf32>
        %add3A_1527 = arith.addf %mul3A_1523, %get3A_1526 : vector<16xf32>
        %swap3A_1528 = arith.index_cast %scan3A_20 : i32 to index
        %swap3A_1529 = arith.constant 400 : index
        %swap3A_1530 = tpu.vector_load %arg11[%swap3A_1528, %swap3A_1529] {strides = array<i32>} : memref<32x768xf32, #tpu.memory_space<vmem>>, vector<1x16xf32>,
        %swap3A_1531 = vector.shape_cast %swap3A_1530 : vector<1x16xf32> to vector<16xf32>
        %swap3A_1532 = vector.shape_cast %add3A_1527 : vector<16xf32> to vector<1x16xf32>
        tpu.vector_store %arg11[%swap3A_1528, %swap3A_1529], %swap3A_1532 {strides = array<i32>} : memref<32x768xf32, #tpu.memory_space<vmem>>, vector<1x16xf32>,
        %get3A_1533 = arith.index_cast %scan3A_20 : i32 to index
        %get3A_1534 = arith.constant 416 : index
        %get3A_1535 = tpu.vector_load %arg11[%get3A_1533, %get3A_1534] {strides = array<i32>} : memref<32x768xf32, #tpu.memory_space<vmem>>, vector<1x16xf32>,
        %get3A_1536 = vector.shape_cast %get3A_1535 : vector<1x16xf32> to vector<16xf32>
        %sub3A_1537 = arith.subf %get3A_1536, %mul3A_885 : vector<16xf32>
        %mul3A_1538 = arith.mulf %sub3A_1537, %mul3A_1038 : vector<16xf32>
        %get3A_1539 = arith.constant 416 : index
        %get3A_1540 = tpu.vector_load %arg12[%get3A_1539] {strides = array<i32>} : memref<768xf32, #tpu.memory_space<vmem>>, vector<16xf32>,
        %get3A_1541 = vector.shape_cast %get3A_1540 : vector<16xf32> to vector<16xf32>
        %mul3A_1542 = arith.mulf %mul3A_1538, %get3A_1541 : vector<16xf32>
        %get3A_1543 = arith.constant 416 : index
        %get3A_1544 = tpu.vector_load %arg13[%get3A_1543] {strides = array<i32>} : memref<768xf32, #tpu.memory_space<vmem>>, vector<16xf32>,
        %get3A_1545 = vector.shape_cast %get3A_1544 : vector<16xf32> to vector<16xf32>
        %add3A_1546 = arith.addf %mul3A_1542, %get3A_1545 : vector<16xf32>
        %swap3A_1547 = arith.index_cast %scan3A_20 : i32 to index
        %swap3A_1548 = arith.constant 416 : index
        %swap3A_1549 = tpu.vector_load %arg11[%swap3A_1547, %swap3A_1548] {strides = array<i32>} : memref<32x768xf32, #tpu.memory_space<vmem>>, vector<1x16xf32>,
        %swap3A_1550 = vector.shape_cast %swap3A_1549 : vector<1x16xf32> to vector<16xf32>
        %swap3A_1551 = vector.shape_cast %add3A_1546 : vector<16xf32> to vector<1x16xf32>
        tpu.vector_store %arg11[%swap3A_1547, %swap3A_1548], %swap3A_1551 {strides = array<i32>} : memref<32x768xf32, #tpu.memory_space<vmem>>, vector<1x16xf32>,
        %get3A_1552 = arith.index_cast %scan3A_20 : i32 to index
        %get3A_1553 = arith.constant 432 : index
        %get3A_1554 = tpu.vector_load %arg11[%get3A_1552, %get3A_1553] {strides = array<i32>} : memref<32x768xf32, #tpu.memory_space<vmem>>, vector<1x16xf32>,
        %get3A_1555 = vector.shape_cast %get3A_1554 : vector<1x16xf32> to vector<16xf32>
        %sub3A_1556 = arith.subf %get3A_1555, %mul3A_885 : vector<16xf32>
        %mul3A_1557 = arith.mulf %sub3A_1556, %mul3A_1038 : vector<16xf32>
        %get3A_1558 = arith.constant 432 : index
        %get3A_1559 = tpu.vector_load %arg12[%get3A_1558] {strides = array<i32>} : memref<768xf32, #tpu.memory_space<vmem>>, vector<16xf32>,
        %get3A_1560 = vector.shape_cast %get3A_1559 : vector<16xf32> to vector<16xf32>
        %mul3A_1561 = arith.mulf %mul3A_1557, %get3A_1560 : vector<16xf32>
        %get3A_1562 = arith.constant 432 : index
        %get3A_1563 = tpu.vector_load %arg13[%get3A_1562] {strides = array<i32>} : memref<768xf32, #tpu.memory_space<vmem>>, vector<16xf32>,
        %get3A_1564 = vector.shape_cast %get3A_1563 : vector<16xf32> to vector<16xf32>
        %add3A_1565 = arith.addf %mul3A_1561, %get3A_1564 : vector<16xf32>
        %swap3A_1566 = arith.index_cast %scan3A_20 : i32 to index
        %swap3A_1567 = arith.constant 432 : index
        %swap3A_1568 = tpu.vector_load %arg11[%swap3A_1566, %swap3A_1567] {strides = array<i32>} : memref<32x768xf32, #tpu.memory_space<vmem>>, vector<1x16xf32>,
        %swap3A_1569 = vector.shape_cast %swap3A_1568 : vector<1x16xf32> to vector<16xf32>
        %swap3A_1570 = vector.shape_cast %add3A_1565 : vector<16xf32> to vector<1x16xf32>
        tpu.vector_store %arg11[%swap3A_1566, %swap3A_1567], %swap3A_1570 {strides = array<i32>} : memref<32x768xf32, #tpu.memory_space<vmem>>, vector<1x16xf32>,
        %get3A_1571 = arith.index_cast %scan3A_20 : i32 to index
        %get3A_1572 = arith.constant 448 : index
        %get3A_1573 = tpu.vector_load %arg11[%get3A_1571, %get3A_1572] {strides = array<i32>} : memref<32x768xf32, #tpu.memory_space<vmem>>, vector<1x16xf32>,
        %get3A_1574 = vector.shape_cast %get3A_1573 : vector<1x16xf32> to vector<16xf32>
        %sub3A_1575 = arith.subf %get3A_1574, %mul3A_885 : vector<16xf32>
        %mul3A_1576 = arith.mulf %sub3A_1575, %mul3A_1038 : vector<16xf32>
        %get3A_1577 = arith.constant 448 : index
        %get3A_1578 = tpu.vector_load %arg12[%get3A_1577] {strides = array<i32>} : memref<768xf32, #tpu.memory_space<vmem>>, vector<16xf32>,
        %get3A_1579 = vector.shape_cast %get3A_1578 : vector<16xf32> to vector<16xf32>
        %mul3A_1580 = arith.mulf %mul3A_1576, %get3A_1579 : vector<16xf32>
        %get3A_1581 = arith.constant 448 : index
        %get3A_1582 = tpu.vector_load %arg13[%get3A_1581] {strides = array<i32>} : memref<768xf32, #tpu.memory_space<vmem>>, vector<16xf32>,
        %get3A_1583 = vector.shape_cast %get3A_1582 : vector<16xf32> to vector<16xf32>
        %add3A_1584 = arith.addf %mul3A_1580, %get3A_1583 : vector<16xf32>
        %swap3A_1585 = arith.index_cast %scan3A_20 : i32 to index
        %swap3A_1586 = arith.constant 448 : index
        %swap3A_1587 = tpu.vector_load %arg11[%swap3A_1585, %swap3A_1586] {strides = array<i32>} : memref<32x768xf32, #tpu.memory_space<vmem>>, vector<1x16xf32>,
        %swap3A_1588 = vector.shape_cast %swap3A_1587 : vector<1x16xf32> to vector<16xf32>
        %swap3A_1589 = vector.shape_cast %add3A_1584 : vector<16xf32> to vector<1x16xf32>
        tpu.vector_store %arg11[%swap3A_1585, %swap3A_1586], %swap3A_1589 {strides = array<i32>} : memref<32x768xf32, #tpu.memory_space<vmem>>, vector<1x16xf32>,
        %get3A_1590 = arith.index_cast %scan3A_20 : i32 to index
        %get3A_1591 = arith.constant 464 : index
        %get3A_1592 = tpu.vector_load %arg11[%get3A_1590, %get3A_1591] {strides = array<i32>} : memref<32x768xf32, #tpu.memory_space<vmem>>, vector<1x16xf32>,
        %get3A_1593 = vector.shape_cast %get3A_1592 : vector<1x16xf32> to vector<16xf32>
        %sub3A_1594 = arith.subf %get3A_1593, %mul3A_885 : vector<16xf32>
        %mul3A_1595 = arith.mulf %sub3A_1594, %mul3A_1038 : vector<16xf32>
        %get3A_1596 = arith.constant 464 : index
        %get3A_1597 = tpu.vector_load %arg12[%get3A_1596] {strides = array<i32>} : memref<768xf32, #tpu.memory_space<vmem>>, vector<16xf32>,
        %get3A_1598 = vector.shape_cast %get3A_1597 : vector<16xf32> to vector<16xf32>
        %mul3A_1599 = arith.mulf %mul3A_1595, %get3A_1598 : vector<16xf32>
        %get3A_1600 = arith.constant 464 : index
        %get3A_1601 = tpu.vector_load %arg13[%get3A_1600] {strides = array<i32>} : memref<768xf32, #tpu.memory_space<vmem>>, vector<16xf32>,
        %get3A_1602 = vector.shape_cast %get3A_1601 : vector<16xf32> to vector<16xf32>
        %add3A_1603 = arith.addf %mul3A_1599, %get3A_1602 : vector<16xf32>
        %swap3A_1604 = arith.index_cast %scan3A_20 : i32 to index
        %swap3A_1605 = arith.constant 464 : index
        %swap3A_1606 = tpu.vector_load %arg11[%swap3A_1604, %swap3A_1605] {strides = array<i32>} : memref<32x768xf32, #tpu.memory_space<vmem>>, vector<1x16xf32>,
        %swap3A_1607 = vector.shape_cast %swap3A_1606 : vector<1x16xf32> to vector<16xf32>
        %swap3A_1608 = vector.shape_cast %add3A_1603 : vector<16xf32> to vector<1x16xf32>
        tpu.vector_store %arg11[%swap3A_1604, %swap3A_1605], %swap3A_1608 {strides = array<i32>} : memref<32x768xf32, #tpu.memory_space<vmem>>, vector<1x16xf32>,
        %get3A_1609 = arith.index_cast %scan3A_20 : i32 to index
        %get3A_1610 = arith.constant 480 : index
        %get3A_1611 = tpu.vector_load %arg11[%get3A_1609, %get3A_1610] {strides = array<i32>} : memref<32x768xf32, #tpu.memory_space<vmem>>, vector<1x16xf32>,
        %get3A_1612 = vector.shape_cast %get3A_1611 : vector<1x16xf32> to vector<16xf32>
        %sub3A_1613 = arith.subf %get3A_1612, %mul3A_885 : vector<16xf32>
        %mul3A_1614 = arith.mulf %sub3A_1613, %mul3A_1038 : vector<16xf32>
        %get3A_1615 = arith.constant 480 : index
        %get3A_1616 = tpu.vector_load %arg12[%get3A_1615] {strides = array<i32>} : memref<768xf32, #tpu.memory_space<vmem>>, vector<16xf32>,
        %get3A_1617 = vector.shape_cast %get3A_1616 : vector<16xf32> to vector<16xf32>
        %mul3A_1618 = arith.mulf %mul3A_1614, %get3A_1617 : vector<16xf32>
        %get3A_1619 = arith.constant 480 : index
        %get3A_1620 = tpu.vector_load %arg13[%get3A_1619] {strides = array<i32>} : memref<768xf32, #tpu.memory_space<vmem>>, vector<16xf32>,
        %get3A_1621 = vector.shape_cast %get3A_1620 : vector<16xf32> to vector<16xf32>
        %add3A_1622 = arith.addf %mul3A_1618, %get3A_1621 : vector<16xf32>
        %swap3A_1623 = arith.index_cast %scan3A_20 : i32 to index
        %swap3A_1624 = arith.constant 480 : index
        %swap3A_1625 = tpu.vector_load %arg11[%swap3A_1623, %swap3A_1624] {strides = array<i32>} : memref<32x768xf32, #tpu.memory_space<vmem>>, vector<1x16xf32>,
        %swap3A_1626 = vector.shape_cast %swap3A_1625 : vector<1x16xf32> to vector<16xf32>
        %swap3A_1627 = vector.shape_cast %add3A_1622 : vector<16xf32> to vector<1x16xf32>
        tpu.vector_store %arg11[%swap3A_1623, %swap3A_1624], %swap3A_1627 {strides = array<i32>} : memref<32x768xf32, #tpu.memory_space<vmem>>, vector<1x16xf32>,
        %get3A_1628 = arith.index_cast %scan3A_20 : i32 to index
        %get3A_1629 = arith.constant 496 : index
        %get3A_1630 = tpu.vector_load %arg11[%get3A_1628, %get3A_1629] {strides = array<i32>} : memref<32x768xf32, #tpu.memory_space<vmem>>, vector<1x16xf32>,
        %get3A_1631 = vector.shape_cast %get3A_1630 : vector<1x16xf32> to vector<16xf32>
        %sub3A_1632 = arith.subf %get3A_1631, %mul3A_885 : vector<16xf32>
        %mul3A_1633 = arith.mulf %sub3A_1632, %mul3A_1038 : vector<16xf32>
        %get3A_1634 = arith.constant 496 : index
        %get3A_1635 = tpu.vector_load %arg12[%get3A_1634] {strides = array<i32>} : memref<768xf32, #tpu.memory_space<vmem>>, vector<16xf32>,
        %get3A_1636 = vector.shape_cast %get3A_1635 : vector<16xf32> to vector<16xf32>
        %mul3A_1637 = arith.mulf %mul3A_1633, %get3A_1636 : vector<16xf32>
        %get3A_1638 = arith.constant 496 : index
        %get3A_1639 = tpu.vector_load %arg13[%get3A_1638] {strides = array<i32>} : memref<768xf32, #tpu.memory_space<vmem>>, vector<16xf32>,
        %get3A_1640 = vector.shape_cast %get3A_1639 : vector<16xf32> to vector<16xf32>
        %add3A_1641 = arith.addf %mul3A_1637, %get3A_1640 : vector<16xf32>
        %swap3A_1642 = arith.index_cast %scan3A_20 : i32 to index
        %swap3A_1643 = arith.constant 496 : index
        %swap3A_1644 = tpu.vector_load %arg11[%swap3A_1642, %swap3A_1643] {strides = array<i32>} : memref<32x768xf32, #tpu.memory_space<vmem>>, vector<1x16xf32>,
        %swap3A_1645 = vector.shape_cast %swap3A_1644 : vector<1x16xf32> to vector<16xf32>
        %swap3A_1646 = vector.shape_cast %add3A_1641 : vector<16xf32> to vector<1x16xf32>
        tpu.vector_store %arg11[%swap3A_1642, %swap3A_1643], %swap3A_1646 {strides = array<i32>} : memref<32x768xf32, #tpu.memory_space<vmem>>, vector<1x16xf32>,
        %get3A_1647 = arith.index_cast %scan3A_20 : i32 to index
        %get3A_1648 = arith.constant 512 : index
        %get3A_1649 = tpu.vector_load %arg11[%get3A_1647, %get3A_1648] {strides = array<i32>} : memref<32x768xf32, #tpu.memory_space<vmem>>, vector<1x16xf32>,
        %get3A_1650 = vector.shape_cast %get3A_1649 : vector<1x16xf32> to vector<16xf32>
        %sub3A_1651 = arith.subf %get3A_1650, %mul3A_885 : vector<16xf32>
        %mul3A_1652 = arith.mulf %sub3A_1651, %mul3A_1038 : vector<16xf32>
        %get3A_1653 = arith.constant 512 : index
        %get3A_1654 = tpu.vector_load %arg12[%get3A_1653] {strides = array<i32>} : memref<768xf32, #tpu.memory_space<vmem>>, vector<16xf32>,
        %get3A_1655 = vector.shape_cast %get3A_1654 : vector<16xf32> to vector<16xf32>
        %mul3A_1656 = arith.mulf %mul3A_1652, %get3A_1655 : vector<16xf32>
        %get3A_1657 = arith.constant 512 : index
        %get3A_1658 = tpu.vector_load %arg13[%get3A_1657] {strides = array<i32>} : memref<768xf32, #tpu.memory_space<vmem>>, vector<16xf32>,
        %get3A_1659 = vector.shape_cast %get3A_1658 : vector<16xf32> to vector<16xf32>
        %add3A_1660 = arith.addf %mul3A_1656, %get3A_1659 : vector<16xf32>
        %swap3A_1661 = arith.index_cast %scan3A_20 : i32 to index
        %swap3A_1662 = arith.constant 512 : index
        %swap3A_1663 = tpu.vector_load %arg11[%swap3A_1661, %swap3A_1662] {strides = array<i32>} : memref<32x768xf32, #tpu.memory_space<vmem>>, vector<1x16xf32>,
        %swap3A_1664 = vector.shape_cast %swap3A_1663 : vector<1x16xf32> to vector<16xf32>
        %swap3A_1665 = vector.shape_cast %add3A_1660 : vector<16xf32> to vector<1x16xf32>
        tpu.vector_store %arg11[%swap3A_1661, %swap3A_1662], %swap3A_1665 {strides = array<i32>} : memref<32x768xf32, #tpu.memory_space<vmem>>, vector<1x16xf32>,
        %get3A_1666 = arith.index_cast %scan3A_20 : i32 to index
        %get3A_1667 = arith.constant 528 : index
        %get3A_1668 = tpu.vector_load %arg11[%get3A_1666, %get3A_1667] {strides = array<i32>} : memref<32x768xf32, #tpu.memory_space<vmem>>, vector<1x16xf32>,
        %get3A_1669 = vector.shape_cast %get3A_1668 : vector<1x16xf32> to vector<16xf32>
        %sub3A_1670 = arith.subf %get3A_1669, %mul3A_885 : vector<16xf32>
        %mul3A_1671 = arith.mulf %sub3A_1670, %mul3A_1038 : vector<16xf32>
        %get3A_1672 = arith.constant 528 : index
        %get3A_1673 = tpu.vector_load %arg12[%get3A_1672] {strides = array<i32>} : memref<768xf32, #tpu.memory_space<vmem>>, vector<16xf32>,
        %get3A_1674 = vector.shape_cast %get3A_1673 : vector<16xf32> to vector<16xf32>
        %mul3A_1675 = arith.mulf %mul3A_1671, %get3A_1674 : vector<16xf32>
        %get3A_1676 = arith.constant 528 : index
        %get3A_1677 = tpu.vector_load %arg13[%get3A_1676] {strides = array<i32>} : memref<768xf32, #tpu.memory_space<vmem>>, vector<16xf32>,
        %get3A_1678 = vector.shape_cast %get3A_1677 : vector<16xf32> to vector<16xf32>
        %add3A_1679 = arith.addf %mul3A_1675, %get3A_1678 : vector<16xf32>
        %swap3A_1680 = arith.index_cast %scan3A_20 : i32 to index
        %swap3A_1681 = arith.constant 528 : index
        %swap3A_1682 = tpu.vector_load %arg11[%swap3A_1680, %swap3A_1681] {strides = array<i32>} : memref<32x768xf32, #tpu.memory_space<vmem>>, vector<1x16xf32>,
        %swap3A_1683 = vector.shape_cast %swap3A_1682 : vector<1x16xf32> to vector<16xf32>
        %swap3A_1684 = vector.shape_cast %add3A_1679 : vector<16xf32> to vector<1x16xf32>
        tpu.vector_store %arg11[%swap3A_1680, %swap3A_1681], %swap3A_1684 {strides = array<i32>} : memref<32x768xf32, #tpu.memory_space<vmem>>, vector<1x16xf32>,
        %get3A_1685 = arith.index_cast %scan3A_20 : i32 to index
        %get3A_1686 = arith.constant 544 : index
        %get3A_1687 = tpu.vector_load %arg11[%get3A_1685, %get3A_1686] {strides = array<i32>} : memref<32x768xf32, #tpu.memory_space<vmem>>, vector<1x16xf32>,
        %get3A_1688 = vector.shape_cast %get3A_1687 : vector<1x16xf32> to vector<16xf32>
        %sub3A_1689 = arith.subf %get3A_1688, %mul3A_885 : vector<16xf32>
        %mul3A_1690 = arith.mulf %sub3A_1689, %mul3A_1038 : vector<16xf32>
        %get3A_1691 = arith.constant 544 : index
        %get3A_1692 = tpu.vector_load %arg12[%get3A_1691] {strides = array<i32>} : memref<768xf32, #tpu.memory_space<vmem>>, vector<16xf32>,
        %get3A_1693 = vector.shape_cast %get3A_1692 : vector<16xf32> to vector<16xf32>
        %mul3A_1694 = arith.mulf %mul3A_1690, %get3A_1693 : vector<16xf32>
        %get3A_1695 = arith.constant 544 : index
        %get3A_1696 = tpu.vector_load %arg13[%get3A_1695] {strides = array<i32>} : memref<768xf32, #tpu.memory_space<vmem>>, vector<16xf32>,
        %get3A_1697 = vector.shape_cast %get3A_1696 : vector<16xf32> to vector<16xf32>
        %add3A_1698 = arith.addf %mul3A_1694, %get3A_1697 : vector<16xf32>
        %swap3A_1699 = arith.index_cast %scan3A_20 : i32 to index
        %swap3A_1700 = arith.constant 544 : index
        %swap3A_1701 = tpu.vector_load %arg11[%swap3A_1699, %swap3A_1700] {strides = array<i32>} : memref<32x768xf32, #tpu.memory_space<vmem>>, vector<1x16xf32>,
        %swap3A_1702 = vector.shape_cast %swap3A_1701 : vector<1x16xf32> to vector<16xf32>
        %swap3A_1703 = vector.shape_cast %add3A_1698 : vector<16xf32> to vector<1x16xf32>
        tpu.vector_store %arg11[%swap3A_1699, %swap3A_1700], %swap3A_1703 {strides = array<i32>} : memref<32x768xf32, #tpu.memory_space<vmem>>, vector<1x16xf32>,
        %get3A_1704 = arith.index_cast %scan3A_20 : i32 to index
        %get3A_1705 = arith.constant 560 : index
        %get3A_1706 = tpu.vector_load %arg11[%get3A_1704, %get3A_1705] {strides = array<i32>} : memref<32x768xf32, #tpu.memory_space<vmem>>, vector<1x16xf32>,
        %get3A_1707 = vector.shape_cast %get3A_1706 : vector<1x16xf32> to vector<16xf32>
        %sub3A_1708 = arith.subf %get3A_1707, %mul3A_885 : vector<16xf32>
        %mul3A_1709 = arith.mulf %sub3A_1708, %mul3A_1038 : vector<16xf32>
        %get3A_1710 = arith.constant 560 : index
        %get3A_1711 = tpu.vector_load %arg12[%get3A_1710] {strides = array<i32>} : memref<768xf32, #tpu.memory_space<vmem>>, vector<16xf32>,
        %get3A_1712 = vector.shape_cast %get3A_1711 : vector<16xf32> to vector<16xf32>
        %mul3A_1713 = arith.mulf %mul3A_1709, %get3A_1712 : vector<16xf32>
        %get3A_1714 = arith.constant 560 : index
        %get3A_1715 = tpu.vector_load %arg13[%get3A_1714] {strides = array<i32>} : memref<768xf32, #tpu.memory_space<vmem>>, vector<16xf32>,
        %get3A_1716 = vector.shape_cast %get3A_1715 : vector<16xf32> to vector<16xf32>
        %add3A_1717 = arith.addf %mul3A_1713, %get3A_1716 : vector<16xf32>
        %swap3A_1718 = arith.index_cast %scan3A_20 : i32 to index
        %swap3A_1719 = arith.constant 560 : index
        %swap3A_1720 = tpu.vector_load %arg11[%swap3A_1718, %swap3A_1719] {strides = array<i32>} : memref<32x768xf32, #tpu.memory_space<vmem>>, vector<1x16xf32>,
        %swap3A_1721 = vector.shape_cast %swap3A_1720 : vector<1x16xf32> to vector<16xf32>
        %swap3A_1722 = vector.shape_cast %add3A_1717 : vector<16xf32> to vector<1x16xf32>
        tpu.vector_store %arg11[%swap3A_1718, %swap3A_1719], %swap3A_1722 {strides = array<i32>} : memref<32x768xf32, #tpu.memory_space<vmem>>, vector<1x16xf32>,
        %get3A_1723 = arith.index_cast %scan3A_20 : i32 to index
        %get3A_1724 = arith.constant 576 : index
        %get3A_1725 = tpu.vector_load %arg11[%get3A_1723, %get3A_1724] {strides = array<i32>} : memref<32x768xf32, #tpu.memory_space<vmem>>, vector<1x16xf32>,
        %get3A_1726 = vector.shape_cast %get3A_1725 : vector<1x16xf32> to vector<16xf32>
        %sub3A_1727 = arith.subf %get3A_1726, %mul3A_885 : vector<16xf32>
        %mul3A_1728 = arith.mulf %sub3A_1727, %mul3A_1038 : vector<16xf32>
        %get3A_1729 = arith.constant 576 : index
        %get3A_1730 = tpu.vector_load %arg12[%get3A_1729] {strides = array<i32>} : memref<768xf32, #tpu.memory_space<vmem>>, vector<16xf32>,
        %get3A_1731 = vector.shape_cast %get3A_1730 : vector<16xf32> to vector<16xf32>
        %mul3A_1732 = arith.mulf %mul3A_1728, %get3A_1731 : vector<16xf32>
        %get3A_1733 = arith.constant 576 : index
        %get3A_1734 = tpu.vector_load %arg13[%get3A_1733] {strides = array<i32>} : memref<768xf32, #tpu.memory_space<vmem>>, vector<16xf32>,
        %get3A_1735 = vector.shape_cast %get3A_1734 : vector<16xf32> to vector<16xf32>
        %add3A_1736 = arith.addf %mul3A_1732, %get3A_1735 : vector<16xf32>
        %swap3A_1737 = arith.index_cast %scan3A_20 : i32 to index
        %swap3A_1738 = arith.constant 576 : index
        %swap3A_1739 = tpu.vector_load %arg11[%swap3A_1737, %swap3A_1738] {strides = array<i32>} : memref<32x768xf32, #tpu.memory_space<vmem>>, vector<1x16xf32>,
        %swap3A_1740 = vector.shape_cast %swap3A_1739 : vector<1x16xf32> to vector<16xf32>
        %swap3A_1741 = vector.shape_cast %add3A_1736 : vector<16xf32> to vector<1x16xf32>
        tpu.vector_store %arg11[%swap3A_1737, %swap3A_1738], %swap3A_1741 {strides = array<i32>} : memref<32x768xf32, #tpu.memory_space<vmem>>, vector<1x16xf32>,
        %get3A_1742 = arith.index_cast %scan3A_20 : i32 to index
        %get3A_1743 = arith.constant 592 : index
        %get3A_1744 = tpu.vector_load %arg11[%get3A_1742, %get3A_1743] {strides = array<i32>} : memref<32x768xf32, #tpu.memory_space<vmem>>, vector<1x16xf32>,
        %get3A_1745 = vector.shape_cast %get3A_1744 : vector<1x16xf32> to vector<16xf32>
        %sub3A_1746 = arith.subf %get3A_1745, %mul3A_885 : vector<16xf32>
        %mul3A_1747 = arith.mulf %sub3A_1746, %mul3A_1038 : vector<16xf32>
        %get3A_1748 = arith.constant 592 : index
        %get3A_1749 = tpu.vector_load %arg12[%get3A_1748] {strides = array<i32>} : memref<768xf32, #tpu.memory_space<vmem>>, vector<16xf32>,
        %get3A_1750 = vector.shape_cast %get3A_1749 : vector<16xf32> to vector<16xf32>
        %mul3A_1751 = arith.mulf %mul3A_1747, %get3A_1750 : vector<16xf32>
        %get3A_1752 = arith.constant 592 : index
        %get3A_1753 = tpu.vector_load %arg13[%get3A_1752] {strides = array<i32>} : memref<768xf32, #tpu.memory_space<vmem>>, vector<16xf32>,
        %get3A_1754 = vector.shape_cast %get3A_1753 : vector<16xf32> to vector<16xf32>
        %add3A_1755 = arith.addf %mul3A_1751, %get3A_1754 : vector<16xf32>
        %swap3A_1756 = arith.index_cast %scan3A_20 : i32 to index
        %swap3A_1757 = arith.constant 592 : index
        %swap3A_1758 = tpu.vector_load %arg11[%swap3A_1756, %swap3A_1757] {strides = array<i32>} : memref<32x768xf32, #tpu.memory_space<vmem>>, vector<1x16xf32>,
        %swap3A_1759 = vector.shape_cast %swap3A_1758 : vector<1x16xf32> to vector<16xf32>
        %swap3A_1760 = vector.shape_cast %add3A_1755 : vector<16xf32> to vector<1x16xf32>
        tpu.vector_store %arg11[%swap3A_1756, %swap3A_1757], %swap3A_1760 {strides = array<i32>} : memref<32x768xf32, #tpu.memory_space<vmem>>, vector<1x16xf32>,
        %get3A_1761 = arith.index_cast %scan3A_20 : i32 to index
        %get3A_1762 = arith.constant 608 : index
        %get3A_1763 = tpu.vector_load %arg11[%get3A_1761, %get3A_1762] {strides = array<i32>} : memref<32x768xf32, #tpu.memory_space<vmem>>, vector<1x16xf32>,
        %get3A_1764 = vector.shape_cast %get3A_1763 : vector<1x16xf32> to vector<16xf32>
        %sub3A_1765 = arith.subf %get3A_1764, %mul3A_885 : vector<16xf32>
        %mul3A_1766 = arith.mulf %sub3A_1765, %mul3A_1038 : vector<16xf32>
        %get3A_1767 = arith.constant 608 : index
        %get3A_1768 = tpu.vector_load %arg12[%get3A_1767] {strides = array<i32>} : memref<768xf32, #tpu.memory_space<vmem>>, vector<16xf32>,
        %get3A_1769 = vector.shape_cast %get3A_1768 : vector<16xf32> to vector<16xf32>
        %mul3A_1770 = arith.mulf %mul3A_1766, %get3A_1769 : vector<16xf32>
        %get3A_1771 = arith.constant 608 : index
        %get3A_1772 = tpu.vector_load %arg13[%get3A_1771] {strides = array<i32>} : memref<768xf32, #tpu.memory_space<vmem>>, vector<16xf32>,
        %get3A_1773 = vector.shape_cast %get3A_1772 : vector<16xf32> to vector<16xf32>
        %add3A_1774 = arith.addf %mul3A_1770, %get3A_1773 : vector<16xf32>
        %swap3A_1775 = arith.index_cast %scan3A_20 : i32 to index
        %swap3A_1776 = arith.constant 608 : index
        %swap3A_1777 = tpu.vector_load %arg11[%swap3A_1775, %swap3A_1776] {strides = array<i32>} : memref<32x768xf32, #tpu.memory_space<vmem>>, vector<1x16xf32>,
        %swap3A_1778 = vector.shape_cast %swap3A_1777 : vector<1x16xf32> to vector<16xf32>
        %swap3A_1779 = vector.shape_cast %add3A_1774 : vector<16xf32> to vector<1x16xf32>
        tpu.vector_store %arg11[%swap3A_1775, %swap3A_1776], %swap3A_1779 {strides = array<i32>} : memref<32x768xf32, #tpu.memory_space<vmem>>, vector<1x16xf32>,
        %get3A_1780 = arith.index_cast %scan3A_20 : i32 to index
        %get3A_1781 = arith.constant 624 : index
        %get3A_1782 = tpu.vector_load %arg11[%get3A_1780, %get3A_1781] {strides = array<i32>} : memref<32x768xf32, #tpu.memory_space<vmem>>, vector<1x16xf32>,
        %get3A_1783 = vector.shape_cast %get3A_1782 : vector<1x16xf32> to vector<16xf32>
        %sub3A_1784 = arith.subf %get3A_1783, %mul3A_885 : vector<16xf32>
        %mul3A_1785 = arith.mulf %sub3A_1784, %mul3A_1038 : vector<16xf32>
        %get3A_1786 = arith.constant 624 : index
        %get3A_1787 = tpu.vector_load %arg12[%get3A_1786] {strides = array<i32>} : memref<768xf32, #tpu.memory_space<vmem>>, vector<16xf32>,
        %get3A_1788 = vector.shape_cast %get3A_1787 : vector<16xf32> to vector<16xf32>
        %mul3A_1789 = arith.mulf %mul3A_1785, %get3A_1788 : vector<16xf32>
        %get3A_1790 = arith.constant 624 : index
        %get3A_1791 = tpu.vector_load %arg13[%get3A_1790] {strides = array<i32>} : memref<768xf32, #tpu.memory_space<vmem>>, vector<16xf32>,
        %get3A_1792 = vector.shape_cast %get3A_1791 : vector<16xf32> to vector<16xf32>
        %add3A_1793 = arith.addf %mul3A_1789, %get3A_1792 : vector<16xf32>
        %swap3A_1794 = arith.index_cast %scan3A_20 : i32 to index
        %swap3A_1795 = arith.constant 624 : index
        %swap3A_1796 = tpu.vector_load %arg11[%swap3A_1794, %swap3A_1795] {strides = array<i32>} : memref<32x768xf32, #tpu.memory_space<vmem>>, vector<1x16xf32>,
        %swap3A_1797 = vector.shape_cast %swap3A_1796 : vector<1x16xf32> to vector<16xf32>
        %swap3A_1798 = vector.shape_cast %add3A_1793 : vector<16xf32> to vector<1x16xf32>
        tpu.vector_store %arg11[%swap3A_1794, %swap3A_1795], %swap3A_1798 {strides = array<i32>} : memref<32x768xf32, #tpu.memory_space<vmem>>, vector<1x16xf32>,
        %get3A_1799 = arith.index_cast %scan3A_20 : i32 to index
        %get3A_1800 = arith.constant 640 : index
        %get3A_1801 = tpu.vector_load %arg11[%get3A_1799, %get3A_1800] {strides = array<i32>} : memref<32x768xf32, #tpu.memory_space<vmem>>, vector<1x16xf32>,
        %get3A_1802 = vector.shape_cast %get3A_1801 : vector<1x16xf32> to vector<16xf32>
        %sub3A_1803 = arith.subf %get3A_1802, %mul3A_885 : vector<16xf32>
        %mul3A_1804 = arith.mulf %sub3A_1803, %mul3A_1038 : vector<16xf32>
        %get3A_1805 = arith.constant 640 : index
        %get3A_1806 = tpu.vector_load %arg12[%get3A_1805] {strides = array<i32>} : memref<768xf32, #tpu.memory_space<vmem>>, vector<16xf32>,
        %get3A_1807 = vector.shape_cast %get3A_1806 : vector<16xf32> to vector<16xf32>
        %mul3A_1808 = arith.mulf %mul3A_1804, %get3A_1807 : vector<16xf32>
        %get3A_1809 = arith.constant 640 : index
        %get3A_1810 = tpu.vector_load %arg13[%get3A_1809] {strides = array<i32>} : memref<768xf32, #tpu.memory_space<vmem>>, vector<16xf32>,
        %get3A_1811 = vector.shape_cast %get3A_1810 : vector<16xf32> to vector<16xf32>
        %add3A_1812 = arith.addf %mul3A_1808, %get3A_1811 : vector<16xf32>
        %swap3A_1813 = arith.index_cast %scan3A_20 : i32 to index
        %swap3A_1814 = arith.constant 640 : index
        %swap3A_1815 = tpu.vector_load %arg11[%swap3A_1813, %swap3A_1814] {strides = array<i32>} : memref<32x768xf32, #tpu.memory_space<vmem>>, vector<1x16xf32>,
        %swap3A_1816 = vector.shape_cast %swap3A_1815 : vector<1x16xf32> to vector<16xf32>
        %swap3A_1817 = vector.shape_cast %add3A_1812 : vector<16xf32> to vector<1x16xf32>
        tpu.vector_store %arg11[%swap3A_1813, %swap3A_1814], %swap3A_1817 {strides = array<i32>} : memref<32x768xf32, #tpu.memory_space<vmem>>, vector<1x16xf32>,
        %get3A_1818 = arith.index_cast %scan3A_20 : i32 to index
        %get3A_1819 = arith.constant 656 : index
        %get3A_1820 = tpu.vector_load %arg11[%get3A_1818, %get3A_1819] {strides = array<i32>} : memref<32x768xf32, #tpu.memory_space<vmem>>, vector<1x16xf32>,
        %get3A_1821 = vector.shape_cast %get3A_1820 : vector<1x16xf32> to vector<16xf32>
        %sub3A_1822 = arith.subf %get3A_1821, %mul3A_885 : vector<16xf32>
        %mul3A_1823 = arith.mulf %sub3A_1822, %mul3A_1038 : vector<16xf32>
        %get3A_1824 = arith.constant 656 : index
        %get3A_1825 = tpu.vector_load %arg12[%get3A_1824] {strides = array<i32>} : memref<768xf32, #tpu.memory_space<vmem>>, vector<16xf32>,
        %get3A_1826 = vector.shape_cast %get3A_1825 : vector<16xf32> to vector<16xf32>
        %mul3A_1827 = arith.mulf %mul3A_1823, %get3A_1826 : vector<16xf32>
        %get3A_1828 = arith.constant 656 : index
        %get3A_1829 = tpu.vector_load %arg13[%get3A_1828] {strides = array<i32>} : memref<768xf32, #tpu.memory_space<vmem>>, vector<16xf32>,
        %get3A_1830 = vector.shape_cast %get3A_1829 : vector<16xf32> to vector<16xf32>
        %add3A_1831 = arith.addf %mul3A_1827, %get3A_1830 : vector<16xf32>
        %swap3A_1832 = arith.index_cast %scan3A_20 : i32 to index
        %swap3A_1833 = arith.constant 656 : index
        %swap3A_1834 = tpu.vector_load %arg11[%swap3A_1832, %swap3A_1833] {strides = array<i32>} : memref<32x768xf32, #tpu.memory_space<vmem>>, vector<1x16xf32>,
        %swap3A_1835 = vector.shape_cast %swap3A_1834 : vector<1x16xf32> to vector<16xf32>
        %swap3A_1836 = vector.shape_cast %add3A_1831 : vector<16xf32> to vector<1x16xf32>
        tpu.vector_store %arg11[%swap3A_1832, %swap3A_1833], %swap3A_1836 {strides = array<i32>} : memref<32x768xf32, #tpu.memory_space<vmem>>, vector<1x16xf32>,
        %get3A_1837 = arith.index_cast %scan3A_20 : i32 to index
        %get3A_1838 = arith.constant 672 : index
        %get3A_1839 = tpu.vector_load %arg11[%get3A_1837, %get3A_1838] {strides = array<i32>} : memref<32x768xf32, #tpu.memory_space<vmem>>, vector<1x16xf32>,
        %get3A_1840 = vector.shape_cast %get3A_1839 : vector<1x16xf32> to vector<16xf32>
        %sub3A_1841 = arith.subf %get3A_1840, %mul3A_885 : vector<16xf32>
        %mul3A_1842 = arith.mulf %sub3A_1841, %mul3A_1038 : vector<16xf32>
        %get3A_1843 = arith.constant 672 : index
        %get3A_1844 = tpu.vector_load %arg12[%get3A_1843] {strides = array<i32>} : memref<768xf32, #tpu.memory_space<vmem>>, vector<16xf32>,
        %get3A_1845 = vector.shape_cast %get3A_1844 : vector<16xf32> to vector<16xf32>
        %mul3A_1846 = arith.mulf %mul3A_1842, %get3A_1845 : vector<16xf32>
        %get3A_1847 = arith.constant 672 : index
        %get3A_1848 = tpu.vector_load %arg13[%get3A_1847] {strides = array<i32>} : memref<768xf32, #tpu.memory_space<vmem>>, vector<16xf32>,
        %get3A_1849 = vector.shape_cast %get3A_1848 : vector<16xf32> to vector<16xf32>
        %add3A_1850 = arith.addf %mul3A_1846, %get3A_1849 : vector<16xf32>
        %swap3A_1851 = arith.index_cast %scan3A_20 : i32 to index
        %swap3A_1852 = arith.constant 672 : index
        %swap3A_1853 = tpu.vector_load %arg11[%swap3A_1851, %swap3A_1852] {strides = array<i32>} : memref<32x768xf32, #tpu.memory_space<vmem>>, vector<1x16xf32>,
        %swap3A_1854 = vector.shape_cast %swap3A_1853 : vector<1x16xf32> to vector<16xf32>
        %swap3A_1855 = vector.shape_cast %add3A_1850 : vector<16xf32> to vector<1x16xf32>
        tpu.vector_store %arg11[%swap3A_1851, %swap3A_1852], %swap3A_1855 {strides = array<i32>} : memref<32x768xf32, #tpu.memory_space<vmem>>, vector<1x16xf32>,
        %get3A_1856 = arith.index_cast %scan3A_20 : i32 to index
        %get3A_1857 = arith.constant 688 : index
        %get3A_1858 = tpu.vector_load %arg11[%get3A_1856, %get3A_1857] {strides = array<i32>} : memref<32x768xf32, #tpu.memory_space<vmem>>, vector<1x16xf32>,
        %get3A_1859 = vector.shape_cast %get3A_1858 : vector<1x16xf32> to vector<16xf32>
        %sub3A_1860 = arith.subf %get3A_1859, %mul3A_885 : vector<16xf32>
        %mul3A_1861 = arith.mulf %sub3A_1860, %mul3A_1038 : vector<16xf32>
        %get3A_1862 = arith.constant 688 : index
        %get3A_1863 = tpu.vector_load %arg12[%get3A_1862] {strides = array<i32>} : memref<768xf32, #tpu.memory_space<vmem>>, vector<16xf32>,
        %get3A_1864 = vector.shape_cast %get3A_1863 : vector<16xf32> to vector<16xf32>
        %mul3A_1865 = arith.mulf %mul3A_1861, %get3A_1864 : vector<16xf32>
        %get3A_1866 = arith.constant 688 : index
        %get3A_1867 = tpu.vector_load %arg13[%get3A_1866] {strides = array<i32>} : memref<768xf32, #tpu.memory_space<vmem>>, vector<16xf32>,
        %get3A_1868 = vector.shape_cast %get3A_1867 : vector<16xf32> to vector<16xf32>
        %add3A_1869 = arith.addf %mul3A_1865, %get3A_1868 : vector<16xf32>
        %swap3A_1870 = arith.index_cast %scan3A_20 : i32 to index
        %swap3A_1871 = arith.constant 688 : index
        %swap3A_1872 = tpu.vector_load %arg11[%swap3A_1870, %swap3A_1871] {strides = array<i32>} : memref<32x768xf32, #tpu.memory_space<vmem>>, vector<1x16xf32>,
        %swap3A_1873 = vector.shape_cast %swap3A_1872 : vector<1x16xf32> to vector<16xf32>
        %swap3A_1874 = vector.shape_cast %add3A_1869 : vector<16xf32> to vector<1x16xf32>
        tpu.vector_store %arg11[%swap3A_1870, %swap3A_1871], %swap3A_1874 {strides = array<i32>} : memref<32x768xf32, #tpu.memory_space<vmem>>, vector<1x16xf32>,
        %get3A_1875 = arith.index_cast %scan3A_20 : i32 to index
        %get3A_1876 = arith.constant 704 : index
        %get3A_1877 = tpu.vector_load %arg11[%get3A_1875, %get3A_1876] {strides = array<i32>} : memref<32x768xf32, #tpu.memory_space<vmem>>, vector<1x16xf32>,
        %get3A_1878 = vector.shape_cast %get3A_1877 : vector<1x16xf32> to vector<16xf32>
        %sub3A_1879 = arith.subf %get3A_1878, %mul3A_885 : vector<16xf32>
        %mul3A_1880 = arith.mulf %sub3A_1879, %mul3A_1038 : vector<16xf32>
        %get3A_1881 = arith.constant 704 : index
        %get3A_1882 = tpu.vector_load %arg12[%get3A_1881] {strides = array<i32>} : memref<768xf32, #tpu.memory_space<vmem>>, vector<16xf32>,
        %get3A_1883 = vector.shape_cast %get3A_1882 : vector<16xf32> to vector<16xf32>
        %mul3A_1884 = arith.mulf %mul3A_1880, %get3A_1883 : vector<16xf32>
        %get3A_1885 = arith.constant 704 : index
        %get3A_1886 = tpu.vector_load %arg13[%get3A_1885] {strides = array<i32>} : memref<768xf32, #tpu.memory_space<vmem>>, vector<16xf32>,
        %get3A_1887 = vector.shape_cast %get3A_1886 : vector<16xf32> to vector<16xf32>
        %add3A_1888 = arith.addf %mul3A_1884, %get3A_1887 : vector<16xf32>
        %swap3A_1889 = arith.index_cast %scan3A_20 : i32 to index
        %swap3A_1890 = arith.constant 704 : index
        %swap3A_1891 = tpu.vector_load %arg11[%swap3A_1889, %swap3A_1890] {strides = array<i32>} : memref<32x768xf32, #tpu.memory_space<vmem>>, vector<1x16xf32>,
        %swap3A_1892 = vector.shape_cast %swap3A_1891 : vector<1x16xf32> to vector<16xf32>
        %swap3A_1893 = vector.shape_cast %add3A_1888 : vector<16xf32> to vector<1x16xf32>
        tpu.vector_store %arg11[%swap3A_1889, %swap3A_1890], %swap3A_1893 {strides = array<i32>} : memref<32x768xf32, #tpu.memory_space<vmem>>, vector<1x16xf32>,
        %get3A_1894 = arith.index_cast %scan3A_20 : i32 to index
        %get3A_1895 = arith.constant 720 : index
        %get3A_1896 = tpu.vector_load %arg11[%get3A_1894, %get3A_1895] {strides = array<i32>} : memref<32x768xf32, #tpu.memory_space<vmem>>, vector<1x16xf32>,
        %get3A_1897 = vector.shape_cast %get3A_1896 : vector<1x16xf32> to vector<16xf32>
        %sub3A_1898 = arith.subf %get3A_1897, %mul3A_885 : vector<16xf32>
        %mul3A_1899 = arith.mulf %sub3A_1898, %mul3A_1038 : vector<16xf32>
        %get3A_1900 = arith.constant 720 : index
        %get3A_1901 = tpu.vector_load %arg12[%get3A_1900] {strides = array<i32>} : memref<768xf32, #tpu.memory_space<vmem>>, vector<16xf32>,
        %get3A_1902 = vector.shape_cast %get3A_1901 : vector<16xf32> to vector<16xf32>
        %mul3A_1903 = arith.mulf %mul3A_1899, %get3A_1902 : vector<16xf32>
        %get3A_1904 = arith.constant 720 : index
        %get3A_1905 = tpu.vector_load %arg13[%get3A_1904] {strides = array<i32>} : memref<768xf32, #tpu.memory_space<vmem>>, vector<16xf32>,
        %get3A_1906 = vector.shape_cast %get3A_1905 : vector<16xf32> to vector<16xf32>
        %add3A_1907 = arith.addf %mul3A_1903, %get3A_1906 : vector<16xf32>
        %swap3A_1908 = arith.index_cast %scan3A_20 : i32 to index
        %swap3A_1909 = arith.constant 720 : index
        %swap3A_1910 = tpu.vector_load %arg11[%swap3A_1908, %swap3A_1909] {strides = array<i32>} : memref<32x768xf32, #tpu.memory_space<vmem>>, vector<1x16xf32>,
        %swap3A_1911 = vector.shape_cast %swap3A_1910 : vector<1x16xf32> to vector<16xf32>
        %swap3A_1912 = vector.shape_cast %add3A_1907 : vector<16xf32> to vector<1x16xf32>
        tpu.vector_store %arg11[%swap3A_1908, %swap3A_1909], %swap3A_1912 {strides = array<i32>} : memref<32x768xf32, #tpu.memory_space<vmem>>, vector<1x16xf32>,
        %get3A_1913 = arith.index_cast %scan3A_20 : i32 to index
        %get3A_1914 = arith.constant 736 : index
        %get3A_1915 = tpu.vector_load %arg11[%get3A_1913, %get3A_1914] {strides = array<i32>} : memref<32x768xf32, #tpu.memory_space<vmem>>, vector<1x16xf32>,
        %get3A_1916 = vector.shape_cast %get3A_1915 : vector<1x16xf32> to vector<16xf32>
        %sub3A_1917 = arith.subf %get3A_1916, %mul3A_885 : vector<16xf32>
        %mul3A_1918 = arith.mulf %sub3A_1917, %mul3A_1038 : vector<16xf32>
        %get3A_1919 = arith.constant 736 : index
        %get3A_1920 = tpu.vector_load %arg12[%get3A_1919] {strides = array<i32>} : memref<768xf32, #tpu.memory_space<vmem>>, vector<16xf32>,
        %get3A_1921 = vector.shape_cast %get3A_1920 : vector<16xf32> to vector<16xf32>
        %mul3A_1922 = arith.mulf %mul3A_1918, %get3A_1921 : vector<16xf32>
        %get3A_1923 = arith.constant 736 : index
        %get3A_1924 = tpu.vector_load %arg13[%get3A_1923] {strides = array<i32>} : memref<768xf32, #tpu.memory_space<vmem>>, vector<16xf32>,
        %get3A_1925 = vector.shape_cast %get3A_1924 : vector<16xf32> to vector<16xf32>
        %add3A_1926 = arith.addf %mul3A_1922, %get3A_1925 : vector<16xf32>
        %swap3A_1927 = arith.index_cast %scan3A_20 : i32 to index
        %swap3A_1928 = arith.constant 736 : index
        %swap3A_1929 = tpu.vector_load %arg11[%swap3A_1927, %swap3A_1928] {strides = array<i32>} : memref<32x768xf32, #tpu.memory_space<vmem>>, vector<1x16xf32>,
        %swap3A_1930 = vector.shape_cast %swap3A_1929 : vector<1x16xf32> to vector<16xf32>
        %swap3A_1931 = vector.shape_cast %add3A_1926 : vector<16xf32> to vector<1x16xf32>
        tpu.vector_store %arg11[%swap3A_1927, %swap3A_1928], %swap3A_1931 {strides = array<i32>} : memref<32x768xf32, #tpu.memory_space<vmem>>, vector<1x16xf32>,
        %get3A_1932 = arith.index_cast %scan3A_20 : i32 to index
        %get3A_1933 = arith.constant 752 : index
        %get3A_1934 = tpu.vector_load %arg11[%get3A_1932, %get3A_1933] {strides = array<i32>} : memref<32x768xf32, #tpu.memory_space<vmem>>, vector<1x16xf32>,
        %get3A_1935 = vector.shape_cast %get3A_1934 : vector<1x16xf32> to vector<16xf32>
        %sub3A_1936 = arith.subf %get3A_1935, %mul3A_885 : vector<16xf32>
        %mul3A_1937 = arith.mulf %sub3A_1936, %mul3A_1038 : vector<16xf32>
        %get3A_1938 = arith.constant 752 : index
        %get3A_1939 = tpu.vector_load %arg12[%get3A_1938] {strides = array<i32>} : memref<768xf32, #tpu.memory_space<vmem>>, vector<16xf32>,
        %get3A_1940 = vector.shape_cast %get3A_1939 : vector<16xf32> to vector<16xf32>
        %mul3A_1941 = arith.mulf %mul3A_1937, %get3A_1940 : vector<16xf32>
        %get3A_1942 = arith.constant 752 : index
        %get3A_1943 = tpu.vector_load %arg13[%get3A_1942] {strides = array<i32>} : memref<768xf32, #tpu.memory_space<vmem>>, vector<16xf32>,
        %get3A_1944 = vector.shape_cast %get3A_1943 : vector<16xf32> to vector<16xf32>
        %add3A_1945 = arith.addf %mul3A_1941, %get3A_1944 : vector<16xf32>
        %swap3A_1946 = arith.index_cast %scan3A_20 : i32 to index
        %swap3A_1947 = arith.constant 752 : index
        %swap3A_1948 = tpu.vector_load %arg11[%swap3A_1946, %swap3A_1947] {strides = array<i32>} : memref<32x768xf32, #tpu.memory_space<vmem>>, vector<1x16xf32>,
        %swap3A_1949 = vector.shape_cast %swap3A_1948 : vector<1x16xf32> to vector<16xf32>
        %swap3A_1950 = vector.shape_cast %add3A_1945 : vector<16xf32> to vector<1x16xf32>
        tpu.vector_store %arg11[%swap3A_1946, %swap3A_1947], %swap3A_1950 {strides = array<i32>} : memref<32x768xf32, #tpu.memory_space<vmem>>, vector<1x16xf32>,
      }
      %scan3A_19 = arith.constant 32 : i32
      "tpu.region"() ({
        %run_scoped3A = tpu.sem_alloc : memref<!tpu.dma_semaphore, #tpu.memory_space<semaphore_mem>>
        %dma_start3A_20 = arith.constant 0 : i32
        %dma_start3A_21 = tpu.memref_slice %arg7[%add3A_10, %dma_start3A_20] : memref<2048x768xf32, #tpu.memory_space<hbm>> -> memref<32x768xf32, #tpu.memory_space<hbm>>
        %dma_start3A_22 = arith.constant 0 : i32
        %dma_start3A_23 = tpu.memref_slice %arg7[%add3A_10, %dma_start3A_22] : memref<2048x768xf32, #tpu.memory_space<hbm>> -> memref<32x768xf32, #tpu.memory_space<hbm>>
        tpu.enqueue_dma source(%arg11 : memref<32x768xf32, #tpu.memory_space<vmem>>) target(%dma_start3A_23 : memref<32x768xf32, #tpu.memory_space<hbm>>) target_semaphore(%run_scoped3A : memref<!tpu.dma_semaphore, #tpu.memory_space<semaphore_mem>>)
        %dma_wait3A_24 = arith.constant 0 : i32
        %dma_wait3A_25 = tpu.memref_slice %arg7[%add3A_10, %dma_wait3A_24] : memref<2048x768xf32, #tpu.memory_space<hbm>> -> memref<32x768xf32, #tpu.memory_space<hbm>>
        %dma_wait3A_26 = arith.constant 0 : i32
        %dma_wait3A_27 = tpu.memref_slice %arg7[%add3A_10, %dma_wait3A_26] : memref<2048x768xf32, #tpu.memory_space<hbm>> -> memref<32x768xf32, #tpu.memory_space<hbm>>
        tpu.wait_dma2 semaphore(%run_scoped3A : memref<!tpu.dma_semaphore, #tpu.memory_space<semaphore_mem>>) src(%arg11 : memref<32x768xf32, #tpu.memory_space<vmem>>) dst(%dma_wait3A_27 : memref<32x768xf32, #tpu.memory_space<hbm>>)
        tpu.yield
      }) : () -> ()
    }
    %scan3A_4 = arith.constant 2 : i32
    return
  }
}

module attributes {stable_mosaic.version = 14 : i64} {
  func.func @_tc_body(%arg0: i32, %arg1: memref<1x1x2048xi32, #tpu.memory_space<vmem>>, %arg2: memref<2048x768xf32, #tpu.memory_space<vmem>>, %arg3: memref<4x768xf32, #tpu.memory_space<vmem>>, %arg4: memref<1x768xf32, #tpu.memory_space<vmem>>, %arg5: memref<1x768xf32, #tpu.memory_space<vmem>>, %arg6: memref<2048x768xf32, #tpu.memory_space<vmem>>) attributes {dimension_semantics = [#tpu.dimension_semantics<arbitrary>], iteration_bounds = array<i64: 15>, scalar_prefetch = 0 : i64, scratch_operands = 0 : i64, tpu.core_type = #tpu.core_type<tc>, window_params = [{transform_indices = @transform_0, window_bounds = array<i64: 1, 1, 2048>}, {transform_indices = @transform_1, window_bounds = array<i64: 2048, 768>}, {pipeline_mode = #tpu.pipeline_mode<synchronous>, transform_indices = @transform_2, window_bounds = array<i64: 4, 768>}, {pipeline_mode = #tpu.pipeline_mode<synchronous>, transform_indices = @transform_3, window_bounds = array<i64: 1, 768>}, {pipeline_mode = #tpu.pipeline_mode<synchronous>, transform_indices = @transform_4, window_bounds = array<i64: 1, 768>}, {transform_indices = @transform_5, window_bounds = array<i64: 2048, 768>}]} {
    %get3A = arith.constant 0 : index
    %get3A_0 = arith.constant 0 : index
    %get3A_1 = arith.constant 0 : index
    %get3A_2 = vector.load %arg1[%get3A, %get3A_0, %get3A_1] : memref<1x1x2048xi32, #tpu.memory_space<vmem>>, vector<1x1x2048xi32>
    %get3A_3 = vector.shape_cast %get3A_2 : vector<1x1x2048xi32> to vector<2048xi32>
    %get3A_4 = arith.constant 0 : index
    %get3A_5 = arith.constant 0 : index
    %get3A_6 = vector.load %arg2[%get3A_4, %get3A_5] : memref<2048x768xf32, #tpu.memory_space<vmem>>, vector<2048x768xf32>
    %get3A_7 = arith.constant 0 : index
    %get3A_8 = arith.constant 0 : index
    %get3A_9 = vector.load %arg3[%get3A_7, %get3A_8] : memref<4x768xf32, #tpu.memory_space<vmem>>, vector<4x768xf32>
    %broadcast_in_dim3A = vector.shape_cast %get3A_3 : vector<2048xi32> to vector<2048x1xi32>
    %iota3A = tpu.iota {dimensions = array<i32: 1>} : vector<2048x4xi32>
    %eq3A = vector.broadcast %broadcast_in_dim3A : vector<2048x1xi32> to vector<2048x4xi32>
    %eq3A_10 = arith.cmpi eq, %eq3A, %iota3A : vector<2048x4xi32>
    %convert_element_type3A = arith.extui %eq3A_10 : vector<2048x4xi1> to vector<2048x4xi32>
    %convert_element_type3A_11 = arith.sitofp %convert_element_type3A : vector<2048x4xi32> to vector<2048x4xf32>
    %dot_general3A = arith.constant dense<0.000000e+00> : vector<2048x768xf32>
    %dot_general3A_12 = tpu.matmul %convert_element_type3A_11, %get3A_9, %dot_general3A {dimension_numbers = #tpu.dot_dimension_numbers<[1], [0], [0], [1], [0, 0, 1, 1], [], []>, transpose_lhs_hint = false} : vector<2048x4xf32>, vector<4x768xf32>, vector<2048x768xf32> -> vector<2048x768xf32>
    %add3A = arith.addf %get3A_6, %dot_general3A_12 : vector<2048x768xf32>
    %reduce_sum3A = arith.constant dense<0.000000e+00> : vector<2048xf32>
    %reduce_sum3A_13 = vector.multi_reduction <add>, %add3A, %reduce_sum3A [1] : vector<2048x768xf32> to vector<2048xf32>
    %broadcast_in_dim3A_14 = vector.shape_cast %reduce_sum3A_13 : vector<2048xf32> to vector<2048x1xf32>
    %div3A = arith.constant 7.680000e+02 : f32
    %div3A_15 = vector.broadcast %div3A : f32 to vector<2048x1xf32>
    %div3A_16 = arith.divf %broadcast_in_dim3A_14, %div3A_15 : vector<2048x1xf32>
    %sub3A = vector.broadcast %div3A_16 : vector<2048x1xf32> to vector<2048x768xf32>
    %sub3A_17 = arith.subf %add3A, %sub3A : vector<2048x768xf32>
    %mul3A = arith.mulf %sub3A_17, %sub3A_17 : vector<2048x768xf32>
    %reduce_sum3A_18 = arith.constant dense<0.000000e+00> : vector<2048xf32>
    %reduce_sum3A_19 = vector.multi_reduction <add>, %mul3A, %reduce_sum3A_18 [1] : vector<2048x768xf32> to vector<2048xf32>
    %broadcast_in_dim3A_20 = vector.shape_cast %reduce_sum3A_19 : vector<2048xf32> to vector<2048x1xf32>
    %div3A_21 = arith.constant 7.680000e+02 : f32
    %div3A_22 = vector.broadcast %div3A_21 : f32 to vector<2048x1xf32>
    %div3A_23 = arith.divf %broadcast_in_dim3A_20, %div3A_22 : vector<2048x1xf32>
    %add3A_24 = arith.constant 9.99999996E-13 : f32
    %add3A_25 = vector.broadcast %add3A_24 : f32 to vector<2048x1xf32>
    %add3A_26 = arith.addf %div3A_23, %add3A_25 : vector<2048x1xf32>
    %rsqrt3A = math.rsqrt %add3A_26 : vector<2048x1xf32>
    %mul3A_27 = vector.broadcast %rsqrt3A : vector<2048x1xf32> to vector<2048x768xf32>
    %mul3A_28 = arith.mulf %sub3A_17, %mul3A_27 : vector<2048x768xf32>
    %get3A_29 = arith.constant 0 : index
    %get3A_30 = arith.constant 0 : index
    %get3A_31 = vector.load %arg4[%get3A_29, %get3A_30] : memref<1x768xf32, #tpu.memory_space<vmem>>, vector<1x768xf32>
    %mul3A_32 = vector.broadcast %get3A_31 : vector<1x768xf32> to vector<2048x768xf32>
    %mul3A_33 = arith.mulf %mul3A_28, %mul3A_32 : vector<2048x768xf32>
    %get3A_34 = arith.constant 0 : index
    %get3A_35 = arith.constant 0 : index
    %get3A_36 = vector.load %arg5[%get3A_34, %get3A_35] : memref<1x768xf32, #tpu.memory_space<vmem>>, vector<1x768xf32>
    %add3A_37 = vector.broadcast %get3A_36 : vector<1x768xf32> to vector<2048x768xf32>
    %add3A_38 = arith.addf %mul3A_33, %add3A_37 : vector<2048x768xf32>
    %swap3A = arith.constant 0 : index
    %swap3A_39 = arith.constant 0 : index
    %swap3A_40 = vector.load %arg6[%swap3A, %swap3A_39] : memref<2048x768xf32, #tpu.memory_space<vmem>>, vector<2048x768xf32>
    tpu.vector_store %arg6[%swap3A, %swap3A_39], %add3A_38 {strides = array<i32>} : memref<2048x768xf32, #tpu.memory_space<vmem>>, vector<2048x768xf32>,
    return
  }
  func.func @transform_0(%arg0: i32) -> (i32, i32, i32) {
    %c0_i32 = arith.constant 0 : i32
    %c0_i32_0 = arith.constant 0 : i32
    %c0_i32_1 = arith.constant 0 : i32
    return %arg0, %c0_i32, %c0_i32_0 : i32, i32, i32
  }
  func.func @transform_1(%arg0: i32) -> (i32, i32) {
    %c0_i32 = arith.constant 0 : i32
    %c0_i32_0 = arith.constant 0 : i32
    return %arg0, %c0_i32 : i32, i32
  }
  func.func @transform_2(%arg0: i32) -> (i32, i32) {
    %c0_i32 = arith.constant 0 : i32
    %c0_i32_0 = arith.constant 0 : i32
    %c0_i32_1 = arith.constant 0 : i32
    return %c0_i32, %c0_i32_0 : i32, i32
  }
  func.func @transform_3(%arg0: i32) -> (i32, i32) {
    %c0_i32 = arith.constant 0 : i32
    %c0_i32_0 = arith.constant 0 : i32
    %c0_i32_1 = arith.constant 0 : i32
    return %c0_i32, %c0_i32_0 : i32, i32
  }
  func.func @transform_4(%arg0: i32) -> (i32, i32) {
    %c0_i32 = arith.constant 0 : i32
    %c0_i32_0 = arith.constant 0 : i32
    %c0_i32_1 = arith.constant 0 : i32
    return %c0_i32, %c0_i32_0 : i32, i32
  }
  func.func @transform_5(%arg0: i32) -> (i32, i32) {
    %c0_i32 = arith.constant 0 : i32
    %c0_i32_0 = arith.constant 0 : i32
    return %arg0, %c0_i32 : i32, i32
  }
}

</mosaic_0001>

<sc_bundles>
// kernel: kernel.4.cloned.1.call-start
scs
__scs_entry_jumppad:
0x0: {  	(pc) =	sbr.rel $0x88, $3  }
0x1: {  	(tag) =	ssettag $0x0;
	lr =	simm.s32 $0x1  }
0x2: {  	[smem:$0x3F9C] =	sst lr;
	_ =	strace $0xD0000000  }
0x3: {  	_ = 	snop  }
0x4: {  	_ = 	snop  }
0x5: {  	_ = 	snop  }
0x6: {  	_ = 	snop  }
0x7: {  	_ = 	snop  }
__scs_overlays_trampoline_lowered:
0x8: {  	[smem:$0x3FAB] =	sst s0  }
0x9: {  	[smem:$0x3FAC] =	sst s1  }
0xa: {  	[smem:$0x3FAD] =	sst s2  }
0xb: {  	[smem:$0x3FAE] =	sst s3  }
0xc: {  	[smem:$0x3FAF] =	sst s4  }
0xd: {  	[smem:$0x3FB0] =	sst s5  }
0xe: {  	[smem:$0x3FB1] =	sst s6  }
0xf: {  	[smem:$0x3FB2] =	sst s7  }
0x10: {  	[smem:$0x3FB3] =	sst s8  }
0x11: {  	[smem:$0x3FB4] =	sst s9;
	s0 =	simm.s32 @!p0 $0x0  }
0x12: {  	s1 =	sld [smem:$0x3F9A];
	s0 =	simm.s32 @p0 $0x1  }
0x13: {  	[smem:$0x3FB5] =	sst s0;
	s0 =	simm.s32 @!p1 $0x0  }
0x14: {  	s2 =	sld [smem:$0x3F99];
	s0 =	simm.s32 @p1 $0x1  }
0x15: {  	[smem:$0x3FB6] =	sst s0;
	s0 =	simm.s32 @!p2 $0x0  }
0x16: {  	s3 =	sld [smem:$0x3FDB];
	s0 =	simm.s32 @p2 $0x1  }
0x17: {  	s4 =	simm.s32 $0x1BF5;
	[smem:$0x3FB8] =	sst s0  }
0x18: {  	s0 =	sld [smem:$0x3F9B];
	_ =	swait.ge [sflag:s4], $0x0  }
0x19: {  	s7 =	sld [smem:$0x3F9C]  }
0x1a: {  	s8 =	sadd.s32 $0xFFFFE003, lr  }
0x1b: {  	s9 =	sadd.s32 $0xFFFFFEF7, lr;
	s5 =	simm.s32 $0xFFFFFFFF;
	p2 =	slt.u32 s8, $0xFFFFF086  }
0x1c: {  	p1 =	slt.u32 s9, $0xF7A;
	s5 =	simm.s32 @!p2 $0x0  }
0x1d: {  	s5 =	simm.s32 @p1 $0x1;
	p0 =	seq.s32 s7, s2  }
0x1e: {  	s7 =	smul.u32 @!p0 $0xF7A, s2;
	p2 =	seq.s32 @!p0 s5, $0x0  }
0x1f: {  	s9 =	smul.u32 $0xF7A, s1;
	s8 =	simm.s32 @!p0 $0x1BF5;
	p2 =	por !p2, p0  }
0x20: {  	[sflag:s8] =	ssyncset.s32 @!p0 $0xFFFFF086;
	s6 =	sadd.s32 @!p0 s3, s7;
	s7 =	simm.s32 @!p0 $0x108  }
0x21: {  	s3 =	sadd.s32 s3, s9;
	s6 =	sadd.s32 @!p0 $0x88, s6;
	s7 =	simm.s32 @p2 $0x1082  }
0x22: {  	[simem:s7], [sflag:s8] =	dma.local @!p0 [hbm:s6], $0xF7A  }
0x23: {  	s9 =	sor.u32 $0xD0000000, s2;
	s6 =	simm.s32 $0x108;
	_ =	swait.ge @!p0 [sflag:s8], $0x0  }
0x24: {  	s3 =	sadd.s32 $0x88, s3;
	s6 =	simm.s32 @!p1 $0x1082;
	[sflag:s4] =	ssyncset.s32 $0xFFFFF086  }
0x25: {  	[simem:s6], [sflag:s4] =	dma.local [hbm:s3], $0xF7A  }
0x26: {  	[smem:$0x3F9C] =	sst s1;
	(tag) =	ssettag s2;
	_ =	strace s9  }
0x27: {  	s1 =	sld [smem:$0x3FAC]  }
0x28: {  	s2 =	sld [smem:$0x3FAD]  }
0x29: {  	s4 =	sld [smem:$0x3FAF]  }
0x2a: {  	p0 =	seq.s32 s5, $0x0;
	s5 =	sld [smem:$0x3FB0]  }
0x2b: {  	s6 =	sld [smem:$0x3FB1]  }
0x2c: {  	s7 =	sld [smem:$0x3FB2]  }
0x2d: {  	s3 =	simm.s32 $0x108;
	s8 =	sld [smem:$0x3FB3]  }
0x2e: {  	s3 =	simm.s32 @!p0 $0x1082;
	s9 =	sld [smem:$0x3FB4]  }
0x2f: {  	lr =	sadd.s32 s0, s3;
	s0 =	sld [smem:$0x3FAB]  }
0x30: {  	s3 =	sld [smem:$0x3FAE]  }
0x31: {  	[smem:$0x3FB7] =	sst s10  }
0x32: {  	s10 =	sld [smem:$0x3FB5];
	_ =	sdelay $0x3  }
0x33: {  	p0 =	seq.s32 s10, $0x1;
	s10 =	sld [smem:$0x3FB7];
	_ =	sdelay $0x3  }
0x34: {  	[smem:$0x3FB7] =	sst s10  }
0x35: {  	s10 =	sld [smem:$0x3FB6];
	_ =	sdelay $0x3  }
0x36: {  	p1 =	seq.s32 s10, $0x1;
	s10 =	sld [smem:$0x3FB7];
	_ =	sdelay $0x3  }
0x37: {  	[smem:$0x3FB7] =	sst s10  }
0x38: {  	s10 =	sld [smem:$0x3FB8]  }
0x39: {  	_ = 	snop;
	(pc) =	sbr.ind lr, $3  }
0x3a: {  	_ = 	snop  }
0x3b: {  	_ = 	snop  }
0x3c: {  	p2 =	seq.s32 s10, $0x1;
	s10 =	sld [smem:$0x3FB7]  }
0x3d: {  	_ =	shalt  }
0x3e: {  	_ =	shalt  }
0x3f: {  	_ =	shalt  }
0x40: {  	_ =	shalt  }
0x41: {  	_ =	shalt  }
0x42: {  	_ =	shalt  }
0x43: {  	_ =	shalt  }
0x44: {  	_ =	shalt  }
0x45: {  	_ =	shalt  }
0x46: {  	_ =	shalt  }
0x47: {  	_ =	shalt  }
0x48: {  	_ =	shalt  }
0x49: {  	_ =	shalt  }
0x4a: {  	_ =	shalt  }
0x4b: {  	_ =	shalt  }
0x4c: {  	_ =	shalt  }
0x4d: {  	_ =	shalt  }
0x4e: {  	_ =	shalt  }
0x4f: {  	_ =	shalt  }
0x50: {  	_ =	shalt  }
0x51: {  	_ =	shalt  }
0x52: {  	_ =	shalt  }
0x53: {  	_ =	shalt  }
0x54: {  	_ =	shalt  }
0x55: {  	_ =	shalt  }
0x56: {  	_ =	shalt  }
0x57: {  	_ =	shalt  }
0x58: {  	_ =	shalt  }
0x59: {  	_ =	shalt  }
0x5a: {  	_ =	shalt  }
0x5b: {  	_ =	shalt  }
0x5c: {  	_ =	shalt  }
0x5d: {  	_ =	shalt  }
0x5e: {  	_ =	shalt  }
0x5f: {  	_ =	shalt  }
0x60: {  	_ =	shalt  }
0x61: {  	_ =	shalt  }
0x62: {  	_ =	shalt  }
0x63: {  	_ =	shalt  }
0x64: {  	_ =	shalt  }
0x65: {  	_ =	shalt  }
0x66: {  	_ =	shalt  }
0x67: {  	_ =	shalt  }
0x68: {  	_ =	shalt  }
0x69: {  	_ =	shalt  }
0x6a: {  	_ =	shalt  }
0x6b: {  	_ =	shalt  }
0x6c: {  	_ =	shalt  }
0x6d: {  	_ =	shalt  }
0x6e: {  	_ =	shalt  }
0x6f: {  	_ =	shalt  }
0x70: {  	_ =	shalt  }
0x71: {  	_ =	shalt  }
0x72: {  	_ =	shalt  }
0x73: {  	_ =	shalt  }
0x74: {  	_ =	shalt  }
0x75: {  	_ =	shalt  }
0x76: {  	_ =	shalt  }
0x77: {  	_ =	shalt  }
0x78: {  	_ =	shalt  }
0x79: {  	_ =	shalt  }
0x7a: {  	_ =	shalt  }
0x7b: {  	_ =	shalt  }
0x7c: {  	_ =	shalt  }
0x7d: {  	_ =	shalt  }
0x7e: {  	_ =	shalt  }
0x7f: {  	_ =	shalt  }
0x80: {  	_ =	shalt  }
0x81: {  	_ =	shalt  }
0x82: {  	_ =	shalt  }
0x83: {  	_ =	shalt  }
0x84: {  	_ =	shalt  }
0x85: {  	_ =	shalt  }
0x86: {  	_ =	shalt  }
0x87: {  	_ =	shalt  }
.Lfunc_end0:
.L_simem_size_0:
called_computation_lowered:
.L_overlay_start_0:
0x88: {  	s2 =	sld [smem:$0x3FD9]  }
0x89: {  	s3 =	sld [smem:$0x3FFE];
	_ =	sdelay $0x1  }
0x8a: {  	s1 =	srdreg.scid  }
0x8b: {  	s0 =	sand.u32 $0x1, s1  }
0x8c: {  	s17 =	sshll.u32 s0, $0xA;
	s2 =	sadd.s32 s3, s2  }
0x8d: {  	s2 =	sadd.s32 s2, s17  }
0x8e: {  	[smem:$0x3FC3] =	sst s2  }
0x8f: {  	_ = 	snop  }
0x90: {  	s2 =	sld [smem:$0x3FC7]  }
0x91: {  	s18 =	sld [smem:$0x3FC6]  }
0x92: {  	s4 =	sld [smem:$0x3FC5];
	(tm) =	ssettm $0x1  }
0x93: {  	s5 =	sld [smem:$0x3FFB];
	_ =	sdelay $0x3  }
0x94: {  	_ =	strace s5  }
0x95: {  	s5 =	sld [smem:$0x3FFC];
	_ =	sdelay $0x3  }
0x96: {  	_ =	strace s5  }
0x97: {  	s5 =	sld [smem:$0x3FFD];
	_ =	sdelay $0x3  }
0x98: {  	_ =	strace s5  }
0x99: {  	_ =	strace $0x8FFFFFFF  }
0x9a: {  	s19 =	sld [smem:$0x3FDB];
	_ =	sdelay $0x1  }
0x9b: {  	s6 =	simm.s32 $_scs_section_size  }
0x9c: {  	s7 =	simm.s32 $_size__tile_overlayer_lowered;
	s8 =	simm.s32 $_tile_overlayer_lowered  }
0x9d: {  	s22 =	simm.s32 $0x1BFF;
	s21 =	sshll.u32 s8, $0x1;
	s5 =	sadd.s32 s6, s19  }
0x9e: {  	s9 =	simm.s32 $0x0;
	s20 =	sshll.u32 s7, $0x1;
	s7 =	sadd.s32 s21, s5  }
0x9f: {  	[timem:s9], [sflag:s22] =	dma.local [hbm:s7], s20  }
0xa0: {  	_ =	swait.ge [sflag:s22], s20  }
0xa1: {  	s6 =	ssub.s32 $0x0, s20;
	[sflag:s22] =	ssyncset.done $0x0  }
0xa2: {  	[sflag:s22] =	ssyncadd.s32 s6;
	_ =	sdelay $0x1  }
0xa3: {  	s23 =	simm.s32 $0x1B8B  }
0xa4: {  	_ =	swait.ge [sflag:s23], $0x1  }
0xa5: {  	[sflag:s23] =	ssyncset.done $0x0  }
0xa6: {  	s25 =	simm.s32 $0x1B8E;
	s24 =	sld [smem:$0x3FFE];
	[sflag:s23] =	ssyncadd.s32 $0xFFFFFFFF  }
0xa7: {  	s26 =	simm.s32 $execute0_lowered;
	[smem:$0x3FD2] =	sst s25  }
0xa8: {  	s7 =	sshll.u32 s26, $0x1;
	_ =	strace $0x80000046;
	[dreg:$0x1] =	wrdreg $0xFFFFFFFF  }
0xa9: {  	s28 =	simm.s32 $_size_execute0_lowered;
	s5 =	sadd.s32 s5, s7;
	[dreg:$0x0] =	wrdreg $0x0  }
0xaa: {  	s7 =	sshll.u32 s28, $0x1;
	[dreg:$0x2] =	wrdreg s5  }
0xab: {  	[dreg:$0x3] =	wrdreg s7  }
0xac: {  	[dreg:$0x4] =	wrdreg $0xC0  }
0xad: {  	_ =	task [dreg:s9], $0x5FFFF  }
0xae: {  	[dreg:$0x1] =	wrdreg $0xFFFFFFFF  }
0xaf: {  	[dreg:$0x0] =	wrdreg $0x60  }
0xb0: {  	[dreg:$0x2] =	wrdreg s24  }
0xb1: {  	[dreg:$0x3] =	wrdreg s2  }
0xb2: {  	[dreg:$0x4] =	wrdreg s18  }
0xb3: {  	[dreg:$0x5] =	wrdreg s4  }
0xb4: {  	[dreg:$0x6] =	wrdreg $0x9  }
0xb5: {  	_ =	task.clear_ibuf [dreg:s9], $0x7FFFF;
	_ =	strace $0x90000046  }
0xb6: {  	s29 =	simm.s32 $0x9;
	_ =	strace $0x80000048  }
0xb7: {  	_ =	swait.ge [sflag:s29], $0x1  }
0xb8: {  	[sflag:s29] =	ssyncadd.s32 $0xFFFFFFFF  }
0xb9: {  	_ =	strace $0x90000048  }
0xba: {  	_ =	sfence  }
0xbb: {  	s30 =	sld [smem:$0x0];
	_ =	sdelay $0x2  }
0xbc: {  	s31 =	sshll.u32 s1, $0xD;
	s1 =	sshrl.u32 s1, $0x2  }
0xbd: {  	s3 =	sand.u32 $0x4000, s31;
	s1 =	sadd.s32 s1, s30  }
0xbe: {  	s0 =	sor.u32 s3, s0;
	s1 =	sshll.u32 s1, $0x11  }
0xbf: {  	s0 =	sor.u32 s1, s0  }
0xc0: {  	s0 =	sadd.s32 $0x8F2B, s0  }
0xc1: {  	[sflag:s0] =	ssyncadd.remote.s32 $0x1  }
0xc2: {  	_ =	sfence.sel $0xFFFF  }
0xc3: {  	[dreg:$0x0] =	wrdreg $0xFFFFFFFF;
	(pc) =	sbr.abs _section_cstart, $3  }
0xc4: {  	[dreg:$0x1] =	wrdreg $0xFFFFFFFF  }
0xc5: {  	_ =	task.clear_ibuf [dreg:s9], $0x2FFFF;
	_ =	strace $0x9FFFFFFF  }
0xc6: {  	(tm) =	ssettm $0x7FFFFFFF  }
0xc7: {  	_ =	shalt  }
tec
execute0_lowered:
.L_overlay_start_1:
0x0: {  	(tag) =	ssettag $0x1  }
0x1: {  	v0 =	vimm.s32 $0xEFCDAB89  }
0x2: {  	s0 =	rddreg [dreg:$0x0];
	v1 =	vimm.s32 $0x67452301;
	v2 =	vimm.s32 $0xDCFE98BA;
	v3 =	vimm.s32 $0x54761032  }
0x3: {  	s1 =	rddreg [dreg:$0x1];
	s4 =	simm.s32 $0x0;
	s2 =	srdreg.scid;
	v4 =	vlaneseq.u32;
	v0 =	vunpack.c.l.s4.s8 v0;
	v1 =	vunpack.c.l.s4.s8 v1  }
0x4: {  	s7 =	stileid.u32;
	v5 =	vimm.s32 $0xBA98FEDC;
	s14 =	simm.s32 $0x2;
	s16 =	simm.s32 $0x6080;
	v2 =	vunpack.c.l.s4.s8 v2;
	v3 =	vunpack.c.l.s4.s8 v3  }
0x5: {  	v6 =	vimm.s32 $0x32107654;
	s17 =	simm.s32 $0x6880;
	s18 =	simm.s32 $0x7080;
	s19 =	simm.s32 $0x7880;
	v0 =	vunpack.c.0.s8.s32 v0;
	v1 =	vunpack.c.0.s8.s32 v1  }
0x6: {  	s20 =	simm.s32 $0x8080;
	s21 =	simm.s32 $0x8880;
	s22 =	simm.s32 $0x9080;
	v5 =	vunpack.c.l.s4.s8 v5;
	v2 =	vunpack.c.0.s8.s32 v2;
	v3 =	vunpack.c.0.s8.s32 v3  }
0x7: {  	s23 =	simm.s32 $0x9880;
	s24 =	simm.s32 $0xA080;
	s25 =	simm.s32 $0xA880;
	v7 =	vshrl.u32 v4, $0x3;
	v8 =	vcombine.low v1, v0;
	v0 =	vunpack.c.l.s4.s8 v6  }
0x8: {  	s28 =	simm.s32 $0xB880;
	s29 =	simm.s32 $0x1;
	s30 =	simm.s32 $0x80;
	v6 =	vcombine.low v3, v2;
	v2 =	vunpack.c.0.s8.s32 v5;
	v1 =	vimm.s32 $0xFEDCBA98  }
0x9: {  	s31 =	simm.s32 $0xC080;
	[smem:$0x7FF] =	sst s4;
	s5 =	sadd.s32 $0x800, s0;
	v5 =	vimm.s32 $0x76543210;
	v9 =	vunpack.c.l.s4.s8 v1;
	v3 =	vunpack.c.0.s8.s32 v0  }
0xa: {  	vm0 =	vmmov $0xffff;
	s6 =	sadd.s32 $0x600, s0;
	s2 =	sand.u32 $0x1, s2;
	s8 =	sadd.s32 $0x30800, s0;
	v1 =	vmul.u32 $0x4, v7;
	v5 =	vunpack.c.l.s4.s8 v5  }
0xb: {  	s7 =	sshll.u32 s7, $0x4;
	s10 =	sadd.s32 $0x80, s1;
	s26 =	ssub.s32 $0x2, s2;
	v0 =	vand.u32 $0x7, v4;
	v9 =	vunpack.c.0.s8.s32 v9;
	v7 =	vcombine.low v3, v2  }
0xc: {  	s11 =	sadd.s32 $0x100, s1;
	s2 =	sshll.u32 s2, $0x3;
	s3 =	sshrl.u32 s26, $0x1;
	v2 =	vor.u32 $0x8, v4;
	v3 =	vand.u32 $0xF, v8;
	v8 =	vunpack.c.0.s8.s32 v5  }
0xd: {  	_ =	strace $0x80000047;
	s9 =	sor.u32 s2, s7;
	s0 =	ssub.s32 s26, s3;
	v4 =	vand.u32 $0xF, v6;
	v6 =	vand.u32 $0xF, v9;
	v5 =	vand.u32 $0xF, v7  }
0xe: {  	s26 =	simm.s32 $0xB080;
	s12 =	smax.u32 s0, $0x1;
	s0 =	simm.s32 $0x0;
	v6 =	vcombine.low v6, v8;
	v7 =	vimm.f32 $1.000000000e+00;
	v8 =	vimm.f32 $6.000000240e-01  }
.LBB2_1:
0xf: {  	s2 =	rddreg [dreg:$0x2];
	s3 =	simm.s32 $0x12080  }
0x10: {  	[tilespmem:s3], [sflag:$0x2] =	stream.linear.gather [hbm4b:s2+s4], $0x300, $0x38;
	[tilespmem:$0x12680] =	vst v63  }
0x11: {  	_ =	swait.ge [sflag:s14], $0x300  }
0x12: {  	[sflag:s14] =	ssyncset.done $0x0  }
0x13: {  	[sflag:s14] =	ssyncadd.s32 $0xFFFFFD00  }
0x14: {  	s15 =	simm.s32 $0x12380;
	s13 =	rddreg [dreg:$0x3]  }
0x15: {  	[tilespmem:s15], [sflag:$0x2] =	stream.linear.gather [hbm4b:s13+s4], $0x300, $0x38;
	[tilespmem:$0x12680] =	vst v63  }
0x16: {  	_ =	swait.ge [sflag:s14], $0x300  }
0x17: {  	[sflag:s14] =	ssyncset.done $0x0  }
0x18: {  	p1 =	por $0x1, $0x1;
	s2 =	simm.s32 $0x0;
	[sflag:s14] =	ssyncadd.s32 $0xFFFFFD00  }
.LBB2_2:
0x19: {  	s2 =	sor.u32 s9, s2  }
0x1a: {  	s7 =	simm.s32 $0x0;
	s3 =	sadd.s32 s6, s2  }
0x1b: {  	[tilespmem:s7], [sflag:$0x2] =	stream.linear.gather [hbm4b:s3+s7], $0x20, $0x38;
	[tilespmem:$0x12680] =	vst v63  }
0x1c: {  	_ =	swait.ge [sflag:s14], $0x20  }
0x1d: {  	[sflag:s14] =	ssyncset.done $0x0  }
0x1e: {  	[sflag:s14] =	ssyncadd.s32 $0xFFFFFFE0  }
0x1f: {  	v9 =	vld [tilespmem:$0x0];
	_ =	sdelay $0x4  }
0x20: {  	v10 =	vshrl.u32 v9, $0x2  }
0x21: {  	v10 =	vmul.u32 $0x18, v10  }
0x22: {  	v9 =	vand.u32 $0x3, v9  }
0x23: {  	v9 =	vor.u32 v9, v10  }
0x24: {  	v10 =	vperm.xlane v9, v0;
	_ =	sdelay $0x1  }
0x25: {  	v10 =	vadd.s32 v1, v10;
	_ =	sdelay $0x3  }
0x26: {  	v9 =	vperm.xlane v9, v2  }
0x27: {  	[tilespmem:s16], [sflag:$0x1] =	stream.indirect_vreg.gather [hbm4b:s1+s7], $0x80, v10, vm0, $0xb8;
	[tilespmem:$0x12680] =	vst v63  }
0x28: {  	v9 =	vadd.s32 v1, v9  }
0x29: {  	[tilespmem:s17], [sflag:$0x1] =	stream.indirect_vreg.gather [hbm4b:s10+s7], $0x80, v10, vm0, $0xb8;
	[tilespmem:$0x12680] =	vst v63  }
0x2a: {  	_ = 	snop  }
0x2b: {  	[tilespmem:s18], [sflag:$0x1] =	stream.indirect_vreg.gather [hbm4b:s11+s7], $0x80, v10, vm0, $0xb8;
	[tilespmem:$0x12680] =	vst v63  }
0x2c: {  	_ = 	snop  }
0x2d: {  	[tilespmem:s19], [sflag:$0x1] =	stream.indirect_vreg.gather [hbm4b:s1+s7], $0x80, v9, vm0, $0xb8;
	[tilespmem:$0x12680] =	vst v63  }
0x2e: {  	_ = 	snop  }
0x2f: {  	[tilespmem:s20], [sflag:$0x1] =	stream.indirect_vreg.gather [hbm4b:s10+s7], $0x80, v9, vm0, $0xb8;
	[tilespmem:$0x12680] =	vst v63  }
0x30: {  	_ = 	snop  }
0x31: {  	[tilespmem:s21], [sflag:$0x1] =	stream.indirect_vreg.gather [hbm4b:s11+s7], $0x80, v9, vm0, $0xb8;
	[tilespmem:$0x12680] =	vst v63  }
0x32: {  	v9 =	vld [tilespmem:$0x10];
	_ =	sdelay $0x4  }
0x33: {  	v10 =	vshrl.u32 v9, $0x2  }
0x34: {  	v10 =	vmul.u32 $0x18, v10  }
0x35: {  	v9 =	vand.u32 $0x3, v9  }
0x36: {  	v9 =	vor.u32 v9, v10  }
0x37: {  	v10 =	vperm.xlane v9, v0;
	_ =	sdelay $0x1  }
0x38: {  	v10 =	vadd.s32 v1, v10;
	_ =	sdelay $0x3  }
0x39: {  	v9 =	vperm.xlane v9, v2  }
0x3a: {  	[tilespmem:s22], [sflag:$0x1] =	stream.indirect_vreg.gather [hbm4b:s1+s7], $0x80, v10, vm0, $0xb8;
	[tilespmem:$0x12680] =	vst v63  }
0x3b: {  	v9 =	vadd.s32 v1, v9  }
0x3c: {  	[tilespmem:s23], [sflag:$0x1] =	stream.indirect_vreg.gather [hbm4b:s10+s7], $0x80, v10, vm0, $0xb8;
	[tilespmem:$0x12680] =	vst v63  }
0x3d: {  	_ = 	snop  }
0x3e: {  	[tilespmem:s24], [sflag:$0x1] =	stream.indirect_vreg.gather [hbm4b:s11+s7], $0x80, v10, vm0, $0xb8;
	[tilespmem:$0x12680] =	vst v63  }
0x3f: {  	_ = 	snop  }
0x40: {  	[tilespmem:s25], [sflag:$0x1] =	stream.indirect_vreg.gather [hbm4b:s1+s7], $0x80, v9, vm0, $0xb8;
	[tilespmem:$0x12680] =	vst v63  }
0x41: {  	_ = 	snop  }
0x42: {  	[tilespmem:s26], [sflag:$0x1] =	stream.indirect_vreg.gather [hbm4b:s10+s7], $0x80, v9, vm0, $0xb8;
	[tilespmem:$0x12680] =	vst v63  }
0x43: {  	_ = 	snop  }
0x44: {  	[tilespmem:s28], [sflag:$0x1] =	stream.indirect_vreg.gather [hbm4b:s11+s7], $0x80, v9, vm0, $0xb8;
	[tilespmem:$0x12680] =	vst v63  }
0x45: {  	s2 =	smul.u32 $0x300, s2;
	_ =	swait.ge [sflag:s29], $0x6000  }
0x46: {  	[sflag:s29] =	ssyncset.done $0x0  }
0x47: {  	s15 =	sadd.s32 s5, s2;
	[sflag:s29] =	ssyncadd.s32 $0xFFFFA000  }
0x48: {  	[tilespmem:s30], [sflag:$0x2] =	stream.linear.gather [hbm4b:s15+s7], $0x6000, $0x38;
	[tilespmem:$0x12680] =	vst v63  }
0x49: {  	_ =	swait.ge [sflag:s14], $0x6000  }
0x4a: {  	[sflag:s14] =	ssyncset.done $0x0  }
0x4b: {  	p0 =	por p1, p1;
	s3 =	simm.s32 $0x0;
	[sflag:s14] =	ssyncadd.s32 $0xFFFFA000  }
.LBB2_3:
0x4c: {  	s13 =	sshrl.u32 s3, $0x3  }
0x4d: {  	s13 =	smul.u32 $0x1800, s13  }
0x4e: {  	s15 =	sand.u32 $0x380, s7  }
0x4f: {  	s13 =	sor.u32 s15, s13  }
0x50: {  	v9 =	vld [tilespmem:s13+$0x80]  }
0x51: {  	v10 =	vld [tilespmem:s13+$0x6080]  }
0x52: {  	v11 =	vld [tilespmem:s13+$0x90]  }
0x53: {  	v12 =	vld [tilespmem:s13+$0x6090]  }
0x54: {  	v13 =	vld [tilespmem:s13+$0xA0]  }
0x55: {  	v14 =	vld [tilespmem:s13+$0x60A0]  }
0x56: {  	v15 =	vld [tilespmem:s13+$0xB0]  }
0x57: {  	v10 =	vadd.f32 v10, v9;
	v9 =	vld [tilespmem:s13+$0x60B0]  }
0x58: {  	v16 =	vld [tilespmem:s13+$0xC0];
	v11 =	vadd.f32 v12, v11  }
0x59: {  	v18 =	vld [tilespmem:s13+$0x60C0];
	v17 =	vadd.f32 $0.0e+00, v10  }
0x5a: {  	v21 =	vld [tilespmem:s13+$0xD0];
	v12 =	vadd.f32 v14, v13;
	v19 =	vmul.f32 v10, v10;
	v20 =	vmul.f32 v11, v11  }
0x5b: {  	v26 =	vld [tilespmem:s13+$0x60D0];
	v25 =	vadd.f32 v11, v17  }
0x5c: {  	v22 =	vld [tilespmem:s13+$0x60E0];
	v27 =	vmul.f32 v12, v12;
	v19 =	vadd.f32 v20, v19;
	v13 =	vadd.f32 v9, v15  }
0x5d: {  	v9 =	vld [tilespmem:s13+$0xE0];
	v28 =	vadd.f32 v12, v25  }
0x5e: {  	v30 =	vld [tilespmem:s13+$0xF0];
	v14 =	vadd.f32 v18, v16;
	v19 =	vadd.f32 v27, v19;
	v29 =	vmul.f32 v13, v13  }
0x5f: {  	v23 =	vld [tilespmem:s13+$0x60F0];
	v31 =	vadd.f32 v13, v28  }
0x60: {  	v33 =	vld [tilespmem:s13+$0x480];
	v32 =	vmul.f32 v14, v14;
	v15 =	vadd.f32 v26, v21;
	v19 =	vadd.f32 v29, v19  }
0x61: {  	v24 =	vld [tilespmem:s13+$0x6480];
	v34 =	vadd.f32 v14, v31  }
0x62: {  	v25 =	vld [tilespmem:s13+$0x6490];
	v35 =	vmul.f32 v15, v15;
	v16 =	vadd.f32 v22, v9;
	v19 =	vadd.f32 v32, v19  }
0x63: {  	v9 =	vld [tilespmem:s13+$0x490];
	v36 =	vadd.f32 v15, v34  }
0x64: {  	v38 =	vld [tilespmem:s13+$0x4A0];
	v17 =	vadd.f32 v23, v30;
	v37 =	vmul.f32 v16, v16;
	v19 =	vadd.f32 v35, v19  }
0x65: {  	v26 =	vld [tilespmem:s13+$0x64A0];
	v22 =	vadd.f32 v16, v36  }
0x66: {  	v40 =	vld [tilespmem:s13+$0x4B0];
	v18 =	vadd.f32 v24, v33;
	v39 =	vmul.f32 v17, v17;
	v19 =	vadd.f32 v37, v19  }
0x67: {  	v41 =	vld [tilespmem:s13+$0x64B0];
	v22 =	vadd.f32 v17, v22  }
0x68: {  	v42 =	vld [tilespmem:s13+$0x64C0];
	v27 =	vmul.f32 v18, v18;
	v20 =	vadd.f32 v39, v19;
	v19 =	vadd.f32 v25, v9  }
0x69: {  	v9 =	vld [tilespmem:s13+$0x4C0];
	v22 =	vadd.f32 v18, v22  }
0x6a: {  	v43 =	vld [tilespmem:s13+$0x4D0];
	v27 =	vadd.f32 v27, v20;
	v28 =	vmul.f32 v19, v19;
	v20 =	vadd.f32 v26, v38  }
0x6b: {  	v44 =	vld [tilespmem:s13+$0x64D0];
	v22 =	vadd.f32 v19, v22  }
0x6c: {  	v46 =	vld [tilespmem:s13+$0x4E0];
	v21 =	vadd.f32 v41, v40;
	v27 =	vadd.f32 v28, v27;
	v45 =	vmul.f32 v20, v20  }
0x6d: {  	v30 =	vld [tilespmem:s13+$0x64E0];
	v29 =	vadd.f32 v20, v22  }
0x6e: {  	v49 =	vld [tilespmem:s13+$0x64F0];
	v47 =	vmul.f32 v21, v21;
	v22 =	vadd.f32 v42, v9;
	v27 =	vadd.f32 v45, v27  }
0x6f: {  	v9 =	vld [tilespmem:s13+$0x4F0];
	v48 =	vadd.f32 v21, v29  }
0x70: {  	v51 =	vld [tilespmem:s13+$0x880];
	v23 =	vadd.f32 v44, v43;
	v50 =	vmul.f32 v22, v22;
	v27 =	vadd.f32 v47, v27  }
0x71: {  	v31 =	vld [tilespmem:s13+$0x6880];
	v25 =	vadd.f32 v22, v48  }
0x72: {  	v53 =	vld [tilespmem:s13+$0x890];
	v52 =	vmul.f32 v23, v23;
	v24 =	vadd.f32 v30, v46;
	v27 =	vadd.f32 v50, v27  }
0x73: {  	v33 =	vld [tilespmem:s13+$0x6890];
	v32 =	vadd.f32 v23, v25  }
0x74: {  	v56 =	vld [tilespmem:s13+$0x68A0];
	v54 =	vmul.f32 v24, v24;
	v25 =	vadd.f32 v49, v9;
	v27 =	vadd.f32 v52, v27  }
0x75: {  	v9 =	vld [tilespmem:s13+$0x8A0];
	v55 =	vadd.f32 v24, v32  }
0x76: {  	v58 =	vld [tilespmem:s13+$0x8B0];
	v26 =	vadd.f32 v31, v51;
	v57 =	vmul.f32 v25, v25;
	v27 =	vadd.f32 v54, v27  }
0x77: {  	v34 =	vld [tilespmem:s13+$0x68B0];
	v29 =	vadd.f32 v25, v55  }
0x78: {  	v59 =	vld [tilespmem:s13+$0x8C0];
	v35 =	vmul.f32 v26, v26;
	v28 =	vadd.f32 v57, v27;
	v27 =	vadd.f32 v33, v53  }
0x79: {  	v60 =	vld [tilespmem:s13+$0x68C0];
	v29 =	vadd.f32 v26, v29  }
0x7a: {  	v37 =	vld [tilespmem:s13+$0x68D0];
	v35 =	vadd.f32 v35, v28;
	v36 =	vmul.f32 v27, v27;
	v28 =	vadd.f32 v56, v9  }
0x7b: {  	v9 =	vld [tilespmem:s13+$0x8D0];
	v61 =	vadd.f32 v27, v29  }
0x7c: {  	v63 =	vld [tilespmem:s13+$0x8E0];
	v29 =	vadd.f32 v34, v58;
	v35 =	vadd.f32 v36, v35;
	v62 =	vmul.f32 v28, v28  }
0x7d: {  	v42 =	vld [tilespmem:s13+$0x68E0];
	v41 =	vadd.f32 v28, v61  }
0x7e: {  	v44 =	vld [tilespmem:s13+$0x8F0];
	v30 =	vadd.f32 v60, v59;
	v43 =	vmul.f32 v29, v29;
	v35 =	vadd.f32 v62, v35  }
0x7f: {  	v39 =	vld [tilespmem:s13+$0x68F0];
	v38 =	vadd.f32 v29, v41  }
0x80: {  	v45 =	vmul.f32 v30, v30;
	v47 =	vld [tilespmem:s13+$0x6C80];
	v31 =	vadd.f32 v37, v9;
	v35 =	vadd.f32 v43, v35  }
0x81: {  	v9 =	vld [tilespmem:s13+$0xC80];
	v46 =	vadd.f32 v30, v38  }
0x82: {  	v40 =	vld [tilespmem:s13+$0xC90];
	v32 =	vadd.f32 v42, v63;
	v48 =	vmul.f32 v31, v31;
	v35 =	vadd.f32 v45, v35  }
0x83: {  	v50 =	vld [tilespmem:s13+$0x6C90];
	v49 =	vadd.f32 v31, v46  }
0x84: {  	v52 =	vld [tilespmem:s13+$0xCA0];
	v51 =	vmul.f32 v32, v32;
	v33 =	vadd.f32 v39, v44;
	v35 =	vadd.f32 v48, v35  }
0x85: {  	v42 =	vld [tilespmem:s13+$0x6CA0];
	v41 =	vadd.f32 v32, v49  }
0x86: {  	v55 =	vld [tilespmem:s13+$0x6CB0];
	v53 =	vmul.f32 v33, v33;
	v34 =	vadd.f32 v47, v9;
	v35 =	vadd.f32 v51, v35  }
0x87: {  	v9 =	vld [tilespmem:s13+$0xCB0];
	v54 =	vadd.f32 v33, v41  }
0x88: {  	v56 =	vld [tilespmem:s13+$0xCC0];
	v43 =	vmul.f32 v34, v34;
	v36 =	vadd.f32 v53, v35;
	v35 =	vadd.f32 v50, v40  }
0x89: {  	v58 =	vld [tilespmem:s13+$0x6CC0];
	v57 =	vadd.f32 v34, v54  }
0x8a: {  	v59 =	vld [tilespmem:s13+$0xCD0];
	v43 =	vadd.f32 v43, v36;
	v44 =	vmul.f32 v35, v35;
	v36 =	vadd.f32 v42, v52  }
0x8b: {  	v45 =	vld [tilespmem:s13+$0x6CD0];
	v60 =	vadd.f32 v35, v57  }
0x8c: {  	v63 =	vld [tilespmem:s13+$0x6CE0];
	v37 =	vadd.f32 v55, v9;
	v43 =	vadd.f32 v44, v43;
	v61 =	vmul.f32 v36, v36  }
0x8d: {  	v9 =	vld [tilespmem:s13+$0xCE0];
	v62 =	vadd.f32 v36, v60  }
0x8e: {  	v38 =	vadd.f32 v58, v56;
	v46 =	vld [tilespmem:s13+$0xCF0];
	v50 =	vmul.f32 v37, v37;
	v43 =	vadd.f32 v61, v43  }
0x8f: {  	v52 =	vld [tilespmem:s13+$0x6CF0];
	v51 =	vadd.f32 v37, v62  }
0x90: {  	v48 =	vld [tilespmem:s13+$0x7080];
	v39 =	vadd.f32 v45, v59;
	v53 =	vmul.f32 v38, v38;
	v43 =	vadd.f32 v50, v43  }
0x91: {  	v54 =	vld [tilespmem:s13+$0x1080];
	v47 =	vadd.f32 v38, v51  }
0x92: {  	v55 =	vmul.f32 v39, v39;
	v57 =	vld [tilespmem:s13+$0x7090];
	v40 =	vadd.f32 v63, v9;
	v43 =	vadd.f32 v53, v43  }
0x93: {  	v9 =	vld [tilespmem:s13+$0x1090];
	v56 =	vadd.f32 v39, v47  }
0x94: {  	v59 =	vld [tilespmem:s13+$0x10A0];
	v41 =	vadd.f32 v52, v46;
	v58 =	vmul.f32 v40, v40;
	v43 =	vadd.f32 v55, v43  }
0x95: {  	v50 =	vld [tilespmem:s13+$0x70A0];
	v49 =	vadd.f32 v40, v56  }
0x96: {  	v42 =	vadd.f32 v48, v54;
	v61 =	vld [tilespmem:s13+$0x70B0];
	v55 =	vmul.f32 v41, v41;
	v43 =	vadd.f32 v58, v43  }
0x97: {  	v56 =	vld [tilespmem:s13+$0x10B0];
	v60 =	vadd.f32 v41, v49  }
0x98: {  	v63 =	vld [tilespmem:s13+$0x70C0];
	v51 =	vmul.f32 v42, v42;
	v44 =	vadd.f32 v55, v43;
	v43 =	vadd.f32 v57, v9  }
0x99: {  	v9 =	vld [tilespmem:s13+$0x10C0];
	v62 =	vadd.f32 v42, v60  }
0x9a: {  	v57 =	vld [tilespmem:s13+$0x10D0];
	v51 =	vadd.f32 v51, v44;
	v52 =	vmul.f32 v43, v43;
	v44 =	vadd.f32 v50, v59  }
0x9b: {  	v59 =	vld [tilespmem:s13+$0x70D0];
	v58 =	vadd.f32 v43, v62  }
0x9c: {  	v54 =	vld [tilespmem:s13+$0x70E0];
	v45 =	vadd.f32 v61, v56;
	v51 =	vadd.f32 v52, v51;
	v60 =	vmul.f32 v44, v44  }
0x9d: {  	v49 =	vld [tilespmem:s13+$0x10E0];
	v53 =	vadd.f32 v44, v58  }
0x9e: {  	v61 =	vmul.f32 v45, v45;
	v46 =	vadd.f32 v63, v9;
	v9 =	vld [tilespmem:s13+$0x10F0];
	v51 =	vadd.f32 v60, v51  }
0x9f: {  	v62 =	vadd.f32 v45, v53;
	v53 =	vld [tilespmem:s13+$0x70F0]  }
0xa0: {  	v50 =	vld [tilespmem:s13+$0x1480];
	v63 =	vmul.f32 v46, v46;
	v47 =	vadd.f32 v59, v57;
	v51 =	vadd.f32 v61, v51  }
0xa1: {  	v56 =	vld [tilespmem:s13+$0x7480];
	v55 =	vadd.f32 v46, v62  }
0xa2: {  	v48 =	vadd.f32 v54, v49;
	v57 =	vld [tilespmem:s13+$0x7490];
	v60 =	vmul.f32 v47, v47;
	v51 =	vadd.f32 v63, v51  }
0xa3: {  	v61 =	vld [tilespmem:s13+$0x1490];
	v55 =	vadd.f32 v47, v55  }
0xa4: {  	v62 =	vmul.f32 v48, v48;
	v51 =	vadd.f32 v60, v51;
	v49 =	vadd.f32 v53, v9;
	v9 =	vld [tilespmem:s13+$0x14A0]  }
0xa5: {  	v63 =	vadd.f32 v48, v55;
	v55 =	vld [tilespmem:s13+$0x74A0]  }
0xa6: {  	v58 =	vld [tilespmem:s13+$0x74B0];
	v50 =	vadd.f32 v56, v50;
	v51 =	vadd.f32 v62, v51;
	v60 =	vmul.f32 v49, v49  }
0xa7: {  	v56 =	vld [tilespmem:s13+$0x14B0];
	v53 =	vadd.f32 v49, v63  }
0xa8: {  	v54 =	vld [tilespmem:s13+$0x14C0];
	v59 =	vmul.f32 v50, v50;
	v52 =	vadd.f32 v60, v51;
	v51 =	vadd.f32 v57, v61  }
0xa9: {  	v57 =	vld [tilespmem:s13+$0x74C0];
	v53 =	vadd.f32 v50, v53  }
0xaa: {  	v61 =	vld [tilespmem:s13+$0x74D0];
	v59 =	vadd.f32 v59, v52;
	v60 =	vmul.f32 v51, v51;
	v52 =	vadd.f32 v55, v9  }
0xab: {  	v9 =	vld [tilespmem:s13+$0x14D0];
	v55 =	vadd.f32 v51, v53  }
0xac: {  	v53 =	vadd.f32 v58, v56;
	v59 =	vadd.f32 v60, v59;
	v60 =	vmul.f32 v52, v52  }
0xad: {  	v56 =	vld [tilespmem:s13+$0x14E0];
	v55 =	vadd.f32 v52, v55  }
0xae: {  	v54 =	vadd.f32 v57, v54;
	v57 =	vld [tilespmem:s13+$0x74E0];
	v58 =	vadd.f32 v60, v59;
	v59 =	vmul.f32 v53, v53  }
0xaf: {  	v62 =	vld [tilespmem:s13+$0x14F0];
	v60 =	vadd.f32 v53, v55  }
0xb0: {  	v55 =	vadd.f32 v61, v9;
	v9 =	vld [tilespmem:s13+$0x74F0];
	v58 =	vadd.f32 v59, v58;
	v59 =	vmul.f32 v54, v54  }
0xb1: {  	v60 =	vadd.f32 v54, v60  }
0xb2: {  	v61 =	vmul.f32 v55, v55;
	v58 =	vadd.f32 v59, v58  }
0xb3: {  	v56 =	vadd.f32 v57, v56;
	v63 =	vadd.f32 v55, v60  }
0xb4: {  	v58 =	vadd.f32 v61, v58  }
0xb5: {  	v60 =	vmul.f32 v56, v56;
	v57 =	vadd.f32 v9, v62;
	v59 =	vadd.f32 v56, v63;
	_ =	sdelay $0x1  }
0xb6: {  	v9 =	vadd.f32 v60, v58;
	v61 =	vmul.f32 v57, v57;
	v60 =	vadd.f32 v57, v59;
	_ =	sdelay $0x1  }
0xb7: {  	v9 =	vadd.f32 v61, v9;
	v62 =	vperm.xlane v60, v3;
	_ =	sdelay $0x1  }
0xb8: {  	v63 =	vperm.xlane v9, v3;
	v58 =	vadd.f32 v62, v60;
	_ =	sdelay $0x1  }
0xb9: {  	v9 =	vadd.f32 v63, v9;
	v60 =	vperm.xlane v58, v4;
	_ =	sdelay $0x1  }
0xba: {  	v61 =	vperm.xlane v9, v4;
	v58 =	vadd.f32 v60, v58;
	_ =	sdelay $0x1  }
0xbb: {  	v9 =	vadd.f32 v61, v9;
	v62 =	vperm.xlane v58, v5;
	_ =	sdelay $0x1  }
0xbc: {  	v63 =	vperm.xlane v9, v5;
	v58 =	vadd.f32 v62, v58;
	_ =	sdelay $0x1  }
0xbd: {  	v9 =	vadd.f32 v63, v9;
	v60 =	vperm.xlane v58, v6;
	_ =	sdelay $0x1  }
0xbe: {  	v61 =	vperm.xlane v9, v6;
	v58 =	vadd.f32 v60, v58;
	_ =	sdelay $0x1  }
0xbf: {  	v59 =	vadd.f32 v61, v9;
	v9 =	vmul.f32 $1.302083370e-03, v58;
	_ =	sdelay $0x1  }
0xc0: {  	v62 =	vmul.f32 $1.302083370e-03, v59;
	v63 =	vmul.f32 v9, v9;
	_ =	sdelay $0x1  }
0xc1: {  	v58 =	vsub.f32 v62, v63;
	_ =	sdelay $0x1  }
0xc2: {  	v58 =	vmax.f32 v58, $0.0e+00  }
0xc3: {  	v58 =	vadd.f32 $9.999999960e-13, v58;
	_ =	sdelay $0x1  }
0xc4: {  	vm1 =	vlt.f32 v58, $2.168404340e-19  }
0xc5: {  	vm2 =	vge.f32 v58, $1.844674410e+19;
	v60 =	vsel vm1, $0x4F800000, v7  }
0xc6: {  	v59 =	vsel vm2, $0x2F800000, v60  }
0xc7: {  	v60 =	vmul.f32 v59, v58;
	_ =	sdelay $0x1  }
0xc8: {  	v60 =	vmul.f32 v60, v59;
	_ =	sdelay $0x1  }
0xc9: {  	vm1 =	vlt.f32 v60, $9.313225740e-10  }
0xca: {  	vm2 =	vge.f32 v60, $4.294967300e+09;
	v60 =	vsel vm1, $0x47800000, v7  }
0xcb: {  	v60 =	vsel vm2, $0x37800000, v60  }
0xcc: {  	v59 =	vmul.f32 v60, v59;
	_ =	sdelay $0x1  }
0xcd: {  	v60 =	vmul.f32 v59, v58;
	_ =	sdelay $0x1  }
0xce: {  	v60 =	vmul.f32 v60, v59;
	_ =	sdelay $0x1  }
0xcf: {  	vm1 =	vlt.f32 v60, $6.103515630e-05  }
0xd0: {  	vm2 =	vge.f32 v60, $6.553600000e+04;
	v60 =	vsel vm1, $0x43800000, v7  }
0xd1: {  	v60 =	vsel vm2, $0x3B800000, v60  }
0xd2: {  	v59 =	vmul.f32 v60, v59;
	_ =	sdelay $0x1  }
0xd3: {  	v60 =	vmul.f32 v59, v58;
	_ =	sdelay $0x1  }
0xd4: {  	v60 =	vmul.f32 v60, v59;
	_ =	sdelay $0x1  }
0xd5: {  	vm1 =	vlt.f32 v60, $1.562500000e-02  }
0xd6: {  	vm2 =	vge.f32 v60, $2.560000000e+02;
	v60 =	vsel vm1, $0x41800000, v7  }
0xd7: {  	v60 =	vsel vm2, $0x3D800000, v60  }
0xd8: {  	v59 =	vmul.f32 v60, v59;
	_ =	sdelay $0x1  }
0xd9: {  	v60 =	vmul.f32 v59, v58;
	_ =	sdelay $0x1  }
0xda: {  	v60 =	vmul.f32 v60, v59;
	_ =	sdelay $0x1  }
0xdb: {  	vm1 =	vlt.f32 v60, $2.500000000e-01  }
0xdc: {  	vm2 =	vge.f32 v60, $1.600000000e+01;
	v60 =	vsel vm1, $0x40800000, v7  }
0xdd: {  	v60 =	vsel vm2, $0x3E800000, v60  }
0xde: {  	v59 =	vmul.f32 v60, v59;
	_ =	sdelay $0x1  }
0xdf: {  	v60 =	vmul.f32 v59, v58;
	_ =	sdelay $0x1  }
0xe0: {  	v60 =	vmul.f32 v60, v59;
	_ =	sdelay $0x1  }
0xe1: {  	vm1 =	vlt.f32 v60, $1.000000000e+00  }
0xe2: {  	vm2 =	vge.f32 v60, $4.000000000e+00;
	v60 =	vsel vm1, $0x40000000, v7  }
0xe3: {  	[tilespmem:s13+$0xC080] =	vst v10;
	v10 =	vsel vm2, $0x3F000000, v60  }
0xe4: {  	[tilespmem:s13+$0xC090] =	vst v11;
	v10 =	vmul.f32 v10, v59  }
0xe5: {  	[tilespmem:s13+$0xC0A0] =	vst v12  }
0xe6: {  	[tilespmem:s13+$0xC0B0] =	vst v13;
	v11 =	vmul.f32 v10, v58  }
0xe7: {  	[tilespmem:s13+$0xC0C0] =	vst v14  }
0xe8: {  	[tilespmem:s13+$0xC0D0] =	vst v15;
	v11 =	vmul.f32 v11, v10  }
0xe9: {  	[tilespmem:s13+$0xC0E0] =	vst v16  }
0xea: {  	[tilespmem:s13+$0xC0F0] =	vst v17;
	vm1 =	vlt.f32 v11, $2.000000000e+00;
	v11 =	vmul.f32 $-5.000000000e-01, v11  }
0xeb: {  	[tilespmem:s13+$0xC480] =	vst v18;
	v61 =	vsel vm1, $0x3F59999A, v8  }
0xec: {  	[tilespmem:s13+$0xC490] =	vst v19;
	v62 =	vmul.f32 v61, v11  }
0xed: {  	[tilespmem:s13+$0xC4A0] =	vst v20  }
0xee: {  	[tilespmem:s13+$0xC4B0] =	vst v21;
	v13 =	vmul.f32 v62, v61  }
0xef: {  	[tilespmem:s13+$0xC4C0] =	vst v22  }
0xf0: {  	[tilespmem:s13+$0xC4D0] =	vst v23;
	v13 =	vadd.f32 $1.500000000e+00, v13  }
0xf1: {  	[tilespmem:s13+$0xC4E0] =	vst v24  }
0xf2: {  	[tilespmem:s13+$0xC4F0] =	vst v25;
	v12 =	vmul.f32 v13, v61  }
0xf3: {  	[tilespmem:s13+$0xC880] =	vst v26  }
0xf4: {  	[tilespmem:s13+$0xC890] =	vst v27;
	v13 =	vmul.f32 v12, v11  }
0xf5: {  	[tilespmem:s13+$0xC8C0] =	vst v30  }
0xf6: {  	[tilespmem:s13+$0xC8E0] =	vst v32;
	v13 =	vmul.f32 v13, v12  }
0xf7: {  	[tilespmem:s13+$0xC8F0] =	vst v33  }
0xf8: {  	[tilespmem:s13+$0xC8A0] =	vst v28;
	v13 =	vadd.f32 $1.500000000e+00, v13  }
0xf9: {  	[tilespmem:s13+$0xC8B0] =	vst v29  }
0xfa: {  	[tilespmem:s13+$0xC8D0] =	vst v31;
	v12 =	vmul.f32 v13, v12  }
0xfb: {  	[tilespmem:s13+$0xCCC0] =	vst v38  }
0xfc: {  	[tilespmem:s13+$0xCC80] =	vst v34;
	v13 =	vmul.f32 v12, v11  }
0xfd: {  	[tilespmem:s13+$0xCCD0] =	vst v39  }
0xfe: {  	[tilespmem:s13+$0xCC90] =	vst v35;
	v13 =	vmul.f32 v13, v12  }
0xff: {  	[tilespmem:s13+$0xCCB0] =	vst v37  }
0x100: {  	[tilespmem:s13+$0xCCA0] =	vst v36;
	v13 =	vadd.f32 $1.500000000e+00, v13  }
0x101: {  	[tilespmem:s13+$0xCCE0] =	vst v40  }
0x102: {  	[tilespmem:s13+$0xD080] =	vst v42;
	v12 =	vmul.f32 v13, v12  }
0x103: {  	[tilespmem:s13+$0xCCF0] =	vst v41  }
0x104: {  	[tilespmem:s13+$0xD090] =	vst v43;
	v13 =	vmul.f32 v12, v11  }
0x105: {  	[tilespmem:s13+$0xD0A0] =	vst v44  }
0x106: {  	[tilespmem:s13+$0xD0B0] =	vst v45;
	v13 =	vmul.f32 v13, v12  }
0x107: {  	[tilespmem:s13+$0xD0E0] =	vst v48  }
0x108: {  	[tilespmem:s13+$0xD0C0] =	vst v46;
	v13 =	vadd.f32 $1.500000000e+00, v13  }
0x109: {  	[tilespmem:s13+$0xD0D0] =	vst v47  }
0x10a: {  	[tilespmem:s13+$0xD480] =	vst v50;
	v12 =	vmul.f32 v13, v12  }
0x10b: {  	[tilespmem:s13+$0xD0F0] =	vst v49  }
0x10c: {  	[tilespmem:s13+$0xD490] =	vst v51;
	v11 =	vmul.f32 v12, v11  }
0x10d: {  	[tilespmem:s13+$0xD4A0] =	vst v52  }
0x10e: {  	[tilespmem:s13+$0xD4B0] =	vst v53;
	v11 =	vmul.f32 v11, v12  }
0x10f: {  	[tilespmem:s13+$0xD4C0] =	vst v54;
	v63 =	vld [tilespmem:s13+$0xC080]  }
0x110: {  	[tilespmem:s13+$0xD4D0] =	vst v55;
	v11 =	vadd.f32 $1.500000000e+00, v11  }
0x111: {  	[tilespmem:s13+$0xD4E0] =	vst v56  }
0x112: {  	[tilespmem:s13+$0xD4F0] =	vst v57;
	v11 =	vmul.f32 v11, v12  }
0x113: {  	v16 =	vld [tilespmem:$0x12080]  }
0x114: {  	v10 =	vmul.f32 v11, v10;
	v11 =	vsub.f32 v63, v9  }
0x115: {  	v17 =	vld [tilespmem:$0x12380]  }
0x116: {  	v11 =	vmul.f32 v10, v11;
	_ =	sdelay $0x1  }
0x117: {  	v11 =	vmul.f32 v11, v16  }
0x118: {  	v18 =	vld [tilespmem:s13+$0xC090]  }
0x119: {  	v11 =	vadd.f32 v11, v17;
	_ =	sdelay $0x1  }
0x11a: {  	[tilespmem:s13+$0xC080] =	vst v11  }
0x11b: {  	v11 =	vld [tilespmem:$0x12090]  }
0x11c: {  	v12 =	vsub.f32 v18, v9  }
0x11d: {  	v19 =	vld [tilespmem:$0x12390]  }
0x11e: {  	v12 =	vmul.f32 v10, v12;
	_ =	sdelay $0x1  }
0x11f: {  	v11 =	vmul.f32 v12, v11  }
0x120: {  	v20 =	vld [tilespmem:s13+$0xC0A0]  }
0x121: {  	v11 =	vadd.f32 v11, v19;
	_ =	sdelay $0x1  }
0x122: {  	[tilespmem:s13+$0xC090] =	vst v11  }
0x123: {  	v11 =	vld [tilespmem:$0x120A0]  }
0x124: {  	v12 =	vsub.f32 v20, v9  }
0x125: {  	v21 =	vld [tilespmem:$0x123A0]  }
0x126: {  	v12 =	vmul.f32 v10, v12;
	_ =	sdelay $0x1  }
0x127: {  	v11 =	vmul.f32 v12, v11  }
0x128: {  	v22 =	vld [tilespmem:s13+$0xC0B0]  }
0x129: {  	v11 =	vadd.f32 v11, v21;
	_ =	sdelay $0x1  }
0x12a: {  	[tilespmem:s13+$0xC0A0] =	vst v11  }
0x12b: {  	v11 =	vld [tilespmem:$0x120B0]  }
0x12c: {  	v12 =	vsub.f32 v22, v9  }
0x12d: {  	v23 =	vld [tilespmem:$0x123B0]  }
0x12e: {  	v12 =	vmul.f32 v10, v12;
	_ =	sdelay $0x1  }
0x12f: {  	v11 =	vmul.f32 v12, v11  }
0x130: {  	v24 =	vld [tilespmem:s13+$0xC0C0]  }
0x131: {  	v11 =	vadd.f32 v11, v23;
	_ =	sdelay $0x1  }
0x132: {  	[tilespmem:s13+$0xC0B0] =	vst v11  }
0x133: {  	v11 =	vld [tilespmem:$0x120C0]  }
0x134: {  	v12 =	vsub.f32 v24, v9  }
0x135: {  	v25 =	vld [tilespmem:$0x123C0]  }
0x136: {  	v12 =	vmul.f32 v10, v12;
	_ =	sdelay $0x1  }
0x137: {  	v11 =	vmul.f32 v12, v11  }
0x138: {  	v26 =	vld [tilespmem:s13+$0xC0D0]  }
0x139: {  	v11 =	vadd.f32 v11, v25;
	_ =	sdelay $0x1  }
0x13a: {  	[tilespmem:s13+$0xC0C0] =	vst v11  }
0x13b: {  	v11 =	vld [tilespmem:$0x120D0]  }
0x13c: {  	v12 =	vsub.f32 v26, v9  }
0x13d: {  	v27 =	vld [tilespmem:$0x123D0]  }
0x13e: {  	v12 =	vmul.f32 v10, v12;
	_ =	sdelay $0x1  }
0x13f: {  	v11 =	vmul.f32 v12, v11  }
0x140: {  	v28 =	vld [tilespmem:s13+$0xC0E0]  }
0x141: {  	v11 =	vadd.f32 v11, v27;
	_ =	sdelay $0x1  }
0x142: {  	[tilespmem:s13+$0xC0D0] =	vst v11  }
0x143: {  	v11 =	vld [tilespmem:$0x120E0]  }
0x144: {  	v12 =	vsub.f32 v28, v9  }
0x145: {  	v29 =	vld [tilespmem:$0x123E0]  }
0x146: {  	v12 =	vmul.f32 v10, v12;
	_ =	sdelay $0x1  }
0x147: {  	v11 =	vmul.f32 v12, v11  }
0x148: {  	v30 =	vld [tilespmem:s13+$0xC0F0]  }
0x149: {  	v11 =	vadd.f32 v11, v29;
	_ =	sdelay $0x1  }
0x14a: {  	[tilespmem:s13+$0xC0E0] =	vst v11  }
0x14b: {  	v11 =	vld [tilespmem:$0x120F0]  }
0x14c: {  	v12 =	vsub.f32 v30, v9  }
0x14d: {  	v31 =	vld [tilespmem:$0x123F0]  }
0x14e: {  	v12 =	vmul.f32 v10, v12;
	_ =	sdelay $0x1  }
0x14f: {  	v11 =	vmul.f32 v12, v11  }
0x150: {  	v32 =	vld [tilespmem:s13+$0xC480]  }
0x151: {  	v11 =	vadd.f32 v11, v31;
	_ =	sdelay $0x1  }
0x152: {  	[tilespmem:s13+$0xC0F0] =	vst v11  }
0x153: {  	v11 =	vld [tilespmem:$0x12100]  }
0x154: {  	v12 =	vsub.f32 v32, v9  }
0x155: {  	v33 =	vld [tilespmem:$0x12400]  }
0x156: {  	v12 =	vmul.f32 v10, v12;
	_ =	sdelay $0x1  }
0x157: {  	v11 =	vmul.f32 v12, v11  }
0x158: {  	v34 =	vld [tilespmem:s13+$0xC490]  }
0x159: {  	v11 =	vadd.f32 v11, v33;
	_ =	sdelay $0x1  }
0x15a: {  	[tilespmem:s13+$0xC480] =	vst v11  }
0x15b: {  	v11 =	vld [tilespmem:$0x12110]  }
0x15c: {  	v12 =	vsub.f32 v34, v9  }
0x15d: {  	v35 =	vld [tilespmem:$0x12410]  }
0x15e: {  	v12 =	vmul.f32 v10, v12;
	_ =	sdelay $0x1  }
0x15f: {  	v11 =	vmul.f32 v12, v11  }
0x160: {  	v36 =	vld [tilespmem:s13+$0xC4A0]  }
0x161: {  	v11 =	vadd.f32 v11, v35;
	_ =	sdelay $0x1  }
0x162: {  	[tilespmem:s13+$0xC490] =	vst v11  }
0x163: {  	v11 =	vld [tilespmem:$0x12120]  }
0x164: {  	v12 =	vsub.f32 v36, v9  }
0x165: {  	v37 =	vld [tilespmem:$0x12420]  }
0x166: {  	v12 =	vmul.f32 v10, v12;
	_ =	sdelay $0x1  }
0x167: {  	v11 =	vmul.f32 v12, v11  }
0x168: {  	v38 =	vld [tilespmem:s13+$0xC4B0]  }
0x169: {  	v11 =	vadd.f32 v11, v37;
	_ =	sdelay $0x1  }
0x16a: {  	[tilespmem:s13+$0xC4A0] =	vst v11  }
0x16b: {  	v11 =	vld [tilespmem:$0x12130]  }
0x16c: {  	v12 =	vsub.f32 v38, v9  }
0x16d: {  	v39 =	vld [tilespmem:$0x12430]  }
0x16e: {  	v12 =	vmul.f32 v10, v12;
	_ =	sdelay $0x1  }
0x16f: {  	v11 =	vmul.f32 v12, v11  }
0x170: {  	v40 =	vld [tilespmem:s13+$0xC4C0]  }
0x171: {  	v11 =	vadd.f32 v11, v39;
	_ =	sdelay $0x1  }
0x172: {  	[tilespmem:s13+$0xC4B0] =	vst v11  }
0x173: {  	v11 =	vld [tilespmem:$0x12140]  }
0x174: {  	v12 =	vsub.f32 v40, v9  }
0x175: {  	v41 =	vld [tilespmem:$0x12440]  }
0x176: {  	v12 =	vmul.f32 v10, v12;
	_ =	sdelay $0x1  }
0x177: {  	v11 =	vmul.f32 v12, v11  }
0x178: {  	v42 =	vld [tilespmem:s13+$0xC4D0]  }
0x179: {  	v11 =	vadd.f32 v11, v41;
	_ =	sdelay $0x1  }
0x17a: {  	[tilespmem:s13+$0xC4C0] =	vst v11  }
0x17b: {  	v11 =	vld [tilespmem:$0x12150]  }
0x17c: {  	v12 =	vsub.f32 v42, v9  }
0x17d: {  	v43 =	vld [tilespmem:$0x12450]  }
0x17e: {  	v12 =	vmul.f32 v10, v12;
	_ =	sdelay $0x1  }
0x17f: {  	v11 =	vmul.f32 v12, v11  }
0x180: {  	v44 =	vld [tilespmem:s13+$0xC4E0]  }
0x181: {  	v11 =	vadd.f32 v11, v43;
	_ =	sdelay $0x1  }
0x182: {  	[tilespmem:s13+$0xC4D0] =	vst v11  }
0x183: {  	v11 =	vld [tilespmem:$0x12160]  }
0x184: {  	v12 =	vsub.f32 v44, v9  }
0x185: {  	v45 =	vld [tilespmem:$0x12460]  }
0x186: {  	v12 =	vmul.f32 v10, v12;
	_ =	sdelay $0x1  }
0x187: {  	v11 =	vmul.f32 v12, v11  }
0x188: {  	v46 =	vld [tilespmem:s13+$0xC4F0]  }
0x189: {  	v11 =	vadd.f32 v11, v45;
	_ =	sdelay $0x1  }
0x18a: {  	[tilespmem:s13+$0xC4E0] =	vst v11  }
0x18b: {  	v11 =	vld [tilespmem:$0x12170]  }
0x18c: {  	v12 =	vsub.f32 v46, v9  }
0x18d: {  	v47 =	vld [tilespmem:$0x12470]  }
0x18e: {  	v12 =	vmul.f32 v10, v12;
	_ =	sdelay $0x1  }
0x18f: {  	v11 =	vmul.f32 v12, v11  }
0x190: {  	v48 =	vld [tilespmem:s13+$0xC880]  }
0x191: {  	v11 =	vadd.f32 v11, v47;
	_ =	sdelay $0x1  }
0x192: {  	[tilespmem:s13+$0xC4F0] =	vst v11  }
0x193: {  	v11 =	vld [tilespmem:$0x12180]  }
0x194: {  	v12 =	vsub.f32 v48, v9  }
0x195: {  	v49 =	vld [tilespmem:$0x12480]  }
0x196: {  	v12 =	vmul.f32 v12, v10;
	_ =	sdelay $0x1  }
0x197: {  	v11 =	vmul.f32 v12, v11  }
0x198: {  	v50 =	vld [tilespmem:s13+$0xC890]  }
0x199: {  	v11 =	vadd.f32 v11, v49;
	_ =	sdelay $0x1  }
0x19a: {  	[tilespmem:s13+$0xC880] =	vst v11  }
0x19b: {  	v11 =	vld [tilespmem:$0x12190]  }
0x19c: {  	v12 =	vsub.f32 v50, v9  }
0x19d: {  	v51 =	vld [tilespmem:$0x12490]  }
0x19e: {  	v12 =	vmul.f32 v12, v10;
	_ =	sdelay $0x1  }
0x19f: {  	v11 =	vmul.f32 v12, v11  }
0x1a0: {  	v52 =	vld [tilespmem:s13+$0xC8A0]  }
0x1a1: {  	v11 =	vadd.f32 v11, v51;
	_ =	sdelay $0x1  }
0x1a2: {  	[tilespmem:s13+$0xC890] =	vst v11  }
0x1a3: {  	v11 =	vld [tilespmem:$0x121A0]  }
0x1a4: {  	v12 =	vsub.f32 v52, v9  }
0x1a5: {  	v53 =	vld [tilespmem:$0x124A0]  }
0x1a6: {  	v12 =	vmul.f32 v12, v10;
	_ =	sdelay $0x1  }
0x1a7: {  	v11 =	vmul.f32 v12, v11  }
0x1a8: {  	v54 =	vld [tilespmem:s13+$0xC8B0]  }
0x1a9: {  	v11 =	vadd.f32 v11, v53;
	_ =	sdelay $0x1  }
0x1aa: {  	[tilespmem:s13+$0xC8A0] =	vst v11  }
0x1ab: {  	v11 =	vld [tilespmem:$0x121B0]  }
0x1ac: {  	v12 =	vsub.f32 v54, v9  }
0x1ad: {  	v55 =	vld [tilespmem:$0x124B0]  }
0x1ae: {  	v12 =	vmul.f32 v12, v10;
	_ =	sdelay $0x1  }
0x1af: {  	v11 =	vmul.f32 v12, v11  }
0x1b0: {  	v56 =	vld [tilespmem:s13+$0xC8C0]  }
0x1b1: {  	v11 =	vadd.f32 v11, v55;
	_ =	sdelay $0x1  }
0x1b2: {  	[tilespmem:s13+$0xC8B0] =	vst v11  }
0x1b3: {  	v11 =	vld [tilespmem:$0x121C0]  }
0x1b4: {  	v12 =	vsub.f32 v56, v9  }
0x1b5: {  	v57 =	vld [tilespmem:$0x124C0]  }
0x1b6: {  	v12 =	vmul.f32 v12, v10;
	_ =	sdelay $0x1  }
0x1b7: {  	v11 =	vmul.f32 v12, v11  }
0x1b8: {  	v58 =	vld [tilespmem:s13+$0xC8D0]  }
0x1b9: {  	v11 =	vadd.f32 v11, v57;
	_ =	sdelay $0x1  }
0x1ba: {  	[tilespmem:s13+$0xC8C0] =	vst v11  }
0x1bb: {  	v11 =	vld [tilespmem:$0x121D0]  }
0x1bc: {  	v12 =	vsub.f32 v58, v9  }
0x1bd: {  	v59 =	vld [tilespmem:$0x124D0]  }
0x1be: {  	v12 =	vmul.f32 v12, v10;
	_ =	sdelay $0x1  }
0x1bf: {  	v11 =	vmul.f32 v12, v11  }
0x1c0: {  	v60 =	vld [tilespmem:s13+$0xC8E0]  }
0x1c1: {  	v11 =	vadd.f32 v11, v59;
	_ =	sdelay $0x1  }
0x1c2: {  	[tilespmem:s13+$0xC8D0] =	vst v11  }
0x1c3: {  	v11 =	vld [tilespmem:$0x121E0]  }
0x1c4: {  	v12 =	vsub.f32 v60, v9  }
0x1c5: {  	v61 =	vld [tilespmem:$0x124E0]  }
0x1c6: {  	v12 =	vmul.f32 v12, v10;
	_ =	sdelay $0x1  }
0x1c7: {  	v11 =	vmul.f32 v12, v11  }
0x1c8: {  	v62 =	vld [tilespmem:s13+$0xC8F0]  }
0x1c9: {  	v11 =	vadd.f32 v11, v61;
	_ =	sdelay $0x1  }
0x1ca: {  	[tilespmem:s13+$0xC8E0] =	vst v11  }
0x1cb: {  	v11 =	vld [tilespmem:$0x121F0]  }
0x1cc: {  	v12 =	vsub.f32 v62, v9  }
0x1cd: {  	v63 =	vld [tilespmem:$0x124F0]  }
0x1ce: {  	v12 =	vmul.f32 v12, v10;
	_ =	sdelay $0x1  }
0x1cf: {  	v11 =	vmul.f32 v12, v11  }
0x1d0: {  	v16 =	vld [tilespmem:s13+$0xCC80]  }
0x1d1: {  	v11 =	vadd.f32 v11, v63;
	_ =	sdelay $0x1  }
0x1d2: {  	[tilespmem:s13+$0xC8F0] =	vst v11  }
0x1d3: {  	v11 =	vld [tilespmem:$0x12200]  }
0x1d4: {  	v12 =	vsub.f32 v16, v9  }
0x1d5: {  	v17 =	vld [tilespmem:$0x12500]  }
0x1d6: {  	v12 =	vmul.f32 v12, v10;
	_ =	sdelay $0x1  }
0x1d7: {  	v11 =	vmul.f32 v12, v11  }
0x1d8: {  	v18 =	vld [tilespmem:s13+$0xCC90]  }
0x1d9: {  	v11 =	vadd.f32 v11, v17;
	_ =	sdelay $0x1  }
0x1da: {  	[tilespmem:s13+$0xCC80] =	vst v11  }
0x1db: {  	v11 =	vld [tilespmem:$0x12210]  }
0x1dc: {  	v12 =	vsub.f32 v18, v9  }
0x1dd: {  	v19 =	vld [tilespmem:$0x12510]  }
0x1de: {  	v12 =	vmul.f32 v12, v10;
	_ =	sdelay $0x1  }
0x1df: {  	v11 =	vmul.f32 v12, v11  }
0x1e0: {  	v20 =	vld [tilespmem:s13+$0xCCA0]  }
0x1e1: {  	v11 =	vadd.f32 v11, v19;
	_ =	sdelay $0x1  }
0x1e2: {  	[tilespmem:s13+$0xCC90] =	vst v11  }
0x1e3: {  	v11 =	vld [tilespmem:$0x12220]  }
0x1e4: {  	v12 =	vsub.f32 v20, v9  }
0x1e5: {  	v21 =	vld [tilespmem:$0x12520]  }
0x1e6: {  	v12 =	vmul.f32 v12, v10;
	_ =	sdelay $0x1  }
0x1e7: {  	v11 =	vmul.f32 v12, v11  }
0x1e8: {  	v22 =	vld [tilespmem:s13+$0xCCB0]  }
0x1e9: {  	v11 =	vadd.f32 v11, v21;
	_ =	sdelay $0x1  }
0x1ea: {  	[tilespmem:s13+$0xCCA0] =	vst v11  }
0x1eb: {  	v11 =	vld [tilespmem:$0x12230]  }
0x1ec: {  	v12 =	vsub.f32 v22, v9  }
0x1ed: {  	v23 =	vld [tilespmem:$0x12530]  }
0x1ee: {  	v12 =	vmul.f32 v12, v10;
	_ =	sdelay $0x1  }
0x1ef: {  	v11 =	vmul.f32 v12, v11  }
0x1f0: {  	v24 =	vld [tilespmem:s13+$0xCCC0]  }
0x1f1: {  	v11 =	vadd.f32 v11, v23;
	_ =	sdelay $0x1  }
0x1f2: {  	[tilespmem:s13+$0xCCB0] =	vst v11  }
0x1f3: {  	v11 =	vld [tilespmem:$0x12240]  }
0x1f4: {  	v12 =	vsub.f32 v24, v9  }
0x1f5: {  	v25 =	vld [tilespmem:$0x12540]  }
0x1f6: {  	v12 =	vmul.f32 v12, v10;
	_ =	sdelay $0x1  }
0x1f7: {  	v11 =	vmul.f32 v12, v11  }
0x1f8: {  	v26 =	vld [tilespmem:s13+$0xCCD0]  }
0x1f9: {  	v11 =	vadd.f32 v11, v25;
	_ =	sdelay $0x1  }
0x1fa: {  	[tilespmem:s13+$0xCCC0] =	vst v11  }
0x1fb: {  	v11 =	vld [tilespmem:$0x12250]  }
0x1fc: {  	v12 =	vsub.f32 v26, v9  }
0x1fd: {  	v27 =	vld [tilespmem:$0x12550]  }
0x1fe: {  	v12 =	vmul.f32 v12, v10;
	_ =	sdelay $0x1  }
0x1ff: {  	v11 =	vmul.f32 v12, v11  }
0x200: {  	v28 =	vld [tilespmem:s13+$0xCCE0]  }
0x201: {  	v11 =	vadd.f32 v11, v27;
	_ =	sdelay $0x1  }
0x202: {  	[tilespmem:s13+$0xCCD0] =	vst v11  }
0x203: {  	v11 =	vld [tilespmem:$0x12260]  }
0x204: {  	v12 =	vsub.f32 v28, v9  }
0x205: {  	v29 =	vld [tilespmem:$0x12560]  }
0x206: {  	v12 =	vmul.f32 v12, v10;
	_ =	sdelay $0x1  }
0x207: {  	v11 =	vmul.f32 v12, v11  }
0x208: {  	v30 =	vld [tilespmem:s13+$0xCCF0]  }
0x209: {  	v11 =	vadd.f32 v11, v29;
	_ =	sdelay $0x1  }
0x20a: {  	[tilespmem:s13+$0xCCE0] =	vst v11  }
0x20b: {  	v11 =	vld [tilespmem:$0x12270]  }
0x20c: {  	v12 =	vsub.f32 v30, v9  }
0x20d: {  	v31 =	vld [tilespmem:$0x12570]  }
0x20e: {  	v12 =	vmul.f32 v12, v10;
	_ =	sdelay $0x1  }
0x20f: {  	v11 =	vmul.f32 v12, v11  }
0x210: {  	v32 =	vld [tilespmem:s13+$0xD080]  }
0x211: {  	v11 =	vadd.f32 v11, v31;
	_ =	sdelay $0x1  }
0x212: {  	[tilespmem:s13+$0xCCF0] =	vst v11  }
0x213: {  	v11 =	vld [tilespmem:$0x12280]  }
0x214: {  	v12 =	vsub.f32 v32, v9  }
0x215: {  	v33 =	vld [tilespmem:$0x12580]  }
0x216: {  	v12 =	vmul.f32 v12, v10;
	_ =	sdelay $0x1  }
0x217: {  	v11 =	vmul.f32 v12, v11  }
0x218: {  	v34 =	vld [tilespmem:s13+$0xD090]  }
0x219: {  	v11 =	vadd.f32 v11, v33;
	_ =	sdelay $0x1  }
0x21a: {  	[tilespmem:s13+$0xD080] =	vst v11  }
0x21b: {  	v11 =	vld [tilespmem:$0x12290]  }
0x21c: {  	v12 =	vsub.f32 v34, v9  }
0x21d: {  	v35 =	vld [tilespmem:$0x12590]  }
0x21e: {  	v12 =	vmul.f32 v12, v10;
	_ =	sdelay $0x1  }
0x21f: {  	v11 =	vmul.f32 v12, v11  }
0x220: {  	v36 =	vld [tilespmem:s13+$0xD0A0]  }
0x221: {  	v11 =	vadd.f32 v11, v35;
	_ =	sdelay $0x1  }
0x222: {  	[tilespmem:s13+$0xD090] =	vst v11  }
0x223: {  	v11 =	vld [tilespmem:$0x122A0]  }
0x224: {  	v12 =	vsub.f32 v36, v9  }
0x225: {  	v37 =	vld [tilespmem:$0x125A0]  }
0x226: {  	v12 =	vmul.f32 v12, v10;
	_ =	sdelay $0x1  }
0x227: {  	v11 =	vmul.f32 v12, v11  }
0x228: {  	v38 =	vld [tilespmem:s13+$0xD0B0]  }
0x229: {  	v11 =	vadd.f32 v11, v37;
	_ =	sdelay $0x1  }
0x22a: {  	[tilespmem:s13+$0xD0A0] =	vst v11  }
0x22b: {  	v11 =	vld [tilespmem:$0x122B0]  }
0x22c: {  	v12 =	vsub.f32 v38, v9  }
0x22d: {  	v39 =	vld [tilespmem:$0x125B0]  }
0x22e: {  	v12 =	vmul.f32 v12, v10;
	_ =	sdelay $0x1  }
0x22f: {  	v11 =	vmul.f32 v12, v11  }
0x230: {  	v40 =	vld [tilespmem:s13+$0xD0C0]  }
0x231: {  	v11 =	vadd.f32 v11, v39;
	_ =	sdelay $0x1  }
0x232: {  	[tilespmem:s13+$0xD0B0] =	vst v11  }
0x233: {  	v11 =	vld [tilespmem:$0x122C0]  }
0x234: {  	v12 =	vsub.f32 v40, v9  }
0x235: {  	v41 =	vld [tilespmem:$0x125C0]  }
0x236: {  	v12 =	vmul.f32 v12, v10;
	_ =	sdelay $0x1  }
0x237: {  	v11 =	vmul.f32 v12, v11  }
0x238: {  	v42 =	vld [tilespmem:s13+$0xD0D0]  }
0x239: {  	v11 =	vadd.f32 v11, v41;
	_ =	sdelay $0x1  }
0x23a: {  	[tilespmem:s13+$0xD0C0] =	vst v11  }
0x23b: {  	v11 =	vld [tilespmem:$0x122D0]  }
0x23c: {  	v12 =	vsub.f32 v42, v9  }
0x23d: {  	v43 =	vld [tilespmem:$0x125D0]  }
0x23e: {  	v12 =	vmul.f32 v12, v10;
	_ =	sdelay $0x1  }
0x23f: {  	v11 =	vmul.f32 v12, v11  }
0x240: {  	v44 =	vld [tilespmem:s13+$0xD0E0]  }
0x241: {  	v11 =	vadd.f32 v11, v43;
	_ =	sdelay $0x1  }
0x242: {  	[tilespmem:s13+$0xD0D0] =	vst v11  }
0x243: {  	v11 =	vld [tilespmem:$0x122E0]  }
0x244: {  	v12 =	vsub.f32 v44, v9  }
0x245: {  	v45 =	vld [tilespmem:$0x125E0]  }
0x246: {  	v12 =	vmul.f32 v12, v10;
	_ =	sdelay $0x1  }
0x247: {  	v11 =	vmul.f32 v12, v11  }
0x248: {  	v46 =	vld [tilespmem:s13+$0xD0F0]  }
0x249: {  	v11 =	vadd.f32 v11, v45;
	_ =	sdelay $0x1  }
0x24a: {  	[tilespmem:s13+$0xD0E0] =	vst v11  }
0x24b: {  	v11 =	vld [tilespmem:$0x122F0]  }
0x24c: {  	v12 =	vsub.f32 v46, v9  }
0x24d: {  	v47 =	vld [tilespmem:$0x125F0]  }
0x24e: {  	v12 =	vmul.f32 v12, v10;
	_ =	sdelay $0x1  }
0x24f: {  	v11 =	vmul.f32 v12, v11  }
0x250: {  	v48 =	vld [tilespmem:s13+$0xD480]  }
0x251: {  	v11 =	vadd.f32 v11, v47;
	_ =	sdelay $0x1  }
0x252: {  	[tilespmem:s13+$0xD0F0] =	vst v11  }
0x253: {  	v11 =	vld [tilespmem:$0x12300]  }
0x254: {  	v12 =	vsub.f32 v48, v9  }
0x255: {  	v49 =	vld [tilespmem:$0x12600]  }
0x256: {  	v12 =	vmul.f32 v12, v10;
	_ =	sdelay $0x1  }
0x257: {  	v11 =	vmul.f32 v12, v11  }
0x258: {  	v50 =	vld [tilespmem:s13+$0xD490]  }
0x259: {  	v11 =	vadd.f32 v11, v49;
	_ =	sdelay $0x1  }
0x25a: {  	[tilespmem:s13+$0xD480] =	vst v11  }
0x25b: {  	v11 =	vld [tilespmem:$0x12310]  }
0x25c: {  	v12 =	vsub.f32 v50, v9  }
0x25d: {  	v51 =	vld [tilespmem:$0x12610]  }
0x25e: {  	v12 =	vmul.f32 v12, v10;
	_ =	sdelay $0x1  }
0x25f: {  	v11 =	vmul.f32 v12, v11  }
0x260: {  	v52 =	vld [tilespmem:s13+$0xD4A0]  }
0x261: {  	v11 =	vadd.f32 v11, v51;
	_ =	sdelay $0x1  }
0x262: {  	[tilespmem:s13+$0xD490] =	vst v11  }
0x263: {  	v11 =	vld [tilespmem:$0x12320]  }
0x264: {  	v12 =	vsub.f32 v52, v9  }
0x265: {  	v53 =	vld [tilespmem:$0x12620]  }
0x266: {  	v12 =	vmul.f32 v12, v10;
	_ =	sdelay $0x1  }
0x267: {  	v11 =	vmul.f32 v12, v11  }
0x268: {  	v54 =	vld [tilespmem:s13+$0xD4B0]  }
0x269: {  	v11 =	vadd.f32 v11, v53;
	_ =	sdelay $0x1  }
0x26a: {  	[tilespmem:s13+$0xD4A0] =	vst v11  }
0x26b: {  	v11 =	vld [tilespmem:$0x12330]  }
0x26c: {  	v12 =	vsub.f32 v54, v9  }
0x26d: {  	v55 =	vld [tilespmem:$0x12630]  }
0x26e: {  	v12 =	vmul.f32 v12, v10;
	_ =	sdelay $0x1  }
0x26f: {  	v11 =	vmul.f32 v12, v11  }
0x270: {  	v56 =	vld [tilespmem:s13+$0xD4C0]  }
0x271: {  	v11 =	vadd.f32 v11, v55;
	_ =	sdelay $0x1  }
0x272: {  	[tilespmem:s13+$0xD4B0] =	vst v11  }
0x273: {  	v11 =	vld [tilespmem:$0x12340]  }
0x274: {  	v12 =	vsub.f32 v56, v9  }
0x275: {  	v57 =	vld [tilespmem:$0x12640]  }
0x276: {  	v12 =	vmul.f32 v12, v10;
	_ =	sdelay $0x1  }
0x277: {  	v11 =	vmul.f32 v12, v11  }
0x278: {  	v58 =	vld [tilespmem:s13+$0xD4D0]  }
0x279: {  	v11 =	vadd.f32 v11, v57;
	_ =	sdelay $0x1  }
0x27a: {  	[tilespmem:s13+$0xD4C0] =	vst v11  }
0x27b: {  	v11 =	vld [tilespmem:$0x12350]  }
0x27c: {  	v12 =	vsub.f32 v58, v9  }
0x27d: {  	v59 =	vld [tilespmem:$0x12650]  }
0x27e: {  	v12 =	vmul.f32 v12, v10;
	_ =	sdelay $0x1  }
0x27f: {  	v11 =	vmul.f32 v12, v11  }
0x280: {  	v60 =	vld [tilespmem:s13+$0xD4E0]  }
0x281: {  	v11 =	vadd.f32 v11, v59;
	_ =	sdelay $0x1  }
0x282: {  	[tilespmem:s13+$0xD4D0] =	vst v11  }
0x283: {  	v11 =	vld [tilespmem:$0x12360]  }
0x284: {  	v12 =	vsub.f32 v60, v9  }
0x285: {  	v61 =	vld [tilespmem:$0x12660]  }
0x286: {  	v12 =	vmul.f32 v12, v10;
	_ =	sdelay $0x1  }
0x287: {  	v11 =	vmul.f32 v12, v11  }
0x288: {  	v62 =	vld [tilespmem:s13+$0xD4F0]  }
0x289: {  	v11 =	vadd.f32 v11, v61;
	_ =	sdelay $0x1  }
0x28a: {  	[tilespmem:s13+$0xD4E0] =	vst v11  }
0x28b: {  	v11 =	vld [tilespmem:$0x12370]  }
0x28c: {  	v9 =	vsub.f32 v62, v9  }
0x28d: {  	v63 =	vld [tilespmem:$0x12670]  }
0x28e: {  	v9 =	vmul.f32 v9, v10  }
0x28f: {  	p1 =	sne.s32 s3, $0x1F  }
.Ltmp0:
0x290: {  	v9 =	vmul.f32 v9, v11;
	(pc) =	sbr.rel @p1 .LBB2_3-.Ltmp0, $3  }
0x291: {  	_ = 	snop  }
0x292: {  	v9 =	vadd.f32 v9, v63;
	_ =	sdelay $0x1  }
0x293: {  	s7 =	sadd.s32 $0x80, s7;
	s3 =	sadd.s32 $0x1, s3;
	[tilespmem:s13+$0xD4F0] =	vst v9  }
.Ltmp1:
0x294: {  	s2 =	sadd.s32 s8, s2;
	(pc) =	sbr.rel @p0 .LBB2_2-.Ltmp1, $4  }
0x295: {  	[hbm4b:s2+s4] =	stream.linear.scatter [tilespmem:s31], [sflag:$0x2], $0x6000, $0x38;
	[tilespmem:$0x12680] =	vst v63  }
0x296: {  	_ =	swait.ge [sflag:s14], $0x6000  }
0x297: {  	[sflag:s14] =	ssyncset.done $0x0  }
0x298: {  	p1 =	por $0x0, $0x0;
	s2 =	simm.s32 $0x4;
	[sflag:s14] =	ssyncadd.s32 $0xFFFFA000  }
0x299: {  	s0 =	sadd.s32 $0x1, s0  }
0x29a: {  	p0 =	sne.s32 s0, s12  }
.Ltmp2:
0x29b: {  	_ = 	snop;
	(pc) =	sbr.rel @p0 .LBB2_1-.Ltmp2, $1  }
0x29c: {  	_ =	sdelay $0x3  }
0x29d: {  	_ =	sfence.sel $0x180000  }
0x29e: {  	[bflag:$0x0] =	sbarrier.arrive $0xFFFF  }
0x29f: {  	_ =	strace $0x90000047  }
0x2a0: {  	s0 =	stileid.u32;
	[bflag:$0x2] =	sbarrier.arrive $0xFFFF  }
0x2a1: {  	p0 =	sne.s32 s0, $0x0;
	s0 =	rddreg [dreg:$0x4]  }
0x2a2: {  	s0 =	sadd.s32 @!p0 $0x100000, s0  }
0x2a3: {  	[sflag:s0] =	ssyncadd.tile.s32 @!p0 $0x1;
	_ =	shalt  }
.Lfunc_end2:
_tile_overlayer_lowered:
.L_overlay_start_2:
0x2a4: {  	(tag) =	ssettag $0x2  }
0x2a5: {  	s0 =	rddreg [dreg:$0x0];
	s2 =	stileid.u32  }
0x2a6: {  	s1 =	rddreg [dreg:$0x1];
	p0 =	sne.s32 s2, $0x0  }
0x2a7: {  	s3 =	rddreg [dreg:$0x2];
	[bflag:$0x3] =	sbarrier.arrive $0xFFFF;
	s2 =	simm.s32 @!p0 $0x1C02  }
0x2a8: {  	[timem:s3], [sflag:s2] =	dma.local @!p0 [hbm:s0], s1  }
0x2a9: {  	s0 =	simm.s32 @!p0 $0x2  }
0x2aa: {  	_ =	swait.ge @!p0 [sflag:s0], s1  }
0x2ab: {  	s1 =	ssub.s32 @!p0 $0x0, s1;
	[sflag:s0] =	ssyncset.done @!p0 $0x0  }
0x2ac: {  	[sflag:s0] =	ssyncadd.s32 @!p0 s1  }
0x2ad: {  	[bflag:$0x3] =	sbarrier.arrive $0xFFFF  }
0x2ae: {  	_ =	shalt  }

</sc_bundles>
